<compile_context>
chip_gen: v7x
topology: tpu7x:2x2x1
jax: 0.10.2.dev20260603
libtpu: 0.0.44.dev20260713+nightly
codegen_flags: <defaults>
</compile_context>

<pallas_src>
import functools

import jax
import jax.numpy as jnp
from jax import lax
from jax.experimental import pallas as pl
from jax.experimental.pallas import tpu as pltpu
from jax.experimental.pallas import tpu_sc as plsc

N_NODES = 10000
N_EDGES = 320000
D = 128

NC = 2
NS = 16
NW = NC * NS
EPT = N_EDGES // NW
K = 40
CH = EPT // K
NB = 4
NGRP = CH // NB
NPAD = 10240
RPT = NPAD // NS
DW = 8

_mesh = plsc.VectorSubcoreMesh(core_axis_name="c", subcore_axis_name="s")


@functools.partial(
    pl.kernel,
    out_type=[
        jax.ShapeDtypeStruct((NC, NPAD, D), jnp.float32),
        jax.ShapeDtypeStruct((NC, NPAD, D), jnp.float32),
    ],
    mesh=_mesh,
    scratch_types=[
        pltpu.VMEM((EPT,), jnp.int32),
        pltpu.VMEM((EPT,), jnp.int32),
        pltpu.VMEM((NB, K, D), jnp.float32),
        pltpu.VMEM((K, DW), jnp.float32),
        pltpu.VMEM((K, DW), jnp.float32),
        pltpu.VMEM_SHARED((NPAD, D), jnp.float32),
        pltpu.VMEM_SHARED((NPAD, DW), jnp.float32),
    ] + [pltpu.SemaphoreType.DMA] * (3 * NB),
    compiler_params=pltpu.CompilerParams(use_tc_tiling_on_sc=False),
)
def _sc_aggregate(x_hbm, ei_hbm, out_sum, out_deg,
                  idx_s, idx_d, rows, ones_v, zdeg,
                  acc_sh, deg_sh, *sems):
    cid = lax.axis_index("c")
    sid = lax.axis_index("s")
    wid = cid * NS + sid

    z16 = jnp.zeros((16,), jnp.float32)
    o8 = jnp.ones((DW,), jnp.float32)
    z8 = jnp.zeros((DW,), jnp.float32)

    def _zrow(r, _):
        for c in range(D // 16):
            rows[0, r, pl.ds(c * 16, 16)] = z16
        ones_v[r, :] = o8
        zdeg[r, :] = z8
        return 0

    lax.fori_loop(0, K, _zrow, 0)

    gsems = sems[0:NB]
    ssems = sems[NB:2 * NB]
    dsems = sems[2 * NB:3 * NB]

    zw = []
    for b in range(RPT // K):
        zw.append(pltpu.async_copy(
            rows.at[0], acc_sh.at[pl.ds(sid * RPT + b * K, K)],
            gsems[b % 2]))
        zw.append(pltpu.async_copy(
            zdeg, deg_sh.at[pl.ds(sid * RPT + b * K, K)],
            dsems[b % 2]))
    zw.append(pltpu.async_copy(ei_hbm.at[0, pl.ds(wid * EPT, EPT)], idx_s,
                               gsems[2]))
    zw.append(pltpu.async_copy(ei_hbm.at[1, pl.ds(wid * EPT, EPT)], idx_d,
                               gsems[3]))
    for h in zw:
        h.wait()
    plsc.subcore_barrier()

    def _start_gather(j, b):
        pltpu.async_copy(x_hbm.at[idx_s.at[pl.ds(j * K, K)]], rows.at[b],
                         gsems[b])

    def _wait_gather(j, b):
        pltpu.make_async_copy(x_hbm.at[idx_s.at[pl.ds(j * K, K)]],
                              rows.at[b], gsems[b]).wait()

    def _start_scatter(j, b):
        pltpu.async_copy(rows.at[b], acc_sh.at[idx_d.at[pl.ds(j * K, K)]],
                         ssems[b], add=True)
        pltpu.async_copy(ones_v, deg_sh.at[idx_d.at[pl.ds(j * K, K)]],
                         dsems[b], add=True)

    def _wait_scatter(j, b):
        pltpu.make_async_copy(rows.at[b], acc_sh.at[idx_d.at[pl.ds(j * K, K)]],
                              ssems[b]).wait()
        pltpu.make_async_copy(ones_v, deg_sh.at[idx_d.at[pl.ds(j * K, K)]],
                              dsems[b]).wait()

    def _grp(t, peeled):
        c0 = NB * t
        for i in range(NB):
            j = c0 + i
            jn = j + 2
            bn = (i + 2) % NB
            if not peeled or i >= 2:
                _wait_scatter(jn - NB, bn)
            _start_gather(jn, bn)
            _wait_gather(j, i)
            _start_scatter(j, i)
        return 0

    _start_gather(0, 0)
    _start_gather(1, 1)
    _grp(0, True)
    lax.fori_loop(1, NGRP, lambda t, c: _grp(t, False), 0)
    _wait_scatter(CH - 4, (CH - 4) % NB)
    _wait_scatter(CH - 3, (CH - 3) % NB)
    for j in (CH - 2, CH - 1):
        _wait_gather(j, j % NB)
        _start_scatter(j, j % NB)
    for j in (CH - 2, CH - 1):
        _wait_scatter(j, j % NB)
    plsc.subcore_barrier()

    h1 = pltpu.async_copy(acc_sh.at[pl.ds(sid * RPT, RPT)],
                          out_sum.at[cid, pl.ds(sid * RPT, RPT)], gsems[0])
    h2 = pltpu.async_copy(deg_sh.at[pl.ds(sid * RPT, RPT)],
                          out_deg.at[cid, pl.ds(sid * RPT, RPT), pl.ds(0, DW)],
                          gsems[1])
    h1.wait()
    h2.wait()


_R = 2000


def _tc_body(x_ref, ps_ref, pd_ref, w_ref, b_ref, out_ref):
    s = ps_ref[0] + ps_ref[1]
    d = pd_ref[0, :, 0:1] + pd_ref[1, :, 0:1]
    agg = s / jnp.maximum(d, 1.0)
    h = jnp.dot(x_ref[...], w_ref[0:D, :], preferred_element_type=jnp.float32)
    h += jnp.dot(agg, w_ref[D:2 * D, :], preferred_element_type=jnp.float32)
    nrm = jnp.sqrt(jnp.sum(h * h, axis=1, keepdims=True))
    out_ref[...] = h / jnp.maximum(nrm, 1e-12) + b_ref[...]


_tc_finish = pl.pallas_call(
    _tc_body,
    grid=(N_NODES // _R,),
    in_specs=[
        pl.BlockSpec((_R, D), lambda i: (i, 0)),
        pl.BlockSpec((NC, _R, D), lambda i: (0, i, 0)),
        pl.BlockSpec((NC, _R, D), lambda i: (0, i, 0)),
        pl.BlockSpec((2 * D, D), lambda i: (0, 0)),
        pl.BlockSpec((1, D), lambda i: (0, 0)),
    ],
    out_specs=pl.BlockSpec((_R, D), lambda i: (i, 0)),
    out_shape=jax.ShapeDtypeStruct((N_NODES, D), jnp.float32),
)


def kernel(x, edge_index, weight, bias):
    psum, pdeg = _sc_aggregate(x, edge_index)
    return _tc_finish(x, psum, pdeg, weight, bias.reshape(1, D))

# --- scband reference (transcript-rebuilt; emitter-appended) ---
"""Pipeline reference for scband-sageconv-14886356648743 (READ-ONLY COPY).

The authoritative reference and input builder live on the scoring server;
editing this copy changes nothing except your own understanding.
"""

import jax, jax.numpy as jnp
import numpy as np

N_NODES = 10000
N_EDGES = 320000
D_IN = 128
D_OUT = 128


def setup_inputs(seed: int = 0) -> dict:
    key = jax.random.key(seed)
    k1, k2, k3, k4 = jax.random.split(key, 4)
    x = jax.random.normal(k1, (N_NODES, D_IN), dtype=jnp.float32)
    edge_index = jax.random.randint(k2, (2, N_EDGES), 0, N_NODES)
    # learned params per init_kwargs: weight maps cat([x, agg]) -> out_channels
    weight = jax.random.normal(k3, (2 * D_IN, D_OUT), dtype=jnp.float32) * 0.05
    bias = jax.random.normal(k4, (D_OUT,), dtype=jnp.float32) * 0.05
    return {"x": x, "edge_index": edge_index, "weight": weight, "bias": bias}


def reference(x, edge_index, weight, bias):
    N = x.shape[0]
    src = edge_index[0]
    dst = edge_index[1]
    # GraphSAGE mean aggregation: gather neighbor features, scatter-add by dst, divide by degree
    msgs = jnp.take(x, src, axis=0)
    summed = jax.ops.segment_sum(msgs, dst, num_segments=N)
    deg = jax.ops.segment_sum(jnp.ones((src.shape[0],), dtype=x.dtype), dst, num_segments=N)
    agg = summed / jnp.maximum(deg, 1.0)[:, None]
    out = jnp.concatenate([x, agg], axis=-1)
    out = jnp.matmul(out, weight)
    norm = jnp.linalg.norm(out, ord=2, axis=-1, keepdims=True)
    out = out / jnp.maximum(norm, 1e-12)
    out = out + bias
    return out

if __name__ == "__main__":
    import jax
    _d = setup_inputs()
    print(jax.jit(kernel)(*tuple(_d.values())))

</pallas_src>

<mosaic_0001>
#map = affine_map<(d0, d1) -> (0, 0)>
#map1 = affine_map<(d0, d1) -> (0, 0, 0)>
module attributes {stable_mosaic.version = 14 : i64} {
  func.func @_sc_aggregate(%arg0: i32, %arg1: i32, %arg2: memref<10000x128xf32, #tpu.memory_space<hbm>>, %arg3: memref<2x320000xi32, #tpu.memory_space<hbm>>, %arg4: memref<2x10240x128xf32, #tpu.memory_space<hbm>>, %arg5: memref<2x10240x128xf32, #tpu.memory_space<hbm>>, %arg6: memref<10000xi32, #tpu.memory_space<vmem>>, %arg7: memref<10000xi32, #tpu.memory_space<vmem>>, %arg8: memref<4x40x128xf32, #tpu.memory_space<vmem>>, %arg9: memref<40x8xf32, #tpu.memory_space<vmem>>, %arg10: memref<40x8xf32, #tpu.memory_space<vmem>>, %arg11: memref<10240x128xf32, #tpu.memory_space<vmem_shared>>, %arg12: memref<10240x8xf32, #tpu.memory_space<vmem_shared>>, %arg13: memref<!tpu.dma_semaphore, #tpu.memory_space<semaphore_mem>>, %arg14: memref<!tpu.dma_semaphore, #tpu.memory_space<semaphore_mem>>, %arg15: memref<!tpu.dma_semaphore, #tpu.memory_space<semaphore_mem>>, %arg16: memref<!tpu.dma_semaphore, #tpu.memory_space<semaphore_mem>>, %arg17: memref<!tpu.dma_semaphore, #tpu.memory_space<semaphore_mem>>, %arg18: memref<!tpu.dma_semaphore, #tpu.memory_space<semaphore_mem>>, %arg19: memref<!tpu.dma_semaphore, #tpu.memory_space<semaphore_mem>>, %arg20: memref<!tpu.dma_semaphore, #tpu.memory_space<semaphore_mem>>, %arg21: memref<!tpu.dma_semaphore, #tpu.memory_space<semaphore_mem>>, %arg22: memref<!tpu.dma_semaphore, #tpu.memory_space<semaphore_mem>>, %arg23: memref<!tpu.dma_semaphore, #tpu.memory_space<semaphore_mem>>, %arg24: memref<!tpu.dma_semaphore, #tpu.memory_space<semaphore_mem>>) attributes {dimension_semantics = [#tpu.dimension_semantics<core_parallel>, #tpu.dimension_semantics<subcore_parallel>], iteration_bounds = array<i64: 2, 16>, scalar_prefetch = 0 : i64, scratch_operands = 19 : i64, tpu.core_type = #tpu.core_type<sc_vector_subcore>, window_params = [{transform_indices = #map}, {transform_indices = #map}, {transform_indices = #map1}, {transform_indices = #map1}]} {
    %mul3A = arith.constant 16 : i32
    %mul3A_0 = arith.muli %arg0, %mul3A : i32
    %add3A = arith.addi %mul3A_0, %arg1 : i32
    %broadcast_in_dim3A = arith.constant 0.000000e+00 : f32
    %broadcast_in_dim3A_1 = vector.broadcast %broadcast_in_dim3A : f32 to vector<16xf32>
    %broadcast_in_dim3A_2 = arith.constant 1.000000e+00 : f32
    %broadcast_in_dim3A_3 = vector.broadcast %broadcast_in_dim3A_2 : f32 to vector<8xf32>
    %broadcast_in_dim3A_4 = arith.constant 0.000000e+00 : f32
    %broadcast_in_dim3A_5 = vector.broadcast %broadcast_in_dim3A_4 : f32 to vector<8xf32>
    %scan3A = arith.constant 0 : i32
    %scan3A_6 = arith.constant 0 : i32
    %scan3A_7 = arith.constant 40 : i32
    %scan3A_8 = arith.addi %scan3A_6, %scan3A_7 : i32
    %scan3A_9 = arith.constant 1 : i32
    %scan3A_10 = scf.for %scan3A_1042 = %scan3A_6 to %scan3A_8 step %scan3A_9 iter_args(%scan3A_1043 = %scan3A) -> (i32)  : i32 {
      %swap3A = arith.constant 0 : i32
      %swap3A_1044 = arith.index_cast %swap3A : i32 to index
      %swap3A_1045 = arith.index_cast %scan3A_1042 : i32 to index
      %swap3A_1046 = arith.constant 0 : index
      %swap3A_1047 = tpu.vector_load %arg8[%swap3A_1044, %swap3A_1045, %swap3A_1046] {strides = array<i32>} : memref<4x40x128xf32, #tpu.memory_space<vmem>>, vector<1x1x16xf32>,
      %swap3A_1048 = vector.shape_cast %swap3A_1047 : vector<1x1x16xf32> to vector<16xf32>
      %swap3A_1049 = vector.shape_cast %broadcast_in_dim3A_1 : vector<16xf32> to vector<1x1x16xf32>
      tpu.vector_store %arg8[%swap3A_1044, %swap3A_1045, %swap3A_1046], %swap3A_1049 {strides = array<i32>} : memref<4x40x128xf32, #tpu.memory_space<vmem>>, vector<1x1x16xf32>,
      %swap3A_1050 = arith.constant 0 : i32
      %swap3A_1051 = arith.index_cast %swap3A_1050 : i32 to index
      %swap3A_1052 = arith.index_cast %scan3A_1042 : i32 to index
      %swap3A_1053 = arith.constant 16 : index
      %swap3A_1054 = tpu.vector_load %arg8[%swap3A_1051, %swap3A_1052, %swap3A_1053] {strides = array<i32>} : memref<4x40x128xf32, #tpu.memory_space<vmem>>, vector<1x1x16xf32>,
      %swap3A_1055 = vector.shape_cast %swap3A_1054 : vector<1x1x16xf32> to vector<16xf32>
      %swap3A_1056 = vector.shape_cast %broadcast_in_dim3A_1 : vector<16xf32> to vector<1x1x16xf32>
      tpu.vector_store %arg8[%swap3A_1051, %swap3A_1052, %swap3A_1053], %swap3A_1056 {strides = array<i32>} : memref<4x40x128xf32, #tpu.memory_space<vmem>>, vector<1x1x16xf32>,
      %swap3A_1057 = arith.constant 0 : i32
      %swap3A_1058 = arith.index_cast %swap3A_1057 : i32 to index
      %swap3A_1059 = arith.index_cast %scan3A_1042 : i32 to index
      %swap3A_1060 = arith.constant 32 : index
      %swap3A_1061 = tpu.vector_load %arg8[%swap3A_1058, %swap3A_1059, %swap3A_1060] {strides = array<i32>} : memref<4x40x128xf32, #tpu.memory_space<vmem>>, vector<1x1x16xf32>,
      %swap3A_1062 = vector.shape_cast %swap3A_1061 : vector<1x1x16xf32> to vector<16xf32>
      %swap3A_1063 = vector.shape_cast %broadcast_in_dim3A_1 : vector<16xf32> to vector<1x1x16xf32>
      tpu.vector_store %arg8[%swap3A_1058, %swap3A_1059, %swap3A_1060], %swap3A_1063 {strides = array<i32>} : memref<4x40x128xf32, #tpu.memory_space<vmem>>, vector<1x1x16xf32>,
      %swap3A_1064 = arith.constant 0 : i32
      %swap3A_1065 = arith.index_cast %swap3A_1064 : i32 to index
      %swap3A_1066 = arith.index_cast %scan3A_1042 : i32 to index
      %swap3A_1067 = arith.constant 48 : index
      %swap3A_1068 = tpu.vector_load %arg8[%swap3A_1065, %swap3A_1066, %swap3A_1067] {strides = array<i32>} : memref<4x40x128xf32, #tpu.memory_space<vmem>>, vector<1x1x16xf32>,
      %swap3A_1069 = vector.shape_cast %swap3A_1068 : vector<1x1x16xf32> to vector<16xf32>
      %swap3A_1070 = vector.shape_cast %broadcast_in_dim3A_1 : vector<16xf32> to vector<1x1x16xf32>
      tpu.vector_store %arg8[%swap3A_1065, %swap3A_1066, %swap3A_1067], %swap3A_1070 {strides = array<i32>} : memref<4x40x128xf32, #tpu.memory_space<vmem>>, vector<1x1x16xf32>,
      %swap3A_1071 = arith.constant 0 : i32
      %swap3A_1072 = arith.index_cast %swap3A_1071 : i32 to index
      %swap3A_1073 = arith.index_cast %scan3A_1042 : i32 to index
      %swap3A_1074 = arith.constant 64 : index
      %swap3A_1075 = tpu.vector_load %arg8[%swap3A_1072, %swap3A_1073, %swap3A_1074] {strides = array<i32>} : memref<4x40x128xf32, #tpu.memory_space<vmem>>, vector<1x1x16xf32>,
      %swap3A_1076 = vector.shape_cast %swap3A_1075 : vector<1x1x16xf32> to vector<16xf32>
      %swap3A_1077 = vector.shape_cast %broadcast_in_dim3A_1 : vector<16xf32> to vector<1x1x16xf32>
      tpu.vector_store %arg8[%swap3A_1072, %swap3A_1073, %swap3A_1074], %swap3A_1077 {strides = array<i32>} : memref<4x40x128xf32, #tpu.memory_space<vmem>>, vector<1x1x16xf32>,
      %swap3A_1078 = arith.constant 0 : i32
      %swap3A_1079 = arith.index_cast %swap3A_1078 : i32 to index
      %swap3A_1080 = arith.index_cast %scan3A_1042 : i32 to index
      %swap3A_1081 = arith.constant 80 : index
      %swap3A_1082 = tpu.vector_load %arg8[%swap3A_1079, %swap3A_1080, %swap3A_1081] {strides = array<i32>} : memref<4x40x128xf32, #tpu.memory_space<vmem>>, vector<1x1x16xf32>,
      %swap3A_1083 = vector.shape_cast %swap3A_1082 : vector<1x1x16xf32> to vector<16xf32>
      %swap3A_1084 = vector.shape_cast %broadcast_in_dim3A_1 : vector<16xf32> to vector<1x1x16xf32>
      tpu.vector_store %arg8[%swap3A_1079, %swap3A_1080, %swap3A_1081], %swap3A_1084 {strides = array<i32>} : memref<4x40x128xf32, #tpu.memory_space<vmem>>, vector<1x1x16xf32>,
      %swap3A_1085 = arith.constant 0 : i32
      %swap3A_1086 = arith.index_cast %swap3A_1085 : i32 to index
      %swap3A_1087 = arith.index_cast %scan3A_1042 : i32 to index
      %swap3A_1088 = arith.constant 96 : index
      %swap3A_1089 = tpu.vector_load %arg8[%swap3A_1086, %swap3A_1087, %swap3A_1088] {strides = array<i32>} : memref<4x40x128xf32, #tpu.memory_space<vmem>>, vector<1x1x16xf32>,
      %swap3A_1090 = vector.shape_cast %swap3A_1089 : vector<1x1x16xf32> to vector<16xf32>
      %swap3A_1091 = vector.shape_cast %broadcast_in_dim3A_1 : vector<16xf32> to vector<1x1x16xf32>
      tpu.vector_store %arg8[%swap3A_1086, %swap3A_1087, %swap3A_1088], %swap3A_1091 {strides = array<i32>} : memref<4x40x128xf32, #tpu.memory_space<vmem>>, vector<1x1x16xf32>,
      %swap3A_1092 = arith.constant 0 : i32
      %swap3A_1093 = arith.index_cast %swap3A_1092 : i32 to index
      %swap3A_1094 = arith.index_cast %scan3A_1042 : i32 to index
      %swap3A_1095 = arith.constant 112 : index
      %swap3A_1096 = tpu.vector_load %arg8[%swap3A_1093, %swap3A_1094, %swap3A_1095] {strides = array<i32>} : memref<4x40x128xf32, #tpu.memory_space<vmem>>, vector<1x1x16xf32>,
      %swap3A_1097 = vector.shape_cast %swap3A_1096 : vector<1x1x16xf32> to vector<16xf32>
      %swap3A_1098 = vector.shape_cast %broadcast_in_dim3A_1 : vector<16xf32> to vector<1x1x16xf32>
      tpu.vector_store %arg8[%swap3A_1093, %swap3A_1094, %swap3A_1095], %swap3A_1098 {strides = array<i32>} : memref<4x40x128xf32, #tpu.memory_space<vmem>>, vector<1x1x16xf32>,
      %swap3A_1099 = arith.index_cast %scan3A_1042 : i32 to index
      %swap3A_1100 = arith.constant 0 : index
      %swap3A_1101 = tpu.vector_load %arg9[%swap3A_1099, %swap3A_1100] {strides = array<i32>} : memref<40x8xf32, #tpu.memory_space<vmem>>, vector<1x8xf32>,
      %swap3A_1102 = vector.shape_cast %swap3A_1101 : vector<1x8xf32> to vector<8xf32>
      %swap3A_1103 = vector.shape_cast %broadcast_in_dim3A_3 : vector<8xf32> to vector<1x8xf32>
      tpu.vector_store %arg9[%swap3A_1099, %swap3A_1100], %swap3A_1103 {strides = array<i32>} : memref<40x8xf32, #tpu.memory_space<vmem>>, vector<1x8xf32>,
      %swap3A_1104 = arith.index_cast %scan3A_1042 : i32 to index
      %swap3A_1105 = arith.constant 0 : index
      %swap3A_1106 = tpu.vector_load %arg10[%swap3A_1104, %swap3A_1105] {strides = array<i32>} : memref<40x8xf32, #tpu.memory_space<vmem>>, vector<1x8xf32>,
      %swap3A_1107 = vector.shape_cast %swap3A_1106 : vector<1x8xf32> to vector<8xf32>
      %swap3A_1108 = vector.shape_cast %broadcast_in_dim3A_5 : vector<8xf32> to vector<1x8xf32>
      tpu.vector_store %arg10[%swap3A_1104, %swap3A_1105], %swap3A_1108 {strides = array<i32>} : memref<40x8xf32, #tpu.memory_space<vmem>>, vector<1x8xf32>,
      %scan3A_1109 = arith.constant 0 : i32
      scf.yield %scan3A_1109 : i32
    }
    %scan3A_11 = arith.constant 40 : i32
    %mul3A_12 = arith.constant 640 : i32
    %mul3A_13 = arith.muli %arg1, %mul3A_12 : i32
    %add3A_14 = arith.constant 0 : i32
    %add3A_15 = arith.addi %mul3A_13, %add3A_14 : i32
    %dma_start3A = arith.constant 0 : i32
    %dma_start3A_16 = arith.constant 0 : i32
    %dma_start3A_17 = arith.constant 0 : i32
    %dma_start3A_18 = tpu.memref_slice %arg8[%dma_start3A, %dma_start3A_16, %dma_start3A_17] : memref<4x40x128xf32, #tpu.memory_space<vmem>> -> memref<1x40x128xf32, #tpu.memory_space<vmem>>
    %dma_start3A_19 = tpu.memref_squeeze %dma_start3A_18 : memref<1x40x128xf32, #tpu.memory_space<vmem>> -> memref<40x128xf32, #tpu.memory_space<vmem>>
    %dma_start3A_20 = arith.constant 0 : i32
    %dma_start3A_21 = tpu.memref_slice %arg11[%add3A_15, %dma_start3A_20] : memref<10240x128xf32, #tpu.memory_space<vmem_shared>> -> memref<40x128xf32, #tpu.memory_space<vmem_shared>>
    %dma_start3A_22 = arith.constant 0 : i32
    %dma_start3A_23 = tpu.memref_slice %arg11[%add3A_15, %dma_start3A_22] : memref<10240x128xf32, #tpu.memory_space<vmem_shared>> -> memref<40x128xf32, #tpu.memory_space<vmem_shared>>
    %dma_start3A_24 = arith.constant 0 : i32
    %dma_start3A_25 = arith.constant 0 : i32
    %dma_start3A_26 = tpu.memref_slice %arg8[%dma_start3A, %dma_start3A_24, %dma_start3A_25] : memref<4x40x128xf32, #tpu.memory_space<vmem>> -> memref<1x40x128xf32, #tpu.memory_space<vmem>>
    %dma_start3A_27 = tpu.memref_squeeze %dma_start3A_26 : memref<1x40x128xf32, #tpu.memory_space<vmem>> -> memref<40x128xf32, #tpu.memory_space<vmem>>
    tpu.enqueue_dma source(%dma_start3A_27 : memref<40x128xf32, #tpu.memory_space<vmem>>) target(%dma_start3A_23 : memref<40x128xf32, #tpu.memory_space<vmem_shared>>) target_semaphore(%arg13 : memref<!tpu.dma_semaphore, #tpu.memory_space<semaphore_mem>>)
    %mul3A_28 = arith.constant 640 : i32
    %mul3A_29 = arith.muli %arg1, %mul3A_28 : i32
    %add3A_30 = arith.constant 0 : i32
    %add3A_31 = arith.addi %mul3A_29, %add3A_30 : i32
    %dma_start3A_32 = arith.constant 0 : i32
    %dma_start3A_33 = tpu.memref_slice %arg12[%add3A_31, %dma_start3A_32] : memref<10240x8xf32, #tpu.memory_space<vmem_shared>> -> memref<40x8xf32, #tpu.memory_space<vmem_shared>>
    %dma_start3A_34 = arith.constant 0 : i32
    %dma_start3A_35 = tpu.memref_slice %arg12[%add3A_31, %dma_start3A_34] : memref<10240x8xf32, #tpu.memory_space<vmem_shared>> -> memref<40x8xf32, #tpu.memory_space<vmem_shared>>
    tpu.enqueue_dma source(%arg10 : memref<40x8xf32, #tpu.memory_space<vmem>>) target(%dma_start3A_35 : memref<40x8xf32, #tpu.memory_space<vmem_shared>>) target_semaphore(%arg21 : memref<!tpu.dma_semaphore, #tpu.memory_space<semaphore_mem>>)
    %mul3A_36 = arith.constant 640 : i32
    %mul3A_37 = arith.muli %arg1, %mul3A_36 : i32
    %add3A_38 = arith.constant 40 : i32
    %add3A_39 = arith.addi %mul3A_37, %add3A_38 : i32
    %dma_start3A_40 = arith.constant 0 : i32
    %dma_start3A_41 = arith.constant 0 : i32
    %dma_start3A_42 = arith.constant 0 : i32
    %dma_start3A_43 = tpu.memref_slice %arg8[%dma_start3A_40, %dma_start3A_41, %dma_start3A_42] : memref<4x40x128xf32, #tpu.memory_space<vmem>> -> memref<1x40x128xf32, #tpu.memory_space<vmem>>
    %dma_start3A_44 = tpu.memref_squeeze %dma_start3A_43 : memref<1x40x128xf32, #tpu.memory_space<vmem>> -> memref<40x128xf32, #tpu.memory_space<vmem>>
    %dma_start3A_45 = arith.constant 0 : i32
    %dma_start3A_46 = tpu.memref_slice %arg11[%add3A_39, %dma_start3A_45] : memref<10240x128xf32, #tpu.memory_space<vmem_shared>> -> memref<40x128xf32, #tpu.memory_space<vmem_shared>>
    %dma_start3A_47 = arith.constant 0 : i32
    %dma_start3A_48 = tpu.memref_slice %arg11[%add3A_39, %dma_start3A_47] : memref<10240x128xf32, #tpu.memory_space<vmem_shared>> -> memref<40x128xf32, #tpu.memory_space<vmem_shared>>
    %dma_start3A_49 = arith.constant 0 : i32
    %dma_start3A_50 = arith.constant 0 : i32
    %dma_start3A_51 = tpu.memref_slice %arg8[%dma_start3A_40, %dma_start3A_49, %dma_start3A_50] : memref<4x40x128xf32, #tpu.memory_space<vmem>> -> memref<1x40x128xf32, #tpu.memory_space<vmem>>
    %dma_start3A_52 = tpu.memref_squeeze %dma_start3A_51 : memref<1x40x128xf32, #tpu.memory_space<vmem>> -> memref<40x128xf32, #tpu.memory_space<vmem>>
    tpu.enqueue_dma source(%dma_start3A_52 : memref<40x128xf32, #tpu.memory_space<vmem>>) target(%dma_start3A_48 : memref<40x128xf32, #tpu.memory_space<vmem_shared>>) target_semaphore(%arg14 : memref<!tpu.dma_semaphore, #tpu.memory_space<semaphore_mem>>)
    %mul3A_53 = arith.constant 640 : i32
    %mul3A_54 = arith.muli %arg1, %mul3A_53 : i32
    %add3A_55 = arith.constant 40 : i32
    %add3A_56 = arith.addi %mul3A_54, %add3A_55 : i32
    %dma_start3A_57 = arith.constant 0 : i32
    %dma_start3A_58 = tpu.memref_slice %arg12[%add3A_56, %dma_start3A_57] : memref<10240x8xf32, #tpu.memory_space<vmem_shared>> -> memref<40x8xf32, #tpu.memory_space<vmem_shared>>
    %dma_start3A_59 = arith.constant 0 : i32
    %dma_start3A_60 = tpu.memref_slice %arg12[%add3A_56, %dma_start3A_59] : memref<10240x8xf32, #tpu.memory_space<vmem_shared>> -> memref<40x8xf32, #tpu.memory_space<vmem_shared>>
    tpu.enqueue_dma source(%arg10 : memref<40x8xf32, #tpu.memory_space<vmem>>) target(%dma_start3A_60 : memref<40x8xf32, #tpu.memory_space<vmem_shared>>) target_semaphore(%arg22 : memref<!tpu.dma_semaphore, #tpu.memory_space<semaphore_mem>>)
    %mul3A_61 = arith.constant 640 : i32
    %mul3A_62 = arith.muli %arg1, %mul3A_61 : i32
    %add3A_63 = arith.constant 80 : i32
    %add3A_64 = arith.addi %mul3A_62, %add3A_63 : i32
    %dma_start3A_65 = arith.constant 0 : i32
    %dma_start3A_66 = arith.constant 0 : i32
    %dma_start3A_67 = arith.constant 0 : i32
    %dma_start3A_68 = tpu.memref_slice %arg8[%dma_start3A_65, %dma_start3A_66, %dma_start3A_67] : memref<4x40x128xf32, #tpu.memory_space<vmem>> -> memref<1x40x128xf32, #tpu.memory_space<vmem>>
    %dma_start3A_69 = tpu.memref_squeeze %dma_start3A_68 : memref<1x40x128xf32, #tpu.memory_space<vmem>> -> memref<40x128xf32, #tpu.memory_space<vmem>>
    %dma_start3A_70 = arith.constant 0 : i32
    %dma_start3A_71 = tpu.memref_slice %arg11[%add3A_64, %dma_start3A_70] : memref<10240x128xf32, #tpu.memory_space<vmem_shared>> -> memref<40x128xf32, #tpu.memory_space<vmem_shared>>
    %dma_start3A_72 = arith.constant 0 : i32
    %dma_start3A_73 = tpu.memref_slice %arg11[%add3A_64, %dma_start3A_72] : memref<10240x128xf32, #tpu.memory_space<vmem_shared>> -> memref<40x128xf32, #tpu.memory_space<vmem_shared>>
    %dma_start3A_74 = arith.constant 0 : i32
    %dma_start3A_75 = arith.constant 0 : i32
    %dma_start3A_76 = tpu.memref_slice %arg8[%dma_start3A_65, %dma_start3A_74, %dma_start3A_75] : memref<4x40x128xf32, #tpu.memory_space<vmem>> -> memref<1x40x128xf32, #tpu.memory_space<vmem>>
    %dma_start3A_77 = tpu.memref_squeeze %dma_start3A_76 : memref<1x40x128xf32, #tpu.memory_space<vmem>> -> memref<40x128xf32, #tpu.memory_space<vmem>>
    tpu.enqueue_dma source(%dma_start3A_77 : memref<40x128xf32, #tpu.memory_space<vmem>>) target(%dma_start3A_73 : memref<40x128xf32, #tpu.memory_space<vmem_shared>>) target_semaphore(%arg13 : memref<!tpu.dma_semaphore, #tpu.memory_space<semaphore_mem>>)
    %mul3A_78 = arith.constant 640 : i32
    %mul3A_79 = arith.muli %arg1, %mul3A_78 : i32
    %add3A_80 = arith.constant 80 : i32
    %add3A_81 = arith.addi %mul3A_79, %add3A_80 : i32
    %dma_start3A_82 = arith.constant 0 : i32
    %dma_start3A_83 = tpu.memref_slice %arg12[%add3A_81, %dma_start3A_82] : memref<10240x8xf32, #tpu.memory_space<vmem_shared>> -> memref<40x8xf32, #tpu.memory_space<vmem_shared>>
    %dma_start3A_84 = arith.constant 0 : i32
    %dma_start3A_85 = tpu.memref_slice %arg12[%add3A_81, %dma_start3A_84] : memref<10240x8xf32, #tpu.memory_space<vmem_shared>> -> memref<40x8xf32, #tpu.memory_space<vmem_shared>>
    tpu.enqueue_dma source(%arg10 : memref<40x8xf32, #tpu.memory_space<vmem>>) target(%dma_start3A_85 : memref<40x8xf32, #tpu.memory_space<vmem_shared>>) target_semaphore(%arg21 : memref<!tpu.dma_semaphore, #tpu.memory_space<semaphore_mem>>)
    %mul3A_86 = arith.constant 640 : i32
    %mul3A_87 = arith.muli %arg1, %mul3A_86 : i32
    %add3A_88 = arith.constant 120 : i32
    %add3A_89 = arith.addi %mul3A_87, %add3A_88 : i32
    %dma_start3A_90 = arith.constant 0 : i32
    %dma_start3A_91 = arith.constant 0 : i32
    %dma_start3A_92 = arith.constant 0 : i32
    %dma_start3A_93 = tpu.memref_slice %arg8[%dma_start3A_90, %dma_start3A_91, %dma_start3A_92] : memref<4x40x128xf32, #tpu.memory_space<vmem>> -> memref<1x40x128xf32, #tpu.memory_space<vmem>>
    %dma_start3A_94 = tpu.memref_squeeze %dma_start3A_93 : memref<1x40x128xf32, #tpu.memory_space<vmem>> -> memref<40x128xf32, #tpu.memory_space<vmem>>
    %dma_start3A_95 = arith.constant 0 : i32
    %dma_start3A_96 = tpu.memref_slice %arg11[%add3A_89, %dma_start3A_95] : memref<10240x128xf32, #tpu.memory_space<vmem_shared>> -> memref<40x128xf32, #tpu.memory_space<vmem_shared>>
    %dma_start3A_97 = arith.constant 0 : i32
    %dma_start3A_98 = tpu.memref_slice %arg11[%add3A_89, %dma_start3A_97] : memref<10240x128xf32, #tpu.memory_space<vmem_shared>> -> memref<40x128xf32, #tpu.memory_space<vmem_shared>>
    %dma_start3A_99 = arith.constant 0 : i32
    %dma_start3A_100 = arith.constant 0 : i32
    %dma_start3A_101 = tpu.memref_slice %arg8[%dma_start3A_90, %dma_start3A_99, %dma_start3A_100] : memref<4x40x128xf32, #tpu.memory_space<vmem>> -> memref<1x40x128xf32, #tpu.memory_space<vmem>>
    %dma_start3A_102 = tpu.memref_squeeze %dma_start3A_101 : memref<1x40x128xf32, #tpu.memory_space<vmem>> -> memref<40x128xf32, #tpu.memory_space<vmem>>
    tpu.enqueue_dma source(%dma_start3A_102 : memref<40x128xf32, #tpu.memory_space<vmem>>) target(%dma_start3A_98 : memref<40x128xf32, #tpu.memory_space<vmem_shared>>) target_semaphore(%arg14 : memref<!tpu.dma_semaphore, #tpu.memory_space<semaphore_mem>>)
    %mul3A_103 = arith.constant 640 : i32
    %mul3A_104 = arith.muli %arg1, %mul3A_103 : i32
    %add3A_105 = arith.constant 120 : i32
    %add3A_106 = arith.addi %mul3A_104, %add3A_105 : i32
    %dma_start3A_107 = arith.constant 0 : i32
    %dma_start3A_108 = tpu.memref_slice %arg12[%add3A_106, %dma_start3A_107] : memref<10240x8xf32, #tpu.memory_space<vmem_shared>> -> memref<40x8xf32, #tpu.memory_space<vmem_shared>>
    %dma_start3A_109 = arith.constant 0 : i32
    %dma_start3A_110 = tpu.memref_slice %arg12[%add3A_106, %dma_start3A_109] : memref<10240x8xf32, #tpu.memory_space<vmem_shared>> -> memref<40x8xf32, #tpu.memory_space<vmem_shared>>
    tpu.enqueue_dma source(%arg10 : memref<40x8xf32, #tpu.memory_space<vmem>>) target(%dma_start3A_110 : memref<40x8xf32, #tpu.memory_space<vmem_shared>>) target_semaphore(%arg22 : memref<!tpu.dma_semaphore, #tpu.memory_space<semaphore_mem>>)
    %mul3A_111 = arith.constant 640 : i32
    %mul3A_112 = arith.muli %arg1, %mul3A_111 : i32
    %add3A_113 = arith.constant 160 : i32
    %add3A_114 = arith.addi %mul3A_112, %add3A_113 : i32
    %dma_start3A_115 = arith.constant 0 : i32
    %dma_start3A_116 = arith.constant 0 : i32
    %dma_start3A_117 = arith.constant 0 : i32
    %dma_start3A_118 = tpu.memref_slice %arg8[%dma_start3A_115, %dma_start3A_116, %dma_start3A_117] : memref<4x40x128xf32, #tpu.memory_space<vmem>> -> memref<1x40x128xf32, #tpu.memory_space<vmem>>
    %dma_start3A_119 = tpu.memref_squeeze %dma_start3A_118 : memref<1x40x128xf32, #tpu.memory_space<vmem>> -> memref<40x128xf32, #tpu.memory_space<vmem>>
    %dma_start3A_120 = arith.constant 0 : i32
    %dma_start3A_121 = tpu.memref_slice %arg11[%add3A_114, %dma_start3A_120] : memref<10240x128xf32, #tpu.memory_space<vmem_shared>> -> memref<40x128xf32, #tpu.memory_space<vmem_shared>>
    %dma_start3A_122 = arith.constant 0 : i32
    %dma_start3A_123 = tpu.memref_slice %arg11[%add3A_114, %dma_start3A_122] : memref<10240x128xf32, #tpu.memory_space<vmem_shared>> -> memref<40x128xf32, #tpu.memory_space<vmem_shared>>
    %dma_start3A_124 = arith.constant 0 : i32
    %dma_start3A_125 = arith.constant 0 : i32
    %dma_start3A_126 = tpu.memref_slice %arg8[%dma_start3A_115, %dma_start3A_124, %dma_start3A_125] : memref<4x40x128xf32, #tpu.memory_space<vmem>> -> memref<1x40x128xf32, #tpu.memory_space<vmem>>
    %dma_start3A_127 = tpu.memref_squeeze %dma_start3A_126 : memref<1x40x128xf32, #tpu.memory_space<vmem>> -> memref<40x128xf32, #tpu.memory_space<vmem>>
    tpu.enqueue_dma source(%dma_start3A_127 : memref<40x128xf32, #tpu.memory_space<vmem>>) target(%dma_start3A_123 : memref<40x128xf32, #tpu.memory_space<vmem_shared>>) target_semaphore(%arg13 : memref<!tpu.dma_semaphore, #tpu.memory_space<semaphore_mem>>)
    %mul3A_128 = arith.constant 640 : i32
    %mul3A_129 = arith.muli %arg1, %mul3A_128 : i32
    %add3A_130 = arith.constant 160 : i32
    %add3A_131 = arith.addi %mul3A_129, %add3A_130 : i32
    %dma_start3A_132 = arith.constant 0 : i32
    %dma_start3A_133 = tpu.memref_slice %arg12[%add3A_131, %dma_start3A_132] : memref<10240x8xf32, #tpu.memory_space<vmem_shared>> -> memref<40x8xf32, #tpu.memory_space<vmem_shared>>
    %dma_start3A_134 = arith.constant 0 : i32
    %dma_start3A_135 = tpu.memref_slice %arg12[%add3A_131, %dma_start3A_134] : memref<10240x8xf32, #tpu.memory_space<vmem_shared>> -> memref<40x8xf32, #tpu.memory_space<vmem_shared>>
    tpu.enqueue_dma source(%arg10 : memref<40x8xf32, #tpu.memory_space<vmem>>) target(%dma_start3A_135 : memref<40x8xf32, #tpu.memory_space<vmem_shared>>) target_semaphore(%arg21 : memref<!tpu.dma_semaphore, #tpu.memory_space<semaphore_mem>>)
    %mul3A_136 = arith.constant 640 : i32
    %mul3A_137 = arith.muli %arg1, %mul3A_136 : i32
    %add3A_138 = arith.constant 200 : i32
    %add3A_139 = arith.addi %mul3A_137, %add3A_138 : i32
    %dma_start3A_140 = arith.constant 0 : i32
    %dma_start3A_141 = arith.constant 0 : i32
    %dma_start3A_142 = arith.constant 0 : i32
    %dma_start3A_143 = tpu.memref_slice %arg8[%dma_start3A_140, %dma_start3A_141, %dma_start3A_142] : memref<4x40x128xf32, #tpu.memory_space<vmem>> -> memref<1x40x128xf32, #tpu.memory_space<vmem>>
    %dma_start3A_144 = tpu.memref_squeeze %dma_start3A_143 : memref<1x40x128xf32, #tpu.memory_space<vmem>> -> memref<40x128xf32, #tpu.memory_space<vmem>>
    %dma_start3A_145 = arith.constant 0 : i32
    %dma_start3A_146 = tpu.memref_slice %arg11[%add3A_139, %dma_start3A_145] : memref<10240x128xf32, #tpu.memory_space<vmem_shared>> -> memref<40x128xf32, #tpu.memory_space<vmem_shared>>
    %dma_start3A_147 = arith.constant 0 : i32
    %dma_start3A_148 = tpu.memref_slice %arg11[%add3A_139, %dma_start3A_147] : memref<10240x128xf32, #tpu.memory_space<vmem_shared>> -> memref<40x128xf32, #tpu.memory_space<vmem_shared>>
    %dma_start3A_149 = arith.constant 0 : i32
    %dma_start3A_150 = arith.constant 0 : i32
    %dma_start3A_151 = tpu.memref_slice %arg8[%dma_start3A_140, %dma_start3A_149, %dma_start3A_150] : memref<4x40x128xf32, #tpu.memory_space<vmem>> -> memref<1x40x128xf32, #tpu.memory_space<vmem>>
    %dma_start3A_152 = tpu.memref_squeeze %dma_start3A_151 : memref<1x40x128xf32, #tpu.memory_space<vmem>> -> memref<40x128xf32, #tpu.memory_space<vmem>>
    tpu.enqueue_dma source(%dma_start3A_152 : memref<40x128xf32, #tpu.memory_space<vmem>>) target(%dma_start3A_148 : memref<40x128xf32, #tpu.memory_space<vmem_shared>>) target_semaphore(%arg14 : memref<!tpu.dma_semaphore, #tpu.memory_space<semaphore_mem>>)
    %mul3A_153 = arith.constant 640 : i32
    %mul3A_154 = arith.muli %arg1, %mul3A_153 : i32
    %add3A_155 = arith.constant 200 : i32
    %add3A_156 = arith.addi %mul3A_154, %add3A_155 : i32
    %dma_start3A_157 = arith.constant 0 : i32
    %dma_start3A_158 = tpu.memref_slice %arg12[%add3A_156, %dma_start3A_157] : memref<10240x8xf32, #tpu.memory_space<vmem_shared>> -> memref<40x8xf32, #tpu.memory_space<vmem_shared>>
    %dma_start3A_159 = arith.constant 0 : i32
    %dma_start3A_160 = tpu.memref_slice %arg12[%add3A_156, %dma_start3A_159] : memref<10240x8xf32, #tpu.memory_space<vmem_shared>> -> memref<40x8xf32, #tpu.memory_space<vmem_shared>>
    tpu.enqueue_dma source(%arg10 : memref<40x8xf32, #tpu.memory_space<vmem>>) target(%dma_start3A_160 : memref<40x8xf32, #tpu.memory_space<vmem_shared>>) target_semaphore(%arg22 : memref<!tpu.dma_semaphore, #tpu.memory_space<semaphore_mem>>)
    %mul3A_161 = arith.constant 640 : i32
    %mul3A_162 = arith.muli %arg1, %mul3A_161 : i32
    %add3A_163 = arith.constant 240 : i32
    %add3A_164 = arith.addi %mul3A_162, %add3A_163 : i32
    %dma_start3A_165 = arith.constant 0 : i32
    %dma_start3A_166 = arith.constant 0 : i32
    %dma_start3A_167 = arith.constant 0 : i32
    %dma_start3A_168 = tpu.memref_slice %arg8[%dma_start3A_165, %dma_start3A_166, %dma_start3A_167] : memref<4x40x128xf32, #tpu.memory_space<vmem>> -> memref<1x40x128xf32, #tpu.memory_space<vmem>>
    %dma_start3A_169 = tpu.memref_squeeze %dma_start3A_168 : memref<1x40x128xf32, #tpu.memory_space<vmem>> -> memref<40x128xf32, #tpu.memory_space<vmem>>
    %dma_start3A_170 = arith.constant 0 : i32
    %dma_start3A_171 = tpu.memref_slice %arg11[%add3A_164, %dma_start3A_170] : memref<10240x128xf32, #tpu.memory_space<vmem_shared>> -> memref<40x128xf32, #tpu.memory_space<vmem_shared>>
    %dma_start3A_172 = arith.constant 0 : i32
    %dma_start3A_173 = tpu.memref_slice %arg11[%add3A_164, %dma_start3A_172] : memref<10240x128xf32, #tpu.memory_space<vmem_shared>> -> memref<40x128xf32, #tpu.memory_space<vmem_shared>>
    %dma_start3A_174 = arith.constant 0 : i32
    %dma_start3A_175 = arith.constant 0 : i32
    %dma_start3A_176 = tpu.memref_slice %arg8[%dma_start3A_165, %dma_start3A_174, %dma_start3A_175] : memref<4x40x128xf32, #tpu.memory_space<vmem>> -> memref<1x40x128xf32, #tpu.memory_space<vmem>>
    %dma_start3A_177 = tpu.memref_squeeze %dma_start3A_176 : memref<1x40x128xf32, #tpu.memory_space<vmem>> -> memref<40x128xf32, #tpu.memory_space<vmem>>
    tpu.enqueue_dma source(%dma_start3A_177 : memref<40x128xf32, #tpu.memory_space<vmem>>) target(%dma_start3A_173 : memref<40x128xf32, #tpu.memory_space<vmem_shared>>) target_semaphore(%arg13 : memref<!tpu.dma_semaphore, #tpu.memory_space<semaphore_mem>>)
    %mul3A_178 = arith.constant 640 : i32
    %mul3A_179 = arith.muli %arg1, %mul3A_178 : i32
    %add3A_180 = arith.constant 240 : i32
    %add3A_181 = arith.addi %mul3A_179, %add3A_180 : i32
    %dma_start3A_182 = arith.constant 0 : i32
    %dma_start3A_183 = tpu.memref_slice %arg12[%add3A_181, %dma_start3A_182] : memref<10240x8xf32, #tpu.memory_space<vmem_shared>> -> memref<40x8xf32, #tpu.memory_space<vmem_shared>>
    %dma_start3A_184 = arith.constant 0 : i32
    %dma_start3A_185 = tpu.memref_slice %arg12[%add3A_181, %dma_start3A_184] : memref<10240x8xf32, #tpu.memory_space<vmem_shared>> -> memref<40x8xf32, #tpu.memory_space<vmem_shared>>
    tpu.enqueue_dma source(%arg10 : memref<40x8xf32, #tpu.memory_space<vmem>>) target(%dma_start3A_185 : memref<40x8xf32, #tpu.memory_space<vmem_shared>>) target_semaphore(%arg21 : memref<!tpu.dma_semaphore, #tpu.memory_space<semaphore_mem>>)
    %mul3A_186 = arith.constant 640 : i32
    %mul3A_187 = arith.muli %arg1, %mul3A_186 : i32
    %add3A_188 = arith.constant 280 : i32
    %add3A_189 = arith.addi %mul3A_187, %add3A_188 : i32
    %dma_start3A_190 = arith.constant 0 : i32
    %dma_start3A_191 = arith.constant 0 : i32
    %dma_start3A_192 = arith.constant 0 : i32
    %dma_start3A_193 = tpu.memref_slice %arg8[%dma_start3A_190, %dma_start3A_191, %dma_start3A_192] : memref<4x40x128xf32, #tpu.memory_space<vmem>> -> memref<1x40x128xf32, #tpu.memory_space<vmem>>
    %dma_start3A_194 = tpu.memref_squeeze %dma_start3A_193 : memref<1x40x128xf32, #tpu.memory_space<vmem>> -> memref<40x128xf32, #tpu.memory_space<vmem>>
    %dma_start3A_195 = arith.constant 0 : i32
    %dma_start3A_196 = tpu.memref_slice %arg11[%add3A_189, %dma_start3A_195] : memref<10240x128xf32, #tpu.memory_space<vmem_shared>> -> memref<40x128xf32, #tpu.memory_space<vmem_shared>>
    %dma_start3A_197 = arith.constant 0 : i32
    %dma_start3A_198 = tpu.memref_slice %arg11[%add3A_189, %dma_start3A_197] : memref<10240x128xf32, #tpu.memory_space<vmem_shared>> -> memref<40x128xf32, #tpu.memory_space<vmem_shared>>
    %dma_start3A_199 = arith.constant 0 : i32
    %dma_start3A_200 = arith.constant 0 : i32
    %dma_start3A_201 = tpu.memref_slice %arg8[%dma_start3A_190, %dma_start3A_199, %dma_start3A_200] : memref<4x40x128xf32, #tpu.memory_space<vmem>> -> memref<1x40x128xf32, #tpu.memory_space<vmem>>
    %dma_start3A_202 = tpu.memref_squeeze %dma_start3A_201 : memref<1x40x128xf32, #tpu.memory_space<vmem>> -> memref<40x128xf32, #tpu.memory_space<vmem>>
    tpu.enqueue_dma source(%dma_start3A_202 : memref<40x128xf32, #tpu.memory_space<vmem>>) target(%dma_start3A_198 : memref<40x128xf32, #tpu.memory_space<vmem_shared>>) target_semaphore(%arg14 : memref<!tpu.dma_semaphore, #tpu.memory_space<semaphore_mem>>)
    %mul3A_203 = arith.constant 640 : i32
    %mul3A_204 = arith.muli %arg1, %mul3A_203 : i32
    %add3A_205 = arith.constant 280 : i32
    %add3A_206 = arith.addi %mul3A_204, %add3A_205 : i32
    %dma_start3A_207 = arith.constant 0 : i32
    %dma_start3A_208 = tpu.memref_slice %arg12[%add3A_206, %dma_start3A_207] : memref<10240x8xf32, #tpu.memory_space<vmem_shared>> -> memref<40x8xf32, #tpu.memory_space<vmem_shared>>
    %dma_start3A_209 = arith.constant 0 : i32
    %dma_start3A_210 = tpu.memref_slice %arg12[%add3A_206, %dma_start3A_209] : memref<10240x8xf32, #tpu.memory_space<vmem_shared>> -> memref<40x8xf32, #tpu.memory_space<vmem_shared>>
    tpu.enqueue_dma source(%arg10 : memref<40x8xf32, #tpu.memory_space<vmem>>) target(%dma_start3A_210 : memref<40x8xf32, #tpu.memory_space<vmem_shared>>) target_semaphore(%arg22 : memref<!tpu.dma_semaphore, #tpu.memory_space<semaphore_mem>>)
    %mul3A_211 = arith.constant 640 : i32
    %mul3A_212 = arith.muli %arg1, %mul3A_211 : i32
    %add3A_213 = arith.constant 320 : i32
    %add3A_214 = arith.addi %mul3A_212, %add3A_213 : i32
    %dma_start3A_215 = arith.constant 0 : i32
    %dma_start3A_216 = arith.constant 0 : i32
    %dma_start3A_217 = arith.constant 0 : i32
    %dma_start3A_218 = tpu.memref_slice %arg8[%dma_start3A_215, %dma_start3A_216, %dma_start3A_217] : memref<4x40x128xf32, #tpu.memory_space<vmem>> -> memref<1x40x128xf32, #tpu.memory_space<vmem>>
    %dma_start3A_219 = tpu.memref_squeeze %dma_start3A_218 : memref<1x40x128xf32, #tpu.memory_space<vmem>> -> memref<40x128xf32, #tpu.memory_space<vmem>>
    %dma_start3A_220 = arith.constant 0 : i32
    %dma_start3A_221 = tpu.memref_slice %arg11[%add3A_214, %dma_start3A_220] : memref<10240x128xf32, #tpu.memory_space<vmem_shared>> -> memref<40x128xf32, #tpu.memory_space<vmem_shared>>
    %dma_start3A_222 = arith.constant 0 : i32
    %dma_start3A_223 = tpu.memref_slice %arg11[%add3A_214, %dma_start3A_222] : memref<10240x128xf32, #tpu.memory_space<vmem_shared>> -> memref<40x128xf32, #tpu.memory_space<vmem_shared>>
    %dma_start3A_224 = arith.constant 0 : i32
    %dma_start3A_225 = arith.constant 0 : i32
    %dma_start3A_226 = tpu.memref_slice %arg8[%dma_start3A_215, %dma_start3A_224, %dma_start3A_225] : memref<4x40x128xf32, #tpu.memory_space<vmem>> -> memref<1x40x128xf32, #tpu.memory_space<vmem>>
    %dma_start3A_227 = tpu.memref_squeeze %dma_start3A_226 : memref<1x40x128xf32, #tpu.memory_space<vmem>> -> memref<40x128xf32, #tpu.memory_space<vmem>>
    tpu.enqueue_dma source(%dma_start3A_227 : memref<40x128xf32, #tpu.memory_space<vmem>>) target(%dma_start3A_223 : memref<40x128xf32, #tpu.memory_space<vmem_shared>>) target_semaphore(%arg13 : memref<!tpu.dma_semaphore, #tpu.memory_space<semaphore_mem>>)
    %mul3A_228 = arith.constant 640 : i32
    %mul3A_229 = arith.muli %arg1, %mul3A_228 : i32
    %add3A_230 = arith.constant 320 : i32
    %add3A_231 = arith.addi %mul3A_229, %add3A_230 : i32
    %dma_start3A_232 = arith.constant 0 : i32
    %dma_start3A_233 = tpu.memref_slice %arg12[%add3A_231, %dma_start3A_232] : memref<10240x8xf32, #tpu.memory_space<vmem_shared>> -> memref<40x8xf32, #tpu.memory_space<vmem_shared>>
    %dma_start3A_234 = arith.constant 0 : i32
    %dma_start3A_235 = tpu.memref_slice %arg12[%add3A_231, %dma_start3A_234] : memref<10240x8xf32, #tpu.memory_space<vmem_shared>> -> memref<40x8xf32, #tpu.memory_space<vmem_shared>>
    tpu.enqueue_dma source(%arg10 : memref<40x8xf32, #tpu.memory_space<vmem>>) target(%dma_start3A_235 : memref<40x8xf32, #tpu.memory_space<vmem_shared>>) target_semaphore(%arg21 : memref<!tpu.dma_semaphore, #tpu.memory_space<semaphore_mem>>)
    %mul3A_236 = arith.constant 640 : i32
    %mul3A_237 = arith.muli %arg1, %mul3A_236 : i32
    %add3A_238 = arith.constant 360 : i32
    %add3A_239 = arith.addi %mul3A_237, %add3A_238 : i32
    %dma_start3A_240 = arith.constant 0 : i32
    %dma_start3A_241 = arith.constant 0 : i32
    %dma_start3A_242 = arith.constant 0 : i32
    %dma_start3A_243 = tpu.memref_slice %arg8[%dma_start3A_240, %dma_start3A_241, %dma_start3A_242] : memref<4x40x128xf32, #tpu.memory_space<vmem>> -> memref<1x40x128xf32, #tpu.memory_space<vmem>>
    %dma_start3A_244 = tpu.memref_squeeze %dma_start3A_243 : memref<1x40x128xf32, #tpu.memory_space<vmem>> -> memref<40x128xf32, #tpu.memory_space<vmem>>
    %dma_start3A_245 = arith.constant 0 : i32
    %dma_start3A_246 = tpu.memref_slice %arg11[%add3A_239, %dma_start3A_245] : memref<10240x128xf32, #tpu.memory_space<vmem_shared>> -> memref<40x128xf32, #tpu.memory_space<vmem_shared>>
    %dma_start3A_247 = arith.constant 0 : i32
    %dma_start3A_248 = tpu.memref_slice %arg11[%add3A_239, %dma_start3A_247] : memref<10240x128xf32, #tpu.memory_space<vmem_shared>> -> memref<40x128xf32, #tpu.memory_space<vmem_shared>>
    %dma_start3A_249 = arith.constant 0 : i32
    %dma_start3A_250 = arith.constant 0 : i32
    %dma_start3A_251 = tpu.memref_slice %arg8[%dma_start3A_240, %dma_start3A_249, %dma_start3A_250] : memref<4x40x128xf32, #tpu.memory_space<vmem>> -> memref<1x40x128xf32, #tpu.memory_space<vmem>>
    %dma_start3A_252 = tpu.memref_squeeze %dma_start3A_251 : memref<1x40x128xf32, #tpu.memory_space<vmem>> -> memref<40x128xf32, #tpu.memory_space<vmem>>
    tpu.enqueue_dma source(%dma_start3A_252 : memref<40x128xf32, #tpu.memory_space<vmem>>) target(%dma_start3A_248 : memref<40x128xf32, #tpu.memory_space<vmem_shared>>) target_semaphore(%arg14 : memref<!tpu.dma_semaphore, #tpu.memory_space<semaphore_mem>>)
    %mul3A_253 = arith.constant 640 : i32
    %mul3A_254 = arith.muli %arg1, %mul3A_253 : i32
    %add3A_255 = arith.constant 360 : i32
    %add3A_256 = arith.addi %mul3A_254, %add3A_255 : i32
    %dma_start3A_257 = arith.constant 0 : i32
    %dma_start3A_258 = tpu.memref_slice %arg12[%add3A_256, %dma_start3A_257] : memref<10240x8xf32, #tpu.memory_space<vmem_shared>> -> memref<40x8xf32, #tpu.memory_space<vmem_shared>>
    %dma_start3A_259 = arith.constant 0 : i32
    %dma_start3A_260 = tpu.memref_slice %arg12[%add3A_256, %dma_start3A_259] : memref<10240x8xf32, #tpu.memory_space<vmem_shared>> -> memref<40x8xf32, #tpu.memory_space<vmem_shared>>
    tpu.enqueue_dma source(%arg10 : memref<40x8xf32, #tpu.memory_space<vmem>>) target(%dma_start3A_260 : memref<40x8xf32, #tpu.memory_space<vmem_shared>>) target_semaphore(%arg22 : memref<!tpu.dma_semaphore, #tpu.memory_space<semaphore_mem>>)
    %mul3A_261 = arith.constant 640 : i32
    %mul3A_262 = arith.muli %arg1, %mul3A_261 : i32
    %add3A_263 = arith.constant 400 : i32
    %add3A_264 = arith.addi %mul3A_262, %add3A_263 : i32
    %dma_start3A_265 = arith.constant 0 : i32
    %dma_start3A_266 = arith.constant 0 : i32
    %dma_start3A_267 = arith.constant 0 : i32
    %dma_start3A_268 = tpu.memref_slice %arg8[%dma_start3A_265, %dma_start3A_266, %dma_start3A_267] : memref<4x40x128xf32, #tpu.memory_space<vmem>> -> memref<1x40x128xf32, #tpu.memory_space<vmem>>
    %dma_start3A_269 = tpu.memref_squeeze %dma_start3A_268 : memref<1x40x128xf32, #tpu.memory_space<vmem>> -> memref<40x128xf32, #tpu.memory_space<vmem>>
    %dma_start3A_270 = arith.constant 0 : i32
    %dma_start3A_271 = tpu.memref_slice %arg11[%add3A_264, %dma_start3A_270] : memref<10240x128xf32, #tpu.memory_space<vmem_shared>> -> memref<40x128xf32, #tpu.memory_space<vmem_shared>>
    %dma_start3A_272 = arith.constant 0 : i32
    %dma_start3A_273 = tpu.memref_slice %arg11[%add3A_264, %dma_start3A_272] : memref<10240x128xf32, #tpu.memory_space<vmem_shared>> -> memref<40x128xf32, #tpu.memory_space<vmem_shared>>
    %dma_start3A_274 = arith.constant 0 : i32
    %dma_start3A_275 = arith.constant 0 : i32
    %dma_start3A_276 = tpu.memref_slice %arg8[%dma_start3A_265, %dma_start3A_274, %dma_start3A_275] : memref<4x40x128xf32, #tpu.memory_space<vmem>> -> memref<1x40x128xf32, #tpu.memory_space<vmem>>
    %dma_start3A_277 = tpu.memref_squeeze %dma_start3A_276 : memref<1x40x128xf32, #tpu.memory_space<vmem>> -> memref<40x128xf32, #tpu.memory_space<vmem>>
    tpu.enqueue_dma source(%dma_start3A_277 : memref<40x128xf32, #tpu.memory_space<vmem>>) target(%dma_start3A_273 : memref<40x128xf32, #tpu.memory_space<vmem_shared>>) target_semaphore(%arg13 : memref<!tpu.dma_semaphore, #tpu.memory_space<semaphore_mem>>)
    %mul3A_278 = arith.constant 640 : i32
    %mul3A_279 = arith.muli %arg1, %mul3A_278 : i32
    %add3A_280 = arith.constant 400 : i32
    %add3A_281 = arith.addi %mul3A_279, %add3A_280 : i32
    %dma_start3A_282 = arith.constant 0 : i32
    %dma_start3A_283 = tpu.memref_slice %arg12[%add3A_281, %dma_start3A_282] : memref<10240x8xf32, #tpu.memory_space<vmem_shared>> -> memref<40x8xf32, #tpu.memory_space<vmem_shared>>
    %dma_start3A_284 = arith.constant 0 : i32
    %dma_start3A_285 = tpu.memref_slice %arg12[%add3A_281, %dma_start3A_284] : memref<10240x8xf32, #tpu.memory_space<vmem_shared>> -> memref<40x8xf32, #tpu.memory_space<vmem_shared>>
    tpu.enqueue_dma source(%arg10 : memref<40x8xf32, #tpu.memory_space<vmem>>) target(%dma_start3A_285 : memref<40x8xf32, #tpu.memory_space<vmem_shared>>) target_semaphore(%arg21 : memref<!tpu.dma_semaphore, #tpu.memory_space<semaphore_mem>>)
    %mul3A_286 = arith.constant 640 : i32
    %mul3A_287 = arith.muli %arg1, %mul3A_286 : i32
    %add3A_288 = arith.constant 440 : i32
    %add3A_289 = arith.addi %mul3A_287, %add3A_288 : i32
    %dma_start3A_290 = arith.constant 0 : i32
    %dma_start3A_291 = arith.constant 0 : i32
    %dma_start3A_292 = arith.constant 0 : i32
    %dma_start3A_293 = tpu.memref_slice %arg8[%dma_start3A_290, %dma_start3A_291, %dma_start3A_292] : memref<4x40x128xf32, #tpu.memory_space<vmem>> -> memref<1x40x128xf32, #tpu.memory_space<vmem>>
    %dma_start3A_294 = tpu.memref_squeeze %dma_start3A_293 : memref<1x40x128xf32, #tpu.memory_space<vmem>> -> memref<40x128xf32, #tpu.memory_space<vmem>>
    %dma_start3A_295 = arith.constant 0 : i32
    %dma_start3A_296 = tpu.memref_slice %arg11[%add3A_289, %dma_start3A_295] : memref<10240x128xf32, #tpu.memory_space<vmem_shared>> -> memref<40x128xf32, #tpu.memory_space<vmem_shared>>
    %dma_start3A_297 = arith.constant 0 : i32
    %dma_start3A_298 = tpu.memref_slice %arg11[%add3A_289, %dma_start3A_297] : memref<10240x128xf32, #tpu.memory_space<vmem_shared>> -> memref<40x128xf32, #tpu.memory_space<vmem_shared>>
    %dma_start3A_299 = arith.constant 0 : i32
    %dma_start3A_300 = arith.constant 0 : i32
    %dma_start3A_301 = tpu.memref_slice %arg8[%dma_start3A_290, %dma_start3A_299, %dma_start3A_300] : memref<4x40x128xf32, #tpu.memory_space<vmem>> -> memref<1x40x128xf32, #tpu.memory_space<vmem>>
    %dma_start3A_302 = tpu.memref_squeeze %dma_start3A_301 : memref<1x40x128xf32, #tpu.memory_space<vmem>> -> memref<40x128xf32, #tpu.memory_space<vmem>>
    tpu.enqueue_dma source(%dma_start3A_302 : memref<40x128xf32, #tpu.memory_space<vmem>>) target(%dma_start3A_298 : memref<40x128xf32, #tpu.memory_space<vmem_shared>>) target_semaphore(%arg14 : memref<!tpu.dma_semaphore, #tpu.memory_space<semaphore_mem>>)
    %mul3A_303 = arith.constant 640 : i32
    %mul3A_304 = arith.muli %arg1, %mul3A_303 : i32
    %add3A_305 = arith.constant 440 : i32
    %add3A_306 = arith.addi %mul3A_304, %add3A_305 : i32
    %dma_start3A_307 = arith.constant 0 : i32
    %dma_start3A_308 = tpu.memref_slice %arg12[%add3A_306, %dma_start3A_307] : memref<10240x8xf32, #tpu.memory_space<vmem_shared>> -> memref<40x8xf32, #tpu.memory_space<vmem_shared>>
    %dma_start3A_309 = arith.constant 0 : i32
    %dma_start3A_310 = tpu.memref_slice %arg12[%add3A_306, %dma_start3A_309] : memref<10240x8xf32, #tpu.memory_space<vmem_shared>> -> memref<40x8xf32, #tpu.memory_space<vmem_shared>>
    tpu.enqueue_dma source(%arg10 : memref<40x8xf32, #tpu.memory_space<vmem>>) target(%dma_start3A_310 : memref<40x8xf32, #tpu.memory_space<vmem_shared>>) target_semaphore(%arg22 : memref<!tpu.dma_semaphore, #tpu.memory_space<semaphore_mem>>)
    %mul3A_311 = arith.constant 640 : i32
    %mul3A_312 = arith.muli %arg1, %mul3A_311 : i32
    %add3A_313 = arith.constant 480 : i32
    %add3A_314 = arith.addi %mul3A_312, %add3A_313 : i32
    %dma_start3A_315 = arith.constant 0 : i32
    %dma_start3A_316 = arith.constant 0 : i32
    %dma_start3A_317 = arith.constant 0 : i32
    %dma_start3A_318 = tpu.memref_slice %arg8[%dma_start3A_315, %dma_start3A_316, %dma_start3A_317] : memref<4x40x128xf32, #tpu.memory_space<vmem>> -> memref<1x40x128xf32, #tpu.memory_space<vmem>>
    %dma_start3A_319 = tpu.memref_squeeze %dma_start3A_318 : memref<1x40x128xf32, #tpu.memory_space<vmem>> -> memref<40x128xf32, #tpu.memory_space<vmem>>
    %dma_start3A_320 = arith.constant 0 : i32
    %dma_start3A_321 = tpu.memref_slice %arg11[%add3A_314, %dma_start3A_320] : memref<10240x128xf32, #tpu.memory_space<vmem_shared>> -> memref<40x128xf32, #tpu.memory_space<vmem_shared>>
    %dma_start3A_322 = arith.constant 0 : i32
    %dma_start3A_323 = tpu.memref_slice %arg11[%add3A_314, %dma_start3A_322] : memref<10240x128xf32, #tpu.memory_space<vmem_shared>> -> memref<40x128xf32, #tpu.memory_space<vmem_shared>>
    %dma_start3A_324 = arith.constant 0 : i32
    %dma_start3A_325 = arith.constant 0 : i32
    %dma_start3A_326 = tpu.memref_slice %arg8[%dma_start3A_315, %dma_start3A_324, %dma_start3A_325] : memref<4x40x128xf32, #tpu.memory_space<vmem>> -> memref<1x40x128xf32, #tpu.memory_space<vmem>>
    %dma_start3A_327 = tpu.memref_squeeze %dma_start3A_326 : memref<1x40x128xf32, #tpu.memory_space<vmem>> -> memref<40x128xf32, #tpu.memory_space<vmem>>
    tpu.enqueue_dma source(%dma_start3A_327 : memref<40x128xf32, #tpu.memory_space<vmem>>) target(%dma_start3A_323 : memref<40x128xf32, #tpu.memory_space<vmem_shared>>) target_semaphore(%arg13 : memref<!tpu.dma_semaphore, #tpu.memory_space<semaphore_mem>>)
    %mul3A_328 = arith.constant 640 : i32
    %mul3A_329 = arith.muli %arg1, %mul3A_328 : i32
    %add3A_330 = arith.constant 480 : i32
    %add3A_331 = arith.addi %mul3A_329, %add3A_330 : i32
    %dma_start3A_332 = arith.constant 0 : i32
    %dma_start3A_333 = tpu.memref_slice %arg12[%add3A_331, %dma_start3A_332] : memref<10240x8xf32, #tpu.memory_space<vmem_shared>> -> memref<40x8xf32, #tpu.memory_space<vmem_shared>>
    %dma_start3A_334 = arith.constant 0 : i32
    %dma_start3A_335 = tpu.memref_slice %arg12[%add3A_331, %dma_start3A_334] : memref<10240x8xf32, #tpu.memory_space<vmem_shared>> -> memref<40x8xf32, #tpu.memory_space<vmem_shared>>
    tpu.enqueue_dma source(%arg10 : memref<40x8xf32, #tpu.memory_space<vmem>>) target(%dma_start3A_335 : memref<40x8xf32, #tpu.memory_space<vmem_shared>>) target_semaphore(%arg21 : memref<!tpu.dma_semaphore, #tpu.memory_space<semaphore_mem>>)
    %mul3A_336 = arith.constant 640 : i32
    %mul3A_337 = arith.muli %arg1, %mul3A_336 : i32
    %add3A_338 = arith.constant 520 : i32
    %add3A_339 = arith.addi %mul3A_337, %add3A_338 : i32
    %dma_start3A_340 = arith.constant 0 : i32
    %dma_start3A_341 = arith.constant 0 : i32
    %dma_start3A_342 = arith.constant 0 : i32
    %dma_start3A_343 = tpu.memref_slice %arg8[%dma_start3A_340, %dma_start3A_341, %dma_start3A_342] : memref<4x40x128xf32, #tpu.memory_space<vmem>> -> memref<1x40x128xf32, #tpu.memory_space<vmem>>
    %dma_start3A_344 = tpu.memref_squeeze %dma_start3A_343 : memref<1x40x128xf32, #tpu.memory_space<vmem>> -> memref<40x128xf32, #tpu.memory_space<vmem>>
    %dma_start3A_345 = arith.constant 0 : i32
    %dma_start3A_346 = tpu.memref_slice %arg11[%add3A_339, %dma_start3A_345] : memref<10240x128xf32, #tpu.memory_space<vmem_shared>> -> memref<40x128xf32, #tpu.memory_space<vmem_shared>>
    %dma_start3A_347 = arith.constant 0 : i32
    %dma_start3A_348 = tpu.memref_slice %arg11[%add3A_339, %dma_start3A_347] : memref<10240x128xf32, #tpu.memory_space<vmem_shared>> -> memref<40x128xf32, #tpu.memory_space<vmem_shared>>
    %dma_start3A_349 = arith.constant 0 : i32
    %dma_start3A_350 = arith.constant 0 : i32
    %dma_start3A_351 = tpu.memref_slice %arg8[%dma_start3A_340, %dma_start3A_349, %dma_start3A_350] : memref<4x40x128xf32, #tpu.memory_space<vmem>> -> memref<1x40x128xf32, #tpu.memory_space<vmem>>
    %dma_start3A_352 = tpu.memref_squeeze %dma_start3A_351 : memref<1x40x128xf32, #tpu.memory_space<vmem>> -> memref<40x128xf32, #tpu.memory_space<vmem>>
    tpu.enqueue_dma source(%dma_start3A_352 : memref<40x128xf32, #tpu.memory_space<vmem>>) target(%dma_start3A_348 : memref<40x128xf32, #tpu.memory_space<vmem_shared>>) target_semaphore(%arg14 : memref<!tpu.dma_semaphore, #tpu.memory_space<semaphore_mem>>)
    %mul3A_353 = arith.constant 640 : i32
    %mul3A_354 = arith.muli %arg1, %mul3A_353 : i32
    %add3A_355 = arith.constant 520 : i32
    %add3A_356 = arith.addi %mul3A_354, %add3A_355 : i32
    %dma_start3A_357 = arith.constant 0 : i32
    %dma_start3A_358 = tpu.memref_slice %arg12[%add3A_356, %dma_start3A_357] : memref<10240x8xf32, #tpu.memory_space<vmem_shared>> -> memref<40x8xf32, #tpu.memory_space<vmem_shared>>
    %dma_start3A_359 = arith.constant 0 : i32
    %dma_start3A_360 = tpu.memref_slice %arg12[%add3A_356, %dma_start3A_359] : memref<10240x8xf32, #tpu.memory_space<vmem_shared>> -> memref<40x8xf32, #tpu.memory_space<vmem_shared>>
    tpu.enqueue_dma source(%arg10 : memref<40x8xf32, #tpu.memory_space<vmem>>) target(%dma_start3A_360 : memref<40x8xf32, #tpu.memory_space<vmem_shared>>) target_semaphore(%arg22 : memref<!tpu.dma_semaphore, #tpu.memory_space<semaphore_mem>>)
    %mul3A_361 = arith.constant 640 : i32
    %mul3A_362 = arith.muli %arg1, %mul3A_361 : i32
    %add3A_363 = arith.constant 560 : i32
    %add3A_364 = arith.addi %mul3A_362, %add3A_363 : i32
    %dma_start3A_365 = arith.constant 0 : i32
    %dma_start3A_366 = arith.constant 0 : i32
    %dma_start3A_367 = arith.constant 0 : i32
    %dma_start3A_368 = tpu.memref_slice %arg8[%dma_start3A_365, %dma_start3A_366, %dma_start3A_367] : memref<4x40x128xf32, #tpu.memory_space<vmem>> -> memref<1x40x128xf32, #tpu.memory_space<vmem>>
    %dma_start3A_369 = tpu.memref_squeeze %dma_start3A_368 : memref<1x40x128xf32, #tpu.memory_space<vmem>> -> memref<40x128xf32, #tpu.memory_space<vmem>>
    %dma_start3A_370 = arith.constant 0 : i32
    %dma_start3A_371 = tpu.memref_slice %arg11[%add3A_364, %dma_start3A_370] : memref<10240x128xf32, #tpu.memory_space<vmem_shared>> -> memref<40x128xf32, #tpu.memory_space<vmem_shared>>
    %dma_start3A_372 = arith.constant 0 : i32
    %dma_start3A_373 = tpu.memref_slice %arg11[%add3A_364, %dma_start3A_372] : memref<10240x128xf32, #tpu.memory_space<vmem_shared>> -> memref<40x128xf32, #tpu.memory_space<vmem_shared>>
    %dma_start3A_374 = arith.constant 0 : i32
    %dma_start3A_375 = arith.constant 0 : i32
    %dma_start3A_376 = tpu.memref_slice %arg8[%dma_start3A_365, %dma_start3A_374, %dma_start3A_375] : memref<4x40x128xf32, #tpu.memory_space<vmem>> -> memref<1x40x128xf32, #tpu.memory_space<vmem>>
    %dma_start3A_377 = tpu.memref_squeeze %dma_start3A_376 : memref<1x40x128xf32, #tpu.memory_space<vmem>> -> memref<40x128xf32, #tpu.memory_space<vmem>>
    tpu.enqueue_dma source(%dma_start3A_377 : memref<40x128xf32, #tpu.memory_space<vmem>>) target(%dma_start3A_373 : memref<40x128xf32, #tpu.memory_space<vmem_shared>>) target_semaphore(%arg13 : memref<!tpu.dma_semaphore, #tpu.memory_space<semaphore_mem>>)
    %mul3A_378 = arith.constant 640 : i32
    %mul3A_379 = arith.muli %arg1, %mul3A_378 : i32
    %add3A_380 = arith.constant 560 : i32
    %add3A_381 = arith.addi %mul3A_379, %add3A_380 : i32
    %dma_start3A_382 = arith.constant 0 : i32
    %dma_start3A_383 = tpu.memref_slice %arg12[%add3A_381, %dma_start3A_382] : memref<10240x8xf32, #tpu.memory_space<vmem_shared>> -> memref<40x8xf32, #tpu.memory_space<vmem_shared>>
    %dma_start3A_384 = arith.constant 0 : i32
    %dma_start3A_385 = tpu.memref_slice %arg12[%add3A_381, %dma_start3A_384] : memref<10240x8xf32, #tpu.memory_space<vmem_shared>> -> memref<40x8xf32, #tpu.memory_space<vmem_shared>>
    tpu.enqueue_dma source(%arg10 : memref<40x8xf32, #tpu.memory_space<vmem>>) target(%dma_start3A_385 : memref<40x8xf32, #tpu.memory_space<vmem_shared>>) target_semaphore(%arg21 : memref<!tpu.dma_semaphore, #tpu.memory_space<semaphore_mem>>)
    %mul3A_386 = arith.constant 640 : i32
    %mul3A_387 = arith.muli %arg1, %mul3A_386 : i32
    %add3A_388 = arith.constant 600 : i32
    %add3A_389 = arith.addi %mul3A_387, %add3A_388 : i32
    %dma_start3A_390 = arith.constant 0 : i32
    %dma_start3A_391 = arith.constant 0 : i32
    %dma_start3A_392 = arith.constant 0 : i32
    %dma_start3A_393 = tpu.memref_slice %arg8[%dma_start3A_390, %dma_start3A_391, %dma_start3A_392] : memref<4x40x128xf32, #tpu.memory_space<vmem>> -> memref<1x40x128xf32, #tpu.memory_space<vmem>>
    %dma_start3A_394 = tpu.memref_squeeze %dma_start3A_393 : memref<1x40x128xf32, #tpu.memory_space<vmem>> -> memref<40x128xf32, #tpu.memory_space<vmem>>
    %dma_start3A_395 = arith.constant 0 : i32
    %dma_start3A_396 = tpu.memref_slice %arg11[%add3A_389, %dma_start3A_395] : memref<10240x128xf32, #tpu.memory_space<vmem_shared>> -> memref<40x128xf32, #tpu.memory_space<vmem_shared>>
    %dma_start3A_397 = arith.constant 0 : i32
    %dma_start3A_398 = tpu.memref_slice %arg11[%add3A_389, %dma_start3A_397] : memref<10240x128xf32, #tpu.memory_space<vmem_shared>> -> memref<40x128xf32, #tpu.memory_space<vmem_shared>>
    %dma_start3A_399 = arith.constant 0 : i32
    %dma_start3A_400 = arith.constant 0 : i32
    %dma_start3A_401 = tpu.memref_slice %arg8[%dma_start3A_390, %dma_start3A_399, %dma_start3A_400] : memref<4x40x128xf32, #tpu.memory_space<vmem>> -> memref<1x40x128xf32, #tpu.memory_space<vmem>>
    %dma_start3A_402 = tpu.memref_squeeze %dma_start3A_401 : memref<1x40x128xf32, #tpu.memory_space<vmem>> -> memref<40x128xf32, #tpu.memory_space<vmem>>
    tpu.enqueue_dma source(%dma_start3A_402 : memref<40x128xf32, #tpu.memory_space<vmem>>) target(%dma_start3A_398 : memref<40x128xf32, #tpu.memory_space<vmem_shared>>) target_semaphore(%arg14 : memref<!tpu.dma_semaphore, #tpu.memory_space<semaphore_mem>>)
    %mul3A_403 = arith.constant 640 : i32
    %mul3A_404 = arith.muli %arg1, %mul3A_403 : i32
    %add3A_405 = arith.constant 600 : i32
    %add3A_406 = arith.addi %mul3A_404, %add3A_405 : i32
    %dma_start3A_407 = arith.constant 0 : i32
    %dma_start3A_408 = tpu.memref_slice %arg12[%add3A_406, %dma_start3A_407] : memref<10240x8xf32, #tpu.memory_space<vmem_shared>> -> memref<40x8xf32, #tpu.memory_space<vmem_shared>>
    %dma_start3A_409 = arith.constant 0 : i32
    %dma_start3A_410 = tpu.memref_slice %arg12[%add3A_406, %dma_start3A_409] : memref<10240x8xf32, #tpu.memory_space<vmem_shared>> -> memref<40x8xf32, #tpu.memory_space<vmem_shared>>
    tpu.enqueue_dma source(%arg10 : memref<40x8xf32, #tpu.memory_space<vmem>>) target(%dma_start3A_410 : memref<40x8xf32, #tpu.memory_space<vmem_shared>>) target_semaphore(%arg22 : memref<!tpu.dma_semaphore, #tpu.memory_space<semaphore_mem>>)
    %mul3A_411 = arith.constant 10000 : i32
    %mul3A_412 = arith.muli %add3A, %mul3A_411 : i32
    %dma_start3A_413 = arith.constant 0 : i32
    %dma_start3A_414 = tpu.memref_slice %arg3[%dma_start3A_413, %mul3A_412] : memref<2x320000xi32, #tpu.memory_space<hbm>> -> memref<1x10000xi32, #tpu.memory_space<hbm>>
    %dma_start3A_415 = tpu.memref_squeeze %dma_start3A_414 : memref<1x10000xi32, #tpu.memory_space<hbm>> -> memref<10000xi32, #tpu.memory_space<hbm>>
    %dma_start3A_416 = tpu.memref_slice %arg3[%dma_start3A_413, %mul3A_412] : memref<2x320000xi32, #tpu.memory_space<hbm>> -> memref<1x10000xi32, #tpu.memory_space<hbm>>
    %dma_start3A_417 = tpu.memref_squeeze %dma_start3A_416 : memref<1x10000xi32, #tpu.memory_space<hbm>> -> memref<10000xi32, #tpu.memory_space<hbm>>
    tpu.enqueue_dma source(%dma_start3A_417 : memref<10000xi32, #tpu.memory_space<hbm>>) target(%arg6 : memref<10000xi32, #tpu.memory_space<vmem>>) target_semaphore(%arg15 : memref<!tpu.dma_semaphore, #tpu.memory_space<semaphore_mem>>)
    %mul3A_418 = arith.constant 10000 : i32
    %mul3A_419 = arith.muli %add3A, %mul3A_418 : i32
    %dma_start3A_420 = arith.constant 1 : i32
    %dma_start3A_421 = tpu.memref_slice %arg3[%dma_start3A_420, %mul3A_419] : memref<2x320000xi32, #tpu.memory_space<hbm>> -> memref<1x10000xi32, #tpu.memory_space<hbm>>
    %dma_start3A_422 = tpu.memref_squeeze %dma_start3A_421 : memref<1x10000xi32, #tpu.memory_space<hbm>> -> memref<10000xi32, #tpu.memory_space<hbm>>
    %dma_start3A_423 = tpu.memref_slice %arg3[%dma_start3A_420, %mul3A_419] : memref<2x320000xi32, #tpu.memory_space<hbm>> -> memref<1x10000xi32, #tpu.memory_space<hbm>>
    %dma_start3A_424 = tpu.memref_squeeze %dma_start3A_423 : memref<1x10000xi32, #tpu.memory_space<hbm>> -> memref<10000xi32, #tpu.memory_space<hbm>>
    tpu.enqueue_dma source(%dma_start3A_424 : memref<10000xi32, #tpu.memory_space<hbm>>) target(%arg7 : memref<10000xi32, #tpu.memory_space<vmem>>) target_semaphore(%arg16 : memref<!tpu.dma_semaphore, #tpu.memory_space<semaphore_mem>>)
    %dma_wait3A = arith.constant 0 : i32
    %dma_wait3A_425 = arith.constant 0 : i32
    %dma_wait3A_426 = arith.constant 0 : i32
    %dma_wait3A_427 = tpu.memref_slice %arg8[%dma_wait3A, %dma_wait3A_425, %dma_wait3A_426] : memref<4x40x128xf32, #tpu.memory_space<vmem>> -> memref<1x40x128xf32, #tpu.memory_space<vmem>>
    %dma_wait3A_428 = tpu.memref_squeeze %dma_wait3A_427 : memref<1x40x128xf32, #tpu.memory_space<vmem>> -> memref<40x128xf32, #tpu.memory_space<vmem>>
    %dma_wait3A_429 = arith.constant 0 : i32
    %dma_wait3A_430 = tpu.memref_slice %arg11[%add3A_15, %dma_wait3A_429] : memref<10240x128xf32, #tpu.memory_space<vmem_shared>> -> memref<40x128xf32, #tpu.memory_space<vmem_shared>>
    %dma_wait3A_431 = arith.constant 0 : i32
    %dma_wait3A_432 = tpu.memref_slice %arg11[%add3A_15, %dma_wait3A_431] : memref<10240x128xf32, #tpu.memory_space<vmem_shared>> -> memref<40x128xf32, #tpu.memory_space<vmem_shared>>
    %dma_wait3A_433 = arith.constant 0 : i32
    %dma_wait3A_434 = arith.constant 0 : i32
    %dma_wait3A_435 = tpu.memref_slice %arg8[%dma_wait3A, %dma_wait3A_433, %dma_wait3A_434] : memref<4x40x128xf32, #tpu.memory_space<vmem>> -> memref<1x40x128xf32, #tpu.memory_space<vmem>>
    %dma_wait3A_436 = tpu.memref_squeeze %dma_wait3A_435 : memref<1x40x128xf32, #tpu.memory_space<vmem>> -> memref<40x128xf32, #tpu.memory_space<vmem>>
    tpu.wait_dma2 semaphore(%arg13 : memref<!tpu.dma_semaphore, #tpu.memory_space<semaphore_mem>>) src(%dma_wait3A_436 : memref<40x128xf32, #tpu.memory_space<vmem>>) dst(%dma_wait3A_432 : memref<40x128xf32, #tpu.memory_space<vmem_shared>>)
    %dma_wait3A_437 = arith.constant 0 : i32
    %dma_wait3A_438 = tpu.memref_slice %arg12[%add3A_31, %dma_wait3A_437] : memref<10240x8xf32, #tpu.memory_space<vmem_shared>> -> memref<40x8xf32, #tpu.memory_space<vmem_shared>>
    %dma_wait3A_439 = arith.constant 0 : i32
    %dma_wait3A_440 = tpu.memref_slice %arg12[%add3A_31, %dma_wait3A_439] : memref<10240x8xf32, #tpu.memory_space<vmem_shared>> -> memref<40x8xf32, #tpu.memory_space<vmem_shared>>
    tpu.wait_dma2 semaphore(%arg21 : memref<!tpu.dma_semaphore, #tpu.memory_space<semaphore_mem>>) src(%arg10 : memref<40x8xf32, #tpu.memory_space<vmem>>) dst(%dma_wait3A_440 : memref<40x8xf32, #tpu.memory_space<vmem_shared>>)
    %dma_wait3A_441 = arith.constant 0 : i32
    %dma_wait3A_442 = arith.constant 0 : i32
    %dma_wait3A_443 = arith.constant 0 : i32
    %dma_wait3A_444 = tpu.memref_slice %arg8[%dma_wait3A_441, %dma_wait3A_442, %dma_wait3A_443] : memref<4x40x128xf32, #tpu.memory_space<vmem>> -> memref<1x40x128xf32, #tpu.memory_space<vmem>>
    %dma_wait3A_445 = tpu.memref_squeeze %dma_wait3A_444 : memref<1x40x128xf32, #tpu.memory_space<vmem>> -> memref<40x128xf32, #tpu.memory_space<vmem>>
    %dma_wait3A_446 = arith.constant 0 : i32
    %dma_wait3A_447 = tpu.memref_slice %arg11[%add3A_39, %dma_wait3A_446] : memref<10240x128xf32, #tpu.memory_space<vmem_shared>> -> memref<40x128xf32, #tpu.memory_space<vmem_shared>>
    %dma_wait3A_448 = arith.constant 0 : i32
    %dma_wait3A_449 = tpu.memref_slice %arg11[%add3A_39, %dma_wait3A_448] : memref<10240x128xf32, #tpu.memory_space<vmem_shared>> -> memref<40x128xf32, #tpu.memory_space<vmem_shared>>
    %dma_wait3A_450 = arith.constant 0 : i32
    %dma_wait3A_451 = arith.constant 0 : i32
    %dma_wait3A_452 = tpu.memref_slice %arg8[%dma_wait3A_441, %dma_wait3A_450, %dma_wait3A_451] : memref<4x40x128xf32, #tpu.memory_space<vmem>> -> memref<1x40x128xf32, #tpu.memory_space<vmem>>
    %dma_wait3A_453 = tpu.memref_squeeze %dma_wait3A_452 : memref<1x40x128xf32, #tpu.memory_space<vmem>> -> memref<40x128xf32, #tpu.memory_space<vmem>>
    tpu.wait_dma2 semaphore(%arg14 : memref<!tpu.dma_semaphore, #tpu.memory_space<semaphore_mem>>) src(%dma_wait3A_453 : memref<40x128xf32, #tpu.memory_space<vmem>>) dst(%dma_wait3A_449 : memref<40x128xf32, #tpu.memory_space<vmem_shared>>)
    %dma_wait3A_454 = arith.constant 0 : i32
    %dma_wait3A_455 = tpu.memref_slice %arg12[%add3A_56, %dma_wait3A_454] : memref<10240x8xf32, #tpu.memory_space<vmem_shared>> -> memref<40x8xf32, #tpu.memory_space<vmem_shared>>
    %dma_wait3A_456 = arith.constant 0 : i32
    %dma_wait3A_457 = tpu.memref_slice %arg12[%add3A_56, %dma_wait3A_456] : memref<10240x8xf32, #tpu.memory_space<vmem_shared>> -> memref<40x8xf32, #tpu.memory_space<vmem_shared>>
    tpu.wait_dma2 semaphore(%arg22 : memref<!tpu.dma_semaphore, #tpu.memory_space<semaphore_mem>>) src(%arg10 : memref<40x8xf32, #tpu.memory_space<vmem>>) dst(%dma_wait3A_457 : memref<40x8xf32, #tpu.memory_space<vmem_shared>>)
    %dma_wait3A_458 = arith.constant 0 : i32
    %dma_wait3A_459 = arith.constant 0 : i32
    %dma_wait3A_460 = arith.constant 0 : i32
    %dma_wait3A_461 = tpu.memref_slice %arg8[%dma_wait3A_458, %dma_wait3A_459, %dma_wait3A_460] : memref<4x40x128xf32, #tpu.memory_space<vmem>> -> memref<1x40x128xf32, #tpu.memory_space<vmem>>
    %dma_wait3A_462 = tpu.memref_squeeze %dma_wait3A_461 : memref<1x40x128xf32, #tpu.memory_space<vmem>> -> memref<40x128xf32, #tpu.memory_space<vmem>>
    %dma_wait3A_463 = arith.constant 0 : i32
    %dma_wait3A_464 = tpu.memref_slice %arg11[%add3A_64, %dma_wait3A_463] : memref<10240x128xf32, #tpu.memory_space<vmem_shared>> -> memref<40x128xf32, #tpu.memory_space<vmem_shared>>
    %dma_wait3A_465 = arith.constant 0 : i32
    %dma_wait3A_466 = tpu.memref_slice %arg11[%add3A_64, %dma_wait3A_465] : memref<10240x128xf32, #tpu.memory_space<vmem_shared>> -> memref<40x128xf32, #tpu.memory_space<vmem_shared>>
    %dma_wait3A_467 = arith.constant 0 : i32
    %dma_wait3A_468 = arith.constant 0 : i32
    %dma_wait3A_469 = tpu.memref_slice %arg8[%dma_wait3A_458, %dma_wait3A_467, %dma_wait3A_468] : memref<4x40x128xf32, #tpu.memory_space<vmem>> -> memref<1x40x128xf32, #tpu.memory_space<vmem>>
    %dma_wait3A_470 = tpu.memref_squeeze %dma_wait3A_469 : memref<1x40x128xf32, #tpu.memory_space<vmem>> -> memref<40x128xf32, #tpu.memory_space<vmem>>
    tpu.wait_dma2 semaphore(%arg13 : memref<!tpu.dma_semaphore, #tpu.memory_space<semaphore_mem>>) src(%dma_wait3A_470 : memref<40x128xf32, #tpu.memory_space<vmem>>) dst(%dma_wait3A_466 : memref<40x128xf32, #tpu.memory_space<vmem_shared>>)
    %dma_wait3A_471 = arith.constant 0 : i32
    %dma_wait3A_472 = tpu.memref_slice %arg12[%add3A_81, %dma_wait3A_471] : memref<10240x8xf32, #tpu.memory_space<vmem_shared>> -> memref<40x8xf32, #tpu.memory_space<vmem_shared>>
    %dma_wait3A_473 = arith.constant 0 : i32
    %dma_wait3A_474 = tpu.memref_slice %arg12[%add3A_81, %dma_wait3A_473] : memref<10240x8xf32, #tpu.memory_space<vmem_shared>> -> memref<40x8xf32, #tpu.memory_space<vmem_shared>>
    tpu.wait_dma2 semaphore(%arg21 : memref<!tpu.dma_semaphore, #tpu.memory_space<semaphore_mem>>) src(%arg10 : memref<40x8xf32, #tpu.memory_space<vmem>>) dst(%dma_wait3A_474 : memref<40x8xf32, #tpu.memory_space<vmem_shared>>)
    %dma_wait3A_475 = arith.constant 0 : i32
    %dma_wait3A_476 = arith.constant 0 : i32
    %dma_wait3A_477 = arith.constant 0 : i32
    %dma_wait3A_478 = tpu.memref_slice %arg8[%dma_wait3A_475, %dma_wait3A_476, %dma_wait3A_477] : memref<4x40x128xf32, #tpu.memory_space<vmem>> -> memref<1x40x128xf32, #tpu.memory_space<vmem>>
    %dma_wait3A_479 = tpu.memref_squeeze %dma_wait3A_478 : memref<1x40x128xf32, #tpu.memory_space<vmem>> -> memref<40x128xf32, #tpu.memory_space<vmem>>
    %dma_wait3A_480 = arith.constant 0 : i32
    %dma_wait3A_481 = tpu.memref_slice %arg11[%add3A_89, %dma_wait3A_480] : memref<10240x128xf32, #tpu.memory_space<vmem_shared>> -> memref<40x128xf32, #tpu.memory_space<vmem_shared>>
    %dma_wait3A_482 = arith.constant 0 : i32
    %dma_wait3A_483 = tpu.memref_slice %arg11[%add3A_89, %dma_wait3A_482] : memref<10240x128xf32, #tpu.memory_space<vmem_shared>> -> memref<40x128xf32, #tpu.memory_space<vmem_shared>>
    %dma_wait3A_484 = arith.constant 0 : i32
    %dma_wait3A_485 = arith.constant 0 : i32
    %dma_wait3A_486 = tpu.memref_slice %arg8[%dma_wait3A_475, %dma_wait3A_484, %dma_wait3A_485] : memref<4x40x128xf32, #tpu.memory_space<vmem>> -> memref<1x40x128xf32, #tpu.memory_space<vmem>>
    %dma_wait3A_487 = tpu.memref_squeeze %dma_wait3A_486 : memref<1x40x128xf32, #tpu.memory_space<vmem>> -> memref<40x128xf32, #tpu.memory_space<vmem>>
    tpu.wait_dma2 semaphore(%arg14 : memref<!tpu.dma_semaphore, #tpu.memory_space<semaphore_mem>>) src(%dma_wait3A_487 : memref<40x128xf32, #tpu.memory_space<vmem>>) dst(%dma_wait3A_483 : memref<40x128xf32, #tpu.memory_space<vmem_shared>>)
    %dma_wait3A_488 = arith.constant 0 : i32
    %dma_wait3A_489 = tpu.memref_slice %arg12[%add3A_106, %dma_wait3A_488] : memref<10240x8xf32, #tpu.memory_space<vmem_shared>> -> memref<40x8xf32, #tpu.memory_space<vmem_shared>>
    %dma_wait3A_490 = arith.constant 0 : i32
    %dma_wait3A_491 = tpu.memref_slice %arg12[%add3A_106, %dma_wait3A_490] : memref<10240x8xf32, #tpu.memory_space<vmem_shared>> -> memref<40x8xf32, #tpu.memory_space<vmem_shared>>
    tpu.wait_dma2 semaphore(%arg22 : memref<!tpu.dma_semaphore, #tpu.memory_space<semaphore_mem>>) src(%arg10 : memref<40x8xf32, #tpu.memory_space<vmem>>) dst(%dma_wait3A_491 : memref<40x8xf32, #tpu.memory_space<vmem_shared>>)
    %dma_wait3A_492 = arith.constant 0 : i32
    %dma_wait3A_493 = arith.constant 0 : i32
    %dma_wait3A_494 = arith.constant 0 : i32
    %dma_wait3A_495 = tpu.memref_slice %arg8[%dma_wait3A_492, %dma_wait3A_493, %dma_wait3A_494] : memref<4x40x128xf32, #tpu.memory_space<vmem>> -> memref<1x40x128xf32, #tpu.memory_space<vmem>>
    %dma_wait3A_496 = tpu.memref_squeeze %dma_wait3A_495 : memref<1x40x128xf32, #tpu.memory_space<vmem>> -> memref<40x128xf32, #tpu.memory_space<vmem>>
    %dma_wait3A_497 = arith.constant 0 : i32
    %dma_wait3A_498 = tpu.memref_slice %arg11[%add3A_114, %dma_wait3A_497] : memref<10240x128xf32, #tpu.memory_space<vmem_shared>> -> memref<40x128xf32, #tpu.memory_space<vmem_shared>>
    %dma_wait3A_499 = arith.constant 0 : i32
    %dma_wait3A_500 = tpu.memref_slice %arg11[%add3A_114, %dma_wait3A_499] : memref<10240x128xf32, #tpu.memory_space<vmem_shared>> -> memref<40x128xf32, #tpu.memory_space<vmem_shared>>
    %dma_wait3A_501 = arith.constant 0 : i32
    %dma_wait3A_502 = arith.constant 0 : i32
    %dma_wait3A_503 = tpu.memref_slice %arg8[%dma_wait3A_492, %dma_wait3A_501, %dma_wait3A_502] : memref<4x40x128xf32, #tpu.memory_space<vmem>> -> memref<1x40x128xf32, #tpu.memory_space<vmem>>
    %dma_wait3A_504 = tpu.memref_squeeze %dma_wait3A_503 : memref<1x40x128xf32, #tpu.memory_space<vmem>> -> memref<40x128xf32, #tpu.memory_space<vmem>>
    tpu.wait_dma2 semaphore(%arg13 : memref<!tpu.dma_semaphore, #tpu.memory_space<semaphore_mem>>) src(%dma_wait3A_504 : memref<40x128xf32, #tpu.memory_space<vmem>>) dst(%dma_wait3A_500 : memref<40x128xf32, #tpu.memory_space<vmem_shared>>)
    %dma_wait3A_505 = arith.constant 0 : i32
    %dma_wait3A_506 = tpu.memref_slice %arg12[%add3A_131, %dma_wait3A_505] : memref<10240x8xf32, #tpu.memory_space<vmem_shared>> -> memref<40x8xf32, #tpu.memory_space<vmem_shared>>
    %dma_wait3A_507 = arith.constant 0 : i32
    %dma_wait3A_508 = tpu.memref_slice %arg12[%add3A_131, %dma_wait3A_507] : memref<10240x8xf32, #tpu.memory_space<vmem_shared>> -> memref<40x8xf32, #tpu.memory_space<vmem_shared>>
    tpu.wait_dma2 semaphore(%arg21 : memref<!tpu.dma_semaphore, #tpu.memory_space<semaphore_mem>>) src(%arg10 : memref<40x8xf32, #tpu.memory_space<vmem>>) dst(%dma_wait3A_508 : memref<40x8xf32, #tpu.memory_space<vmem_shared>>)
    %dma_wait3A_509 = arith.constant 0 : i32
    %dma_wait3A_510 = arith.constant 0 : i32
    %dma_wait3A_511 = arith.constant 0 : i32
    %dma_wait3A_512 = tpu.memref_slice %arg8[%dma_wait3A_509, %dma_wait3A_510, %dma_wait3A_511] : memref<4x40x128xf32, #tpu.memory_space<vmem>> -> memref<1x40x128xf32, #tpu.memory_space<vmem>>
    %dma_wait3A_513 = tpu.memref_squeeze %dma_wait3A_512 : memref<1x40x128xf32, #tpu.memory_space<vmem>> -> memref<40x128xf32, #tpu.memory_space<vmem>>
    %dma_wait3A_514 = arith.constant 0 : i32
    %dma_wait3A_515 = tpu.memref_slice %arg11[%add3A_139, %dma_wait3A_514] : memref<10240x128xf32, #tpu.memory_space<vmem_shared>> -> memref<40x128xf32, #tpu.memory_space<vmem_shared>>
    %dma_wait3A_516 = arith.constant 0 : i32
    %dma_wait3A_517 = tpu.memref_slice %arg11[%add3A_139, %dma_wait3A_516] : memref<10240x128xf32, #tpu.memory_space<vmem_shared>> -> memref<40x128xf32, #tpu.memory_space<vmem_shared>>
    %dma_wait3A_518 = arith.constant 0 : i32
    %dma_wait3A_519 = arith.constant 0 : i32
    %dma_wait3A_520 = tpu.memref_slice %arg8[%dma_wait3A_509, %dma_wait3A_518, %dma_wait3A_519] : memref<4x40x128xf32, #tpu.memory_space<vmem>> -> memref<1x40x128xf32, #tpu.memory_space<vmem>>
    %dma_wait3A_521 = tpu.memref_squeeze %dma_wait3A_520 : memref<1x40x128xf32, #tpu.memory_space<vmem>> -> memref<40x128xf32, #tpu.memory_space<vmem>>
    tpu.wait_dma2 semaphore(%arg14 : memref<!tpu.dma_semaphore, #tpu.memory_space<semaphore_mem>>) src(%dma_wait3A_521 : memref<40x128xf32, #tpu.memory_space<vmem>>) dst(%dma_wait3A_517 : memref<40x128xf32, #tpu.memory_space<vmem_shared>>)
    %dma_wait3A_522 = arith.constant 0 : i32
    %dma_wait3A_523 = tpu.memref_slice %arg12[%add3A_156, %dma_wait3A_522] : memref<10240x8xf32, #tpu.memory_space<vmem_shared>> -> memref<40x8xf32, #tpu.memory_space<vmem_shared>>
    %dma_wait3A_524 = arith.constant 0 : i32
    %dma_wait3A_525 = tpu.memref_slice %arg12[%add3A_156, %dma_wait3A_524] : memref<10240x8xf32, #tpu.memory_space<vmem_shared>> -> memref<40x8xf32, #tpu.memory_space<vmem_shared>>
    tpu.wait_dma2 semaphore(%arg22 : memref<!tpu.dma_semaphore, #tpu.memory_space<semaphore_mem>>) src(%arg10 : memref<40x8xf32, #tpu.memory_space<vmem>>) dst(%dma_wait3A_525 : memref<40x8xf32, #tpu.memory_space<vmem_shared>>)
    %dma_wait3A_526 = arith.constant 0 : i32
    %dma_wait3A_527 = arith.constant 0 : i32
    %dma_wait3A_528 = arith.constant 0 : i32
    %dma_wait3A_529 = tpu.memref_slice %arg8[%dma_wait3A_526, %dma_wait3A_527, %dma_wait3A_528] : memref<4x40x128xf32, #tpu.memory_space<vmem>> -> memref<1x40x128xf32, #tpu.memory_space<vmem>>
    %dma_wait3A_530 = tpu.memref_squeeze %dma_wait3A_529 : memref<1x40x128xf32, #tpu.memory_space<vmem>> -> memref<40x128xf32, #tpu.memory_space<vmem>>
    %dma_wait3A_531 = arith.constant 0 : i32
    %dma_wait3A_532 = tpu.memref_slice %arg11[%add3A_164, %dma_wait3A_531] : memref<10240x128xf32, #tpu.memory_space<vmem_shared>> -> memref<40x128xf32, #tpu.memory_space<vmem_shared>>
    %dma_wait3A_533 = arith.constant 0 : i32
    %dma_wait3A_534 = tpu.memref_slice %arg11[%add3A_164, %dma_wait3A_533] : memref<10240x128xf32, #tpu.memory_space<vmem_shared>> -> memref<40x128xf32, #tpu.memory_space<vmem_shared>>
    %dma_wait3A_535 = arith.constant 0 : i32
    %dma_wait3A_536 = arith.constant 0 : i32
    %dma_wait3A_537 = tpu.memref_slice %arg8[%dma_wait3A_526, %dma_wait3A_535, %dma_wait3A_536] : memref<4x40x128xf32, #tpu.memory_space<vmem>> -> memref<1x40x128xf32, #tpu.memory_space<vmem>>
    %dma_wait3A_538 = tpu.memref_squeeze %dma_wait3A_537 : memref<1x40x128xf32, #tpu.memory_space<vmem>> -> memref<40x128xf32, #tpu.memory_space<vmem>>
    tpu.wait_dma2 semaphore(%arg13 : memref<!tpu.dma_semaphore, #tpu.memory_space<semaphore_mem>>) src(%dma_wait3A_538 : memref<40x128xf32, #tpu.memory_space<vmem>>) dst(%dma_wait3A_534 : memref<40x128xf32, #tpu.memory_space<vmem_shared>>)
    %dma_wait3A_539 = arith.constant 0 : i32
    %dma_wait3A_540 = tpu.memref_slice %arg12[%add3A_181, %dma_wait3A_539] : memref<10240x8xf32, #tpu.memory_space<vmem_shared>> -> memref<40x8xf32, #tpu.memory_space<vmem_shared>>
    %dma_wait3A_541 = arith.constant 0 : i32
    %dma_wait3A_542 = tpu.memref_slice %arg12[%add3A_181, %dma_wait3A_541] : memref<10240x8xf32, #tpu.memory_space<vmem_shared>> -> memref<40x8xf32, #tpu.memory_space<vmem_shared>>
    tpu.wait_dma2 semaphore(%arg21 : memref<!tpu.dma_semaphore, #tpu.memory_space<semaphore_mem>>) src(%arg10 : memref<40x8xf32, #tpu.memory_space<vmem>>) dst(%dma_wait3A_542 : memref<40x8xf32, #tpu.memory_space<vmem_shared>>)
    %dma_wait3A_543 = arith.constant 0 : i32
    %dma_wait3A_544 = arith.constant 0 : i32
    %dma_wait3A_545 = arith.constant 0 : i32
    %dma_wait3A_546 = tpu.memref_slice %arg8[%dma_wait3A_543, %dma_wait3A_544, %dma_wait3A_545] : memref<4x40x128xf32, #tpu.memory_space<vmem>> -> memref<1x40x128xf32, #tpu.memory_space<vmem>>
    %dma_wait3A_547 = tpu.memref_squeeze %dma_wait3A_546 : memref<1x40x128xf32, #tpu.memory_space<vmem>> -> memref<40x128xf32, #tpu.memory_space<vmem>>
    %dma_wait3A_548 = arith.constant 0 : i32
    %dma_wait3A_549 = tpu.memref_slice %arg11[%add3A_189, %dma_wait3A_548] : memref<10240x128xf32, #tpu.memory_space<vmem_shared>> -> memref<40x128xf32, #tpu.memory_space<vmem_shared>>
    %dma_wait3A_550 = arith.constant 0 : i32
    %dma_wait3A_551 = tpu.memref_slice %arg11[%add3A_189, %dma_wait3A_550] : memref<10240x128xf32, #tpu.memory_space<vmem_shared>> -> memref<40x128xf32, #tpu.memory_space<vmem_shared>>
    %dma_wait3A_552 = arith.constant 0 : i32
    %dma_wait3A_553 = arith.constant 0 : i32
    %dma_wait3A_554 = tpu.memref_slice %arg8[%dma_wait3A_543, %dma_wait3A_552, %dma_wait3A_553] : memref<4x40x128xf32, #tpu.memory_space<vmem>> -> memref<1x40x128xf32, #tpu.memory_space<vmem>>
    %dma_wait3A_555 = tpu.memref_squeeze %dma_wait3A_554 : memref<1x40x128xf32, #tpu.memory_space<vmem>> -> memref<40x128xf32, #tpu.memory_space<vmem>>
    tpu.wait_dma2 semaphore(%arg14 : memref<!tpu.dma_semaphore, #tpu.memory_space<semaphore_mem>>) src(%dma_wait3A_555 : memref<40x128xf32, #tpu.memory_space<vmem>>) dst(%dma_wait3A_551 : memref<40x128xf32, #tpu.memory_space<vmem_shared>>)
    %dma_wait3A_556 = arith.constant 0 : i32
    %dma_wait3A_557 = tpu.memref_slice %arg12[%add3A_206, %dma_wait3A_556] : memref<10240x8xf32, #tpu.memory_space<vmem_shared>> -> memref<40x8xf32, #tpu.memory_space<vmem_shared>>
    %dma_wait3A_558 = arith.constant 0 : i32
    %dma_wait3A_559 = tpu.memref_slice %arg12[%add3A_206, %dma_wait3A_558] : memref<10240x8xf32, #tpu.memory_space<vmem_shared>> -> memref<40x8xf32, #tpu.memory_space<vmem_shared>>
    tpu.wait_dma2 semaphore(%arg22 : memref<!tpu.dma_semaphore, #tpu.memory_space<semaphore_mem>>) src(%arg10 : memref<40x8xf32, #tpu.memory_space<vmem>>) dst(%dma_wait3A_559 : memref<40x8xf32, #tpu.memory_space<vmem_shared>>)
    %dma_wait3A_560 = arith.constant 0 : i32
    %dma_wait3A_561 = arith.constant 0 : i32
    %dma_wait3A_562 = arith.constant 0 : i32
    %dma_wait3A_563 = tpu.memref_slice %arg8[%dma_wait3A_560, %dma_wait3A_561, %dma_wait3A_562] : memref<4x40x128xf32, #tpu.memory_space<vmem>> -> memref<1x40x128xf32, #tpu.memory_space<vmem>>
    %dma_wait3A_564 = tpu.memref_squeeze %dma_wait3A_563 : memref<1x40x128xf32, #tpu.memory_space<vmem>> -> memref<40x128xf32, #tpu.memory_space<vmem>>
    %dma_wait3A_565 = arith.constant 0 : i32
    %dma_wait3A_566 = tpu.memref_slice %arg11[%add3A_214, %dma_wait3A_565] : memref<10240x128xf32, #tpu.memory_space<vmem_shared>> -> memref<40x128xf32, #tpu.memory_space<vmem_shared>>
    %dma_wait3A_567 = arith.constant 0 : i32
    %dma_wait3A_568 = tpu.memref_slice %arg11[%add3A_214, %dma_wait3A_567] : memref<10240x128xf32, #tpu.memory_space<vmem_shared>> -> memref<40x128xf32, #tpu.memory_space<vmem_shared>>
    %dma_wait3A_569 = arith.constant 0 : i32
    %dma_wait3A_570 = arith.constant 0 : i32
    %dma_wait3A_571 = tpu.memref_slice %arg8[%dma_wait3A_560, %dma_wait3A_569, %dma_wait3A_570] : memref<4x40x128xf32, #tpu.memory_space<vmem>> -> memref<1x40x128xf32, #tpu.memory_space<vmem>>
    %dma_wait3A_572 = tpu.memref_squeeze %dma_wait3A_571 : memref<1x40x128xf32, #tpu.memory_space<vmem>> -> memref<40x128xf32, #tpu.memory_space<vmem>>
    tpu.wait_dma2 semaphore(%arg13 : memref<!tpu.dma_semaphore, #tpu.memory_space<semaphore_mem>>) src(%dma_wait3A_572 : memref<40x128xf32, #tpu.memory_space<vmem>>) dst(%dma_wait3A_568 : memref<40x128xf32, #tpu.memory_space<vmem_shared>>)
    %dma_wait3A_573 = arith.constant 0 : i32
    %dma_wait3A_574 = tpu.memref_slice %arg12[%add3A_231, %dma_wait3A_573] : memref<10240x8xf32, #tpu.memory_space<vmem_shared>> -> memref<40x8xf32, #tpu.memory_space<vmem_shared>>
    %dma_wait3A_575 = arith.constant 0 : i32
    %dma_wait3A_576 = tpu.memref_slice %arg12[%add3A_231, %dma_wait3A_575] : memref<10240x8xf32, #tpu.memory_space<vmem_shared>> -> memref<40x8xf32, #tpu.memory_space<vmem_shared>>
    tpu.wait_dma2 semaphore(%arg21 : memref<!tpu.dma_semaphore, #tpu.memory_space<semaphore_mem>>) src(%arg10 : memref<40x8xf32, #tpu.memory_space<vmem>>) dst(%dma_wait3A_576 : memref<40x8xf32, #tpu.memory_space<vmem_shared>>)
    %dma_wait3A_577 = arith.constant 0 : i32
    %dma_wait3A_578 = arith.constant 0 : i32
    %dma_wait3A_579 = arith.constant 0 : i32
    %dma_wait3A_580 = tpu.memref_slice %arg8[%dma_wait3A_577, %dma_wait3A_578, %dma_wait3A_579] : memref<4x40x128xf32, #tpu.memory_space<vmem>> -> memref<1x40x128xf32, #tpu.memory_space<vmem>>
    %dma_wait3A_581 = tpu.memref_squeeze %dma_wait3A_580 : memref<1x40x128xf32, #tpu.memory_space<vmem>> -> memref<40x128xf32, #tpu.memory_space<vmem>>
    %dma_wait3A_582 = arith.constant 0 : i32
    %dma_wait3A_583 = tpu.memref_slice %arg11[%add3A_239, %dma_wait3A_582] : memref<10240x128xf32, #tpu.memory_space<vmem_shared>> -> memref<40x128xf32, #tpu.memory_space<vmem_shared>>
    %dma_wait3A_584 = arith.constant 0 : i32
    %dma_wait3A_585 = tpu.memref_slice %arg11[%add3A_239, %dma_wait3A_584] : memref<10240x128xf32, #tpu.memory_space<vmem_shared>> -> memref<40x128xf32, #tpu.memory_space<vmem_shared>>
    %dma_wait3A_586 = arith.constant 0 : i32
    %dma_wait3A_587 = arith.constant 0 : i32
    %dma_wait3A_588 = tpu.memref_slice %arg8[%dma_wait3A_577, %dma_wait3A_586, %dma_wait3A_587] : memref<4x40x128xf32, #tpu.memory_space<vmem>> -> memref<1x40x128xf32, #tpu.memory_space<vmem>>
    %dma_wait3A_589 = tpu.memref_squeeze %dma_wait3A_588 : memref<1x40x128xf32, #tpu.memory_space<vmem>> -> memref<40x128xf32, #tpu.memory_space<vmem>>
    tpu.wait_dma2 semaphore(%arg14 : memref<!tpu.dma_semaphore, #tpu.memory_space<semaphore_mem>>) src(%dma_wait3A_589 : memref<40x128xf32, #tpu.memory_space<vmem>>) dst(%dma_wait3A_585 : memref<40x128xf32, #tpu.memory_space<vmem_shared>>)
    %dma_wait3A_590 = arith.constant 0 : i32
    %dma_wait3A_591 = tpu.memref_slice %arg12[%add3A_256, %dma_wait3A_590] : memref<10240x8xf32, #tpu.memory_space<vmem_shared>> -> memref<40x8xf32, #tpu.memory_space<vmem_shared>>
    %dma_wait3A_592 = arith.constant 0 : i32
    %dma_wait3A_593 = tpu.memref_slice %arg12[%add3A_256, %dma_wait3A_592] : memref<10240x8xf32, #tpu.memory_space<vmem_shared>> -> memref<40x8xf32, #tpu.memory_space<vmem_shared>>
    tpu.wait_dma2 semaphore(%arg22 : memref<!tpu.dma_semaphore, #tpu.memory_space<semaphore_mem>>) src(%arg10 : memref<40x8xf32, #tpu.memory_space<vmem>>) dst(%dma_wait3A_593 : memref<40x8xf32, #tpu.memory_space<vmem_shared>>)
    %dma_wait3A_594 = arith.constant 0 : i32
    %dma_wait3A_595 = arith.constant 0 : i32
    %dma_wait3A_596 = arith.constant 0 : i32
    %dma_wait3A_597 = tpu.memref_slice %arg8[%dma_wait3A_594, %dma_wait3A_595, %dma_wait3A_596] : memref<4x40x128xf32, #tpu.memory_space<vmem>> -> memref<1x40x128xf32, #tpu.memory_space<vmem>>
    %dma_wait3A_598 = tpu.memref_squeeze %dma_wait3A_597 : memref<1x40x128xf32, #tpu.memory_space<vmem>> -> memref<40x128xf32, #tpu.memory_space<vmem>>
    %dma_wait3A_599 = arith.constant 0 : i32
    %dma_wait3A_600 = tpu.memref_slice %arg11[%add3A_264, %dma_wait3A_599] : memref<10240x128xf32, #tpu.memory_space<vmem_shared>> -> memref<40x128xf32, #tpu.memory_space<vmem_shared>>
    %dma_wait3A_601 = arith.constant 0 : i32
    %dma_wait3A_602 = tpu.memref_slice %arg11[%add3A_264, %dma_wait3A_601] : memref<10240x128xf32, #tpu.memory_space<vmem_shared>> -> memref<40x128xf32, #tpu.memory_space<vmem_shared>>
    %dma_wait3A_603 = arith.constant 0 : i32
    %dma_wait3A_604 = arith.constant 0 : i32
    %dma_wait3A_605 = tpu.memref_slice %arg8[%dma_wait3A_594, %dma_wait3A_603, %dma_wait3A_604] : memref<4x40x128xf32, #tpu.memory_space<vmem>> -> memref<1x40x128xf32, #tpu.memory_space<vmem>>
    %dma_wait3A_606 = tpu.memref_squeeze %dma_wait3A_605 : memref<1x40x128xf32, #tpu.memory_space<vmem>> -> memref<40x128xf32, #tpu.memory_space<vmem>>
    tpu.wait_dma2 semaphore(%arg13 : memref<!tpu.dma_semaphore, #tpu.memory_space<semaphore_mem>>) src(%dma_wait3A_606 : memref<40x128xf32, #tpu.memory_space<vmem>>) dst(%dma_wait3A_602 : memref<40x128xf32, #tpu.memory_space<vmem_shared>>)
    %dma_wait3A_607 = arith.constant 0 : i32
    %dma_wait3A_608 = tpu.memref_slice %arg12[%add3A_281, %dma_wait3A_607] : memref<10240x8xf32, #tpu.memory_space<vmem_shared>> -> memref<40x8xf32, #tpu.memory_space<vmem_shared>>
    %dma_wait3A_609 = arith.constant 0 : i32
    %dma_wait3A_610 = tpu.memref_slice %arg12[%add3A_281, %dma_wait3A_609] : memref<10240x8xf32, #tpu.memory_space<vmem_shared>> -> memref<40x8xf32, #tpu.memory_space<vmem_shared>>
    tpu.wait_dma2 semaphore(%arg21 : memref<!tpu.dma_semaphore, #tpu.memory_space<semaphore_mem>>) src(%arg10 : memref<40x8xf32, #tpu.memory_space<vmem>>) dst(%dma_wait3A_610 : memref<40x8xf32, #tpu.memory_space<vmem_shared>>)
    %dma_wait3A_611 = arith.constant 0 : i32
    %dma_wait3A_612 = arith.constant 0 : i32
    %dma_wait3A_613 = arith.constant 0 : i32
    %dma_wait3A_614 = tpu.memref_slice %arg8[%dma_wait3A_611, %dma_wait3A_612, %dma_wait3A_613] : memref<4x40x128xf32, #tpu.memory_space<vmem>> -> memref<1x40x128xf32, #tpu.memory_space<vmem>>
    %dma_wait3A_615 = tpu.memref_squeeze %dma_wait3A_614 : memref<1x40x128xf32, #tpu.memory_space<vmem>> -> memref<40x128xf32, #tpu.memory_space<vmem>>
    %dma_wait3A_616 = arith.constant 0 : i32
    %dma_wait3A_617 = tpu.memref_slice %arg11[%add3A_289, %dma_wait3A_616] : memref<10240x128xf32, #tpu.memory_space<vmem_shared>> -> memref<40x128xf32, #tpu.memory_space<vmem_shared>>
    %dma_wait3A_618 = arith.constant 0 : i32
    %dma_wait3A_619 = tpu.memref_slice %arg11[%add3A_289, %dma_wait3A_618] : memref<10240x128xf32, #tpu.memory_space<vmem_shared>> -> memref<40x128xf32, #tpu.memory_space<vmem_shared>>
    %dma_wait3A_620 = arith.constant 0 : i32
    %dma_wait3A_621 = arith.constant 0 : i32
    %dma_wait3A_622 = tpu.memref_slice %arg8[%dma_wait3A_611, %dma_wait3A_620, %dma_wait3A_621] : memref<4x40x128xf32, #tpu.memory_space<vmem>> -> memref<1x40x128xf32, #tpu.memory_space<vmem>>
    %dma_wait3A_623 = tpu.memref_squeeze %dma_wait3A_622 : memref<1x40x128xf32, #tpu.memory_space<vmem>> -> memref<40x128xf32, #tpu.memory_space<vmem>>
    tpu.wait_dma2 semaphore(%arg14 : memref<!tpu.dma_semaphore, #tpu.memory_space<semaphore_mem>>) src(%dma_wait3A_623 : memref<40x128xf32, #tpu.memory_space<vmem>>) dst(%dma_wait3A_619 : memref<40x128xf32, #tpu.memory_space<vmem_shared>>)
    %dma_wait3A_624 = arith.constant 0 : i32
    %dma_wait3A_625 = tpu.memref_slice %arg12[%add3A_306, %dma_wait3A_624] : memref<10240x8xf32, #tpu.memory_space<vmem_shared>> -> memref<40x8xf32, #tpu.memory_space<vmem_shared>>
    %dma_wait3A_626 = arith.constant 0 : i32
    %dma_wait3A_627 = tpu.memref_slice %arg12[%add3A_306, %dma_wait3A_626] : memref<10240x8xf32, #tpu.memory_space<vmem_shared>> -> memref<40x8xf32, #tpu.memory_space<vmem_shared>>
    tpu.wait_dma2 semaphore(%arg22 : memref<!tpu.dma_semaphore, #tpu.memory_space<semaphore_mem>>) src(%arg10 : memref<40x8xf32, #tpu.memory_space<vmem>>) dst(%dma_wait3A_627 : memref<40x8xf32, #tpu.memory_space<vmem_shared>>)
    %dma_wait3A_628 = arith.constant 0 : i32
    %dma_wait3A_629 = arith.constant 0 : i32
    %dma_wait3A_630 = arith.constant 0 : i32
    %dma_wait3A_631 = tpu.memref_slice %arg8[%dma_wait3A_628, %dma_wait3A_629, %dma_wait3A_630] : memref<4x40x128xf32, #tpu.memory_space<vmem>> -> memref<1x40x128xf32, #tpu.memory_space<vmem>>
    %dma_wait3A_632 = tpu.memref_squeeze %dma_wait3A_631 : memref<1x40x128xf32, #tpu.memory_space<vmem>> -> memref<40x128xf32, #tpu.memory_space<vmem>>
    %dma_wait3A_633 = arith.constant 0 : i32
    %dma_wait3A_634 = tpu.memref_slice %arg11[%add3A_314, %dma_wait3A_633] : memref<10240x128xf32, #tpu.memory_space<vmem_shared>> -> memref<40x128xf32, #tpu.memory_space<vmem_shared>>
    %dma_wait3A_635 = arith.constant 0 : i32
    %dma_wait3A_636 = tpu.memref_slice %arg11[%add3A_314, %dma_wait3A_635] : memref<10240x128xf32, #tpu.memory_space<vmem_shared>> -> memref<40x128xf32, #tpu.memory_space<vmem_shared>>
    %dma_wait3A_637 = arith.constant 0 : i32
    %dma_wait3A_638 = arith.constant 0 : i32
    %dma_wait3A_639 = tpu.memref_slice %arg8[%dma_wait3A_628, %dma_wait3A_637, %dma_wait3A_638] : memref<4x40x128xf32, #tpu.memory_space<vmem>> -> memref<1x40x128xf32, #tpu.memory_space<vmem>>
    %dma_wait3A_640 = tpu.memref_squeeze %dma_wait3A_639 : memref<1x40x128xf32, #tpu.memory_space<vmem>> -> memref<40x128xf32, #tpu.memory_space<vmem>>
    tpu.wait_dma2 semaphore(%arg13 : memref<!tpu.dma_semaphore, #tpu.memory_space<semaphore_mem>>) src(%dma_wait3A_640 : memref<40x128xf32, #tpu.memory_space<vmem>>) dst(%dma_wait3A_636 : memref<40x128xf32, #tpu.memory_space<vmem_shared>>)
    %dma_wait3A_641 = arith.constant 0 : i32
    %dma_wait3A_642 = tpu.memref_slice %arg12[%add3A_331, %dma_wait3A_641] : memref<10240x8xf32, #tpu.memory_space<vmem_shared>> -> memref<40x8xf32, #tpu.memory_space<vmem_shared>>
    %dma_wait3A_643 = arith.constant 0 : i32
    %dma_wait3A_644 = tpu.memref_slice %arg12[%add3A_331, %dma_wait3A_643] : memref<10240x8xf32, #tpu.memory_space<vmem_shared>> -> memref<40x8xf32, #tpu.memory_space<vmem_shared>>
    tpu.wait_dma2 semaphore(%arg21 : memref<!tpu.dma_semaphore, #tpu.memory_space<semaphore_mem>>) src(%arg10 : memref<40x8xf32, #tpu.memory_space<vmem>>) dst(%dma_wait3A_644 : memref<40x8xf32, #tpu.memory_space<vmem_shared>>)
    %dma_wait3A_645 = arith.constant 0 : i32
    %dma_wait3A_646 = arith.constant 0 : i32
    %dma_wait3A_647 = arith.constant 0 : i32
    %dma_wait3A_648 = tpu.memref_slice %arg8[%dma_wait3A_645, %dma_wait3A_646, %dma_wait3A_647] : memref<4x40x128xf32, #tpu.memory_space<vmem>> -> memref<1x40x128xf32, #tpu.memory_space<vmem>>
    %dma_wait3A_649 = tpu.memref_squeeze %dma_wait3A_648 : memref<1x40x128xf32, #tpu.memory_space<vmem>> -> memref<40x128xf32, #tpu.memory_space<vmem>>
    %dma_wait3A_650 = arith.constant 0 : i32
    %dma_wait3A_651 = tpu.memref_slice %arg11[%add3A_339, %dma_wait3A_650] : memref<10240x128xf32, #tpu.memory_space<vmem_shared>> -> memref<40x128xf32, #tpu.memory_space<vmem_shared>>
    %dma_wait3A_652 = arith.constant 0 : i32
    %dma_wait3A_653 = tpu.memref_slice %arg11[%add3A_339, %dma_wait3A_652] : memref<10240x128xf32, #tpu.memory_space<vmem_shared>> -> memref<40x128xf32, #tpu.memory_space<vmem_shared>>
    %dma_wait3A_654 = arith.constant 0 : i32
    %dma_wait3A_655 = arith.constant 0 : i32
    %dma_wait3A_656 = tpu.memref_slice %arg8[%dma_wait3A_645, %dma_wait3A_654, %dma_wait3A_655] : memref<4x40x128xf32, #tpu.memory_space<vmem>> -> memref<1x40x128xf32, #tpu.memory_space<vmem>>
    %dma_wait3A_657 = tpu.memref_squeeze %dma_wait3A_656 : memref<1x40x128xf32, #tpu.memory_space<vmem>> -> memref<40x128xf32, #tpu.memory_space<vmem>>
    tpu.wait_dma2 semaphore(%arg14 : memref<!tpu.dma_semaphore, #tpu.memory_space<semaphore_mem>>) src(%dma_wait3A_657 : memref<40x128xf32, #tpu.memory_space<vmem>>) dst(%dma_wait3A_653 : memref<40x128xf32, #tpu.memory_space<vmem_shared>>)
    %dma_wait3A_658 = arith.constant 0 : i32
    %dma_wait3A_659 = tpu.memref_slice %arg12[%add3A_356, %dma_wait3A_658] : memref<10240x8xf32, #tpu.memory_space<vmem_shared>> -> memref<40x8xf32, #tpu.memory_space<vmem_shared>>
    %dma_wait3A_660 = arith.constant 0 : i32
    %dma_wait3A_661 = tpu.memref_slice %arg12[%add3A_356, %dma_wait3A_660] : memref<10240x8xf32, #tpu.memory_space<vmem_shared>> -> memref<40x8xf32, #tpu.memory_space<vmem_shared>>
    tpu.wait_dma2 semaphore(%arg22 : memref<!tpu.dma_semaphore, #tpu.memory_space<semaphore_mem>>) src(%arg10 : memref<40x8xf32, #tpu.memory_space<vmem>>) dst(%dma_wait3A_661 : memref<40x8xf32, #tpu.memory_space<vmem_shared>>)
    %dma_wait3A_662 = arith.constant 0 : i32
    %dma_wait3A_663 = arith.constant 0 : i32
    %dma_wait3A_664 = arith.constant 0 : i32
    %dma_wait3A_665 = tpu.memref_slice %arg8[%dma_wait3A_662, %dma_wait3A_663, %dma_wait3A_664] : memref<4x40x128xf32, #tpu.memory_space<vmem>> -> memref<1x40x128xf32, #tpu.memory_space<vmem>>
    %dma_wait3A_666 = tpu.memref_squeeze %dma_wait3A_665 : memref<1x40x128xf32, #tpu.memory_space<vmem>> -> memref<40x128xf32, #tpu.memory_space<vmem>>
    %dma_wait3A_667 = arith.constant 0 : i32
    %dma_wait3A_668 = tpu.memref_slice %arg11[%add3A_364, %dma_wait3A_667] : memref<10240x128xf32, #tpu.memory_space<vmem_shared>> -> memref<40x128xf32, #tpu.memory_space<vmem_shared>>
    %dma_wait3A_669 = arith.constant 0 : i32
    %dma_wait3A_670 = tpu.memref_slice %arg11[%add3A_364, %dma_wait3A_669] : memref<10240x128xf32, #tpu.memory_space<vmem_shared>> -> memref<40x128xf32, #tpu.memory_space<vmem_shared>>
    %dma_wait3A_671 = arith.constant 0 : i32
    %dma_wait3A_672 = arith.constant 0 : i32
    %dma_wait3A_673 = tpu.memref_slice %arg8[%dma_wait3A_662, %dma_wait3A_671, %dma_wait3A_672] : memref<4x40x128xf32, #tpu.memory_space<vmem>> -> memref<1x40x128xf32, #tpu.memory_space<vmem>>
    %dma_wait3A_674 = tpu.memref_squeeze %dma_wait3A_673 : memref<1x40x128xf32, #tpu.memory_space<vmem>> -> memref<40x128xf32, #tpu.memory_space<vmem>>
    tpu.wait_dma2 semaphore(%arg13 : memref<!tpu.dma_semaphore, #tpu.memory_space<semaphore_mem>>) src(%dma_wait3A_674 : memref<40x128xf32, #tpu.memory_space<vmem>>) dst(%dma_wait3A_670 : memref<40x128xf32, #tpu.memory_space<vmem_shared>>)
    %dma_wait3A_675 = arith.constant 0 : i32
    %dma_wait3A_676 = tpu.memref_slice %arg12[%add3A_381, %dma_wait3A_675] : memref<10240x8xf32, #tpu.memory_space<vmem_shared>> -> memref<40x8xf32, #tpu.memory_space<vmem_shared>>
    %dma_wait3A_677 = arith.constant 0 : i32
    %dma_wait3A_678 = tpu.memref_slice %arg12[%add3A_381, %dma_wait3A_677] : memref<10240x8xf32, #tpu.memory_space<vmem_shared>> -> memref<40x8xf32, #tpu.memory_space<vmem_shared>>
    tpu.wait_dma2 semaphore(%arg21 : memref<!tpu.dma_semaphore, #tpu.memory_space<semaphore_mem>>) src(%arg10 : memref<40x8xf32, #tpu.memory_space<vmem>>) dst(%dma_wait3A_678 : memref<40x8xf32, #tpu.memory_space<vmem_shared>>)
    %dma_wait3A_679 = arith.constant 0 : i32
    %dma_wait3A_680 = arith.constant 0 : i32
    %dma_wait3A_681 = arith.constant 0 : i32
    %dma_wait3A_682 = tpu.memref_slice %arg8[%dma_wait3A_679, %dma_wait3A_680, %dma_wait3A_681] : memref<4x40x128xf32, #tpu.memory_space<vmem>> -> memref<1x40x128xf32, #tpu.memory_space<vmem>>
    %dma_wait3A_683 = tpu.memref_squeeze %dma_wait3A_682 : memref<1x40x128xf32, #tpu.memory_space<vmem>> -> memref<40x128xf32, #tpu.memory_space<vmem>>
    %dma_wait3A_684 = arith.constant 0 : i32
    %dma_wait3A_685 = tpu.memref_slice %arg11[%add3A_389, %dma_wait3A_684] : memref<10240x128xf32, #tpu.memory_space<vmem_shared>> -> memref<40x128xf32, #tpu.memory_space<vmem_shared>>
    %dma_wait3A_686 = arith.constant 0 : i32
    %dma_wait3A_687 = tpu.memref_slice %arg11[%add3A_389, %dma_wait3A_686] : memref<10240x128xf32, #tpu.memory_space<vmem_shared>> -> memref<40x128xf32, #tpu.memory_space<vmem_shared>>
    %dma_wait3A_688 = arith.constant 0 : i32
    %dma_wait3A_689 = arith.constant 0 : i32
    %dma_wait3A_690 = tpu.memref_slice %arg8[%dma_wait3A_679, %dma_wait3A_688, %dma_wait3A_689] : memref<4x40x128xf32, #tpu.memory_space<vmem>> -> memref<1x40x128xf32, #tpu.memory_space<vmem>>
    %dma_wait3A_691 = tpu.memref_squeeze %dma_wait3A_690 : memref<1x40x128xf32, #tpu.memory_space<vmem>> -> memref<40x128xf32, #tpu.memory_space<vmem>>
    tpu.wait_dma2 semaphore(%arg14 : memref<!tpu.dma_semaphore, #tpu.memory_space<semaphore_mem>>) src(%dma_wait3A_691 : memref<40x128xf32, #tpu.memory_space<vmem>>) dst(%dma_wait3A_687 : memref<40x128xf32, #tpu.memory_space<vmem_shared>>)
    %dma_wait3A_692 = arith.constant 0 : i32
    %dma_wait3A_693 = tpu.memref_slice %arg12[%add3A_406, %dma_wait3A_692] : memref<10240x8xf32, #tpu.memory_space<vmem_shared>> -> memref<40x8xf32, #tpu.memory_space<vmem_shared>>
    %dma_wait3A_694 = arith.constant 0 : i32
    %dma_wait3A_695 = tpu.memref_slice %arg12[%add3A_406, %dma_wait3A_694] : memref<10240x8xf32, #tpu.memory_space<vmem_shared>> -> memref<40x8xf32, #tpu.memory_space<vmem_shared>>
    tpu.wait_dma2 semaphore(%arg22 : memref<!tpu.dma_semaphore, #tpu.memory_space<semaphore_mem>>) src(%arg10 : memref<40x8xf32, #tpu.memory_space<vmem>>) dst(%dma_wait3A_695 : memref<40x8xf32, #tpu.memory_space<vmem_shared>>)
    %dma_wait3A_696 = arith.constant 0 : i32
    %dma_wait3A_697 = tpu.memref_slice %arg3[%dma_wait3A_696, %mul3A_412] : memref<2x320000xi32, #tpu.memory_space<hbm>> -> memref<1x10000xi32, #tpu.memory_space<hbm>>
    %dma_wait3A_698 = tpu.memref_squeeze %dma_wait3A_697 : memref<1x10000xi32, #tpu.memory_space<hbm>> -> memref<10000xi32, #tpu.memory_space<hbm>>
    %dma_wait3A_699 = tpu.memref_slice %arg3[%dma_wait3A_696, %mul3A_412] : memref<2x320000xi32, #tpu.memory_space<hbm>> -> memref<1x10000xi32, #tpu.memory_space<hbm>>
    %dma_wait3A_700 = tpu.memref_squeeze %dma_wait3A_699 : memref<1x10000xi32, #tpu.memory_space<hbm>> -> memref<10000xi32, #tpu.memory_space<hbm>>
    tpu.wait_dma2 semaphore(%arg15 : memref<!tpu.dma_semaphore, #tpu.memory_space<semaphore_mem>>) src(%dma_wait3A_700 : memref<10000xi32, #tpu.memory_space<hbm>>) dst(%arg6 : memref<10000xi32, #tpu.memory_space<vmem>>)
    %dma_wait3A_701 = arith.constant 1 : i32
    %dma_wait3A_702 = tpu.memref_slice %arg3[%dma_wait3A_701, %mul3A_419] : memref<2x320000xi32, #tpu.memory_space<hbm>> -> memref<1x10000xi32, #tpu.memory_space<hbm>>
    %dma_wait3A_703 = tpu.memref_squeeze %dma_wait3A_702 : memref<1x10000xi32, #tpu.memory_space<hbm>> -> memref<10000xi32, #tpu.memory_space<hbm>>
    %dma_wait3A_704 = tpu.memref_slice %arg3[%dma_wait3A_701, %mul3A_419] : memref<2x320000xi32, #tpu.memory_space<hbm>> -> memref<1x10000xi32, #tpu.memory_space<hbm>>
    %dma_wait3A_705 = tpu.memref_squeeze %dma_wait3A_704 : memref<1x10000xi32, #tpu.memory_space<hbm>> -> memref<10000xi32, #tpu.memory_space<hbm>>
    tpu.wait_dma2 semaphore(%arg16 : memref<!tpu.dma_semaphore, #tpu.memory_space<semaphore_mem>>) src(%dma_wait3A_705 : memref<10000xi32, #tpu.memory_space<hbm>>) dst(%arg7 : memref<10000xi32, #tpu.memory_space<vmem>>)
    %barrier3A = arith.constant 0 : index
    tpu.barrier barrier_id(%barrier3A)
    %dma_start3A_706 = arith.constant 0 : i32
    %dma_start3A_707 = arith.constant 0 : i32
    %dma_start3A_708 = arith.constant 0 : i32
    %dma_start3A_709 = tpu.memref_slice %arg8[%dma_start3A_706, %dma_start3A_707, %dma_start3A_708] : memref<4x40x128xf32, #tpu.memory_space<vmem>> -> memref<1x40x128xf32, #tpu.memory_space<vmem>>
    %dma_start3A_710 = tpu.memref_squeeze %dma_start3A_709 : memref<1x40x128xf32, #tpu.memory_space<vmem>> -> memref<40x128xf32, #tpu.memory_space<vmem>>
    %dma_start3A_711 = arith.constant 0 : i32
    %dma_start3A_712 = tpu.memref_slice %arg6[%dma_start3A_711] : memref<10000xi32, #tpu.memory_space<vmem>> -> memref<40xi32, #tpu.memory_space<vmem>>
    %dma_start3A_713 = arith.constant 0 : i32
    %dma_start3A_714 = arith.constant 0 : i32
    %dma_start3A_715 = tpu.memref_slice %arg2[%dma_start3A_713, %dma_start3A_714] : memref<10000x128xf32, #tpu.memory_space<hbm>> -> memref<10000x128xf32, #tpu.memory_space<hbm>>
    tpu.enqueue_indirect_dma source(%dma_start3A_715 : memref<10000x128xf32, #tpu.memory_space<hbm>>) target(%dma_start3A_710 : memref<40x128xf32, #tpu.memory_space<vmem>>) offsets(%dma_start3A_712 : memref<40xi32, #tpu.memory_space<vmem>>) semaphore(%arg13 : memref<!tpu.dma_semaphore, #tpu.memory_space<semaphore_mem>>)
    %dma_start3A_716 = arith.constant 1 : i32
    %dma_start3A_717 = arith.constant 0 : i32
    %dma_start3A_718 = arith.constant 0 : i32
    %dma_start3A_719 = tpu.memref_slice %arg8[%dma_start3A_716, %dma_start3A_717, %dma_start3A_718] : memref<4x40x128xf32, #tpu.memory_space<vmem>> -> memref<1x40x128xf32, #tpu.memory_space<vmem>>
    %dma_start3A_720 = tpu.memref_squeeze %dma_start3A_719 : memref<1x40x128xf32, #tpu.memory_space<vmem>> -> memref<40x128xf32, #tpu.memory_space<vmem>>
    %dma_start3A_721 = arith.constant 40 : i32
    %dma_start3A_722 = tpu.memref_slice %arg6[%dma_start3A_721] : memref<10000xi32, #tpu.memory_space<vmem>> -> memref<40xi32, #tpu.memory_space<vmem>>
    %dma_start3A_723 = arith.constant 0 : i32
    %dma_start3A_724 = arith.constant 0 : i32
    %dma_start3A_725 = tpu.memref_slice %arg2[%dma_start3A_723, %dma_start3A_724] : memref<10000x128xf32, #tpu.memory_space<hbm>> -> memref<10000x128xf32, #tpu.memory_space<hbm>>
    tpu.enqueue_indirect_dma source(%dma_start3A_725 : memref<10000x128xf32, #tpu.memory_space<hbm>>) target(%dma_start3A_720 : memref<40x128xf32, #tpu.memory_space<vmem>>) offsets(%dma_start3A_722 : memref<40xi32, #tpu.memory_space<vmem>>) semaphore(%arg14 : memref<!tpu.dma_semaphore, #tpu.memory_space<semaphore_mem>>)
    %dma_start3A_726 = arith.constant 2 : i32
    %dma_start3A_727 = arith.constant 0 : i32
    %dma_start3A_728 = arith.constant 0 : i32
    %dma_start3A_729 = tpu.memref_slice %arg8[%dma_start3A_726, %dma_start3A_727, %dma_start3A_728] : memref<4x40x128xf32, #tpu.memory_space<vmem>> -> memref<1x40x128xf32, #tpu.memory_space<vmem>>
    %dma_start3A_730 = tpu.memref_squeeze %dma_start3A_729 : memref<1x40x128xf32, #tpu.memory_space<vmem>> -> memref<40x128xf32, #tpu.memory_space<vmem>>
    %dma_start3A_731 = arith.constant 80 : i32
    %dma_start3A_732 = tpu.memref_slice %arg6[%dma_start3A_731] : memref<10000xi32, #tpu.memory_space<vmem>> -> memref<40xi32, #tpu.memory_space<vmem>>
    %dma_start3A_733 = arith.constant 0 : i32
    %dma_start3A_734 = arith.constant 0 : i32
    %dma_start3A_735 = tpu.memref_slice %arg2[%dma_start3A_733, %dma_start3A_734] : memref<10000x128xf32, #tpu.memory_space<hbm>> -> memref<10000x128xf32, #tpu.memory_space<hbm>>
    tpu.enqueue_indirect_dma source(%dma_start3A_735 : memref<10000x128xf32, #tpu.memory_space<hbm>>) target(%dma_start3A_730 : memref<40x128xf32, #tpu.memory_space<vmem>>) offsets(%dma_start3A_732 : memref<40xi32, #tpu.memory_space<vmem>>) semaphore(%arg15 : memref<!tpu.dma_semaphore, #tpu.memory_space<semaphore_mem>>)
    %dma_wait3A_736 = arith.constant 0 : i32
    %dma_wait3A_737 = arith.constant 0 : i32
    %dma_wait3A_738 = arith.constant 0 : i32
    %dma_wait3A_739 = tpu.memref_slice %arg8[%dma_wait3A_736, %dma_wait3A_737, %dma_wait3A_738] : memref<4x40x128xf32, #tpu.memory_space<vmem>> -> memref<1x40x128xf32, #tpu.memory_space<vmem>>
    %dma_wait3A_740 = tpu.memref_squeeze %dma_wait3A_739 : memref<1x40x128xf32, #tpu.memory_space<vmem>> -> memref<40x128xf32, #tpu.memory_space<vmem>>
    %dma_wait3A_741 = arith.constant 0 : i32
    %dma_wait3A_742 = tpu.memref_slice %arg6[%dma_wait3A_741] : memref<10000xi32, #tpu.memory_space<vmem>> -> memref<40xi32, #tpu.memory_space<vmem>>
    %dma_wait3A_743 = arith.constant 0 : i32
    %dma_wait3A_744 = arith.constant 0 : i32
    %dma_wait3A_745 = tpu.memref_slice %arg2[%dma_wait3A_743, %dma_wait3A_744] : memref<10000x128xf32, #tpu.memory_space<hbm>> -> memref<10000x128xf32, #tpu.memory_space<hbm>>
    tpu.wait_indirect_dma semaphore(%arg13 : memref<!tpu.dma_semaphore, #tpu.memory_space<semaphore_mem>>) src(%dma_wait3A_745 : memref<10000x128xf32, #tpu.memory_space<hbm>>) dst(%dma_wait3A_740 : memref<40x128xf32, #tpu.memory_space<vmem>>)
    %dma_start3A_746 = arith.constant 0 : i32
    %dma_start3A_747 = arith.constant 0 : i32
    %dma_start3A_748 = arith.constant 0 : i32
    %dma_start3A_749 = tpu.memref_slice %arg8[%dma_start3A_746, %dma_start3A_747, %dma_start3A_748] : memref<4x40x128xf32, #tpu.memory_space<vmem>> -> memref<1x40x128xf32, #tpu.memory_space<vmem>>
    %dma_start3A_750 = tpu.memref_squeeze %dma_start3A_749 : memref<1x40x128xf32, #tpu.memory_space<vmem>> -> memref<40x128xf32, #tpu.memory_space<vmem>>
    %dma_start3A_751 = arith.constant 0 : i32
    %dma_start3A_752 = tpu.memref_slice %arg7[%dma_start3A_751] : memref<10000xi32, #tpu.memory_space<vmem>> -> memref<40xi32, #tpu.memory_space<vmem>>
    %dma_start3A_753 = arith.constant 0 : i32
    %dma_start3A_754 = arith.constant 0 : i32
    %dma_start3A_755 = tpu.memref_slice %arg11[%dma_start3A_753, %dma_start3A_754] : memref<10240x128xf32, #tpu.memory_space<vmem_shared>> -> memref<10240x128xf32, #tpu.memory_space<vmem_shared>>
    tpu.enqueue_indirect_dma source(%dma_start3A_750 : memref<40x128xf32, #tpu.memory_space<vmem>>) target(%dma_start3A_755 : memref<10240x128xf32, #tpu.memory_space<vmem_shared>>) offsets(%dma_start3A_752 : memref<40xi32, #tpu.memory_space<vmem>>) semaphore(%arg17 : memref<!tpu.dma_semaphore, #tpu.memory_space<semaphore_mem>>) {add = true}
    %dma_start3A_756 = arith.constant 0 : i32
    %dma_start3A_757 = tpu.memref_slice %arg7[%dma_start3A_756] : memref<10000xi32, #tpu.memory_space<vmem>> -> memref<40xi32, #tpu.memory_space<vmem>>
    %dma_start3A_758 = arith.constant 0 : i32
    %dma_start3A_759 = arith.constant 0 : i32
    %dma_start3A_760 = tpu.memref_slice %arg12[%dma_start3A_758, %dma_start3A_759] : memref<10240x8xf32, #tpu.memory_space<vmem_shared>> -> memref<10240x8xf32, #tpu.memory_space<vmem_shared>>
    tpu.enqueue_indirect_dma source(%arg9 : memref<40x8xf32, #tpu.memory_space<vmem>>) target(%dma_start3A_760 : memref<10240x8xf32, #tpu.memory_space<vmem_shared>>) offsets(%dma_start3A_757 : memref<40xi32, #tpu.memory_space<vmem>>) semaphore(%arg21 : memref<!tpu.dma_semaphore, #tpu.memory_space<semaphore_mem>>) {add = true}
    %dma_start3A_761 = arith.constant 3 : i32
    %dma_start3A_762 = arith.constant 0 : i32
    %dma_start3A_763 = arith.constant 0 : i32
    %dma_start3A_764 = tpu.memref_slice %arg8[%dma_start3A_761, %dma_start3A_762, %dma_start3A_763] : memref<4x40x128xf32, #tpu.memory_space<vmem>> -> memref<1x40x128xf32, #tpu.memory_space<vmem>>
    %dma_start3A_765 = tpu.memref_squeeze %dma_start3A_764 : memref<1x40x128xf32, #tpu.memory_space<vmem>> -> memref<40x128xf32, #tpu.memory_space<vmem>>
    %dma_start3A_766 = arith.constant 120 : i32
    %dma_start3A_767 = tpu.memref_slice %arg6[%dma_start3A_766] : memref<10000xi32, #tpu.memory_space<vmem>> -> memref<40xi32, #tpu.memory_space<vmem>>
    %dma_start3A_768 = arith.constant 0 : i32
    %dma_start3A_769 = arith.constant 0 : i32
    %dma_start3A_770 = tpu.memref_slice %arg2[%dma_start3A_768, %dma_start3A_769] : memref<10000x128xf32, #tpu.memory_space<hbm>> -> memref<10000x128xf32, #tpu.memory_space<hbm>>
    tpu.enqueue_indirect_dma source(%dma_start3A_770 : memref<10000x128xf32, #tpu.memory_space<hbm>>) target(%dma_start3A_765 : memref<40x128xf32, #tpu.memory_space<vmem>>) offsets(%dma_start3A_767 : memref<40xi32, #tpu.memory_space<vmem>>) semaphore(%arg16 : memref<!tpu.dma_semaphore, #tpu.memory_space<semaphore_mem>>)
    %dma_wait3A_771 = arith.constant 1 : i32
    %dma_wait3A_772 = arith.constant 0 : i32
    %dma_wait3A_773 = arith.constant 0 : i32
    %dma_wait3A_774 = tpu.memref_slice %arg8[%dma_wait3A_771, %dma_wait3A_772, %dma_wait3A_773] : memref<4x40x128xf32, #tpu.memory_space<vmem>> -> memref<1x40x128xf32, #tpu.memory_space<vmem>>
    %dma_wait3A_775 = tpu.memref_squeeze %dma_wait3A_774 : memref<1x40x128xf32, #tpu.memory_space<vmem>> -> memref<40x128xf32, #tpu.memory_space<vmem>>
    %dma_wait3A_776 = arith.constant 40 : i32
    %dma_wait3A_777 = tpu.memref_slice %arg6[%dma_wait3A_776] : memref<10000xi32, #tpu.memory_space<vmem>> -> memref<40xi32, #tpu.memory_space<vmem>>
    %dma_wait3A_778 = arith.constant 0 : i32
    %dma_wait3A_779 = arith.constant 0 : i32
    %dma_wait3A_780 = tpu.memref_slice %arg2[%dma_wait3A_778, %dma_wait3A_779] : memref<10000x128xf32, #tpu.memory_space<hbm>> -> memref<10000x128xf32, #tpu.memory_space<hbm>>
    tpu.wait_indirect_dma semaphore(%arg14 : memref<!tpu.dma_semaphore, #tpu.memory_space<semaphore_mem>>) src(%dma_wait3A_780 : memref<10000x128xf32, #tpu.memory_space<hbm>>) dst(%dma_wait3A_775 : memref<40x128xf32, #tpu.memory_space<vmem>>)
    %dma_start3A_781 = arith.constant 1 : i32
    %dma_start3A_782 = arith.constant 0 : i32
    %dma_start3A_783 = arith.constant 0 : i32
    %dma_start3A_784 = tpu.memref_slice %arg8[%dma_start3A_781, %dma_start3A_782, %dma_start3A_783] : memref<4x40x128xf32, #tpu.memory_space<vmem>> -> memref<1x40x128xf32, #tpu.memory_space<vmem>>
    %dma_start3A_785 = tpu.memref_squeeze %dma_start3A_784 : memref<1x40x128xf32, #tpu.memory_space<vmem>> -> memref<40x128xf32, #tpu.memory_space<vmem>>
    %dma_start3A_786 = arith.constant 40 : i32
    %dma_start3A_787 = tpu.memref_slice %arg7[%dma_start3A_786] : memref<10000xi32, #tpu.memory_space<vmem>> -> memref<40xi32, #tpu.memory_space<vmem>>
    %dma_start3A_788 = arith.constant 0 : i32
    %dma_start3A_789 = arith.constant 0 : i32
    %dma_start3A_790 = tpu.memref_slice %arg11[%dma_start3A_788, %dma_start3A_789] : memref<10240x128xf32, #tpu.memory_space<vmem_shared>> -> memref<10240x128xf32, #tpu.memory_space<vmem_shared>>
    tpu.enqueue_indirect_dma source(%dma_start3A_785 : memref<40x128xf32, #tpu.memory_space<vmem>>) target(%dma_start3A_790 : memref<10240x128xf32, #tpu.memory_space<vmem_shared>>) offsets(%dma_start3A_787 : memref<40xi32, #tpu.memory_space<vmem>>) semaphore(%arg18 : memref<!tpu.dma_semaphore, #tpu.memory_space<semaphore_mem>>) {add = true}
    %dma_start3A_791 = arith.constant 40 : i32
    %dma_start3A_792 = tpu.memref_slice %arg7[%dma_start3A_791] : memref<10000xi32, #tpu.memory_space<vmem>> -> memref<40xi32, #tpu.memory_space<vmem>>
    %dma_start3A_793 = arith.constant 0 : i32
    %dma_start3A_794 = arith.constant 0 : i32
    %dma_start3A_795 = tpu.memref_slice %arg12[%dma_start3A_793, %dma_start3A_794] : memref<10240x8xf32, #tpu.memory_space<vmem_shared>> -> memref<10240x8xf32, #tpu.memory_space<vmem_shared>>
    tpu.enqueue_indirect_dma source(%arg9 : memref<40x8xf32, #tpu.memory_space<vmem>>) target(%dma_start3A_795 : memref<10240x8xf32, #tpu.memory_space<vmem_shared>>) offsets(%dma_start3A_792 : memref<40xi32, #tpu.memory_space<vmem>>) semaphore(%arg22 : memref<!tpu.dma_semaphore, #tpu.memory_space<semaphore_mem>>) {add = true}
    %dma_wait3A_796 = arith.constant 0 : i32
    %dma_wait3A_797 = arith.constant 0 : i32
    %dma_wait3A_798 = arith.constant 0 : i32
    %dma_wait3A_799 = tpu.memref_slice %arg8[%dma_wait3A_796, %dma_wait3A_797, %dma_wait3A_798] : memref<4x40x128xf32, #tpu.memory_space<vmem>> -> memref<1x40x128xf32, #tpu.memory_space<vmem>>
    %dma_wait3A_800 = tpu.memref_squeeze %dma_wait3A_799 : memref<1x40x128xf32, #tpu.memory_space<vmem>> -> memref<40x128xf32, #tpu.memory_space<vmem>>
    %dma_wait3A_801 = arith.constant 0 : i32
    %dma_wait3A_802 = tpu.memref_slice %arg7[%dma_wait3A_801] : memref<10000xi32, #tpu.memory_space<vmem>> -> memref<40xi32, #tpu.memory_space<vmem>>
    %dma_wait3A_803 = arith.constant 0 : i32
    %dma_wait3A_804 = arith.constant 0 : i32
    %dma_wait3A_805 = tpu.memref_slice %arg11[%dma_wait3A_803, %dma_wait3A_804] : memref<10240x128xf32, #tpu.memory_space<vmem_shared>> -> memref<10240x128xf32, #tpu.memory_space<vmem_shared>>
    tpu.wait_indirect_dma semaphore(%arg17 : memref<!tpu.dma_semaphore, #tpu.memory_space<semaphore_mem>>) src(%dma_wait3A_800 : memref<40x128xf32, #tpu.memory_space<vmem>>) dst(%dma_wait3A_805 : memref<10240x128xf32, #tpu.memory_space<vmem_shared>>)
    %dma_wait3A_806 = arith.constant 0 : i32
    %dma_wait3A_807 = tpu.memref_slice %arg7[%dma_wait3A_806] : memref<10000xi32, #tpu.memory_space<vmem>> -> memref<40xi32, #tpu.memory_space<vmem>>
    %dma_wait3A_808 = arith.constant 0 : i32
    %dma_wait3A_809 = arith.constant 0 : i32
    %dma_wait3A_810 = tpu.memref_slice %arg12[%dma_wait3A_808, %dma_wait3A_809] : memref<10240x8xf32, #tpu.memory_space<vmem_shared>> -> memref<10240x8xf32, #tpu.memory_space<vmem_shared>>
    tpu.wait_indirect_dma semaphore(%arg21 : memref<!tpu.dma_semaphore, #tpu.memory_space<semaphore_mem>>) src(%arg9 : memref<40x8xf32, #tpu.memory_space<vmem>>) dst(%dma_wait3A_810 : memref<10240x8xf32, #tpu.memory_space<vmem_shared>>)
    %dma_start3A_811 = arith.constant 0 : i32
    %dma_start3A_812 = arith.constant 0 : i32
    %dma_start3A_813 = arith.constant 0 : i32
    %dma_start3A_814 = tpu.memref_slice %arg8[%dma_start3A_811, %dma_start3A_812, %dma_start3A_813] : memref<4x40x128xf32, #tpu.memory_space<vmem>> -> memref<1x40x128xf32, #tpu.memory_space<vmem>>
    %dma_start3A_815 = tpu.memref_squeeze %dma_start3A_814 : memref<1x40x128xf32, #tpu.memory_space<vmem>> -> memref<40x128xf32, #tpu.memory_space<vmem>>
    %dma_start3A_816 = arith.constant 160 : i32
    %dma_start3A_817 = tpu.memref_slice %arg6[%dma_start3A_816] : memref<10000xi32, #tpu.memory_space<vmem>> -> memref<40xi32, #tpu.memory_space<vmem>>
    %dma_start3A_818 = arith.constant 0 : i32
    %dma_start3A_819 = arith.constant 0 : i32
    %dma_start3A_820 = tpu.memref_slice %arg2[%dma_start3A_818, %dma_start3A_819] : memref<10000x128xf32, #tpu.memory_space<hbm>> -> memref<10000x128xf32, #tpu.memory_space<hbm>>
    tpu.enqueue_indirect_dma source(%dma_start3A_820 : memref<10000x128xf32, #tpu.memory_space<hbm>>) target(%dma_start3A_815 : memref<40x128xf32, #tpu.memory_space<vmem>>) offsets(%dma_start3A_817 : memref<40xi32, #tpu.memory_space<vmem>>) semaphore(%arg13 : memref<!tpu.dma_semaphore, #tpu.memory_space<semaphore_mem>>)
    %dma_wait3A_821 = arith.constant 2 : i32
    %dma_wait3A_822 = arith.constant 0 : i32
    %dma_wait3A_823 = arith.constant 0 : i32
    %dma_wait3A_824 = tpu.memref_slice %arg8[%dma_wait3A_821, %dma_wait3A_822, %dma_wait3A_823] : memref<4x40x128xf32, #tpu.memory_space<vmem>> -> memref<1x40x128xf32, #tpu.memory_space<vmem>>
    %dma_wait3A_825 = tpu.memref_squeeze %dma_wait3A_824 : memref<1x40x128xf32, #tpu.memory_space<vmem>> -> memref<40x128xf32, #tpu.memory_space<vmem>>
    %dma_wait3A_826 = arith.constant 80 : i32
    %dma_wait3A_827 = tpu.memref_slice %arg6[%dma_wait3A_826] : memref<10000xi32, #tpu.memory_space<vmem>> -> memref<40xi32, #tpu.memory_space<vmem>>
    %dma_wait3A_828 = arith.constant 0 : i32
    %dma_wait3A_829 = arith.constant 0 : i32
    %dma_wait3A_830 = tpu.memref_slice %arg2[%dma_wait3A_828, %dma_wait3A_829] : memref<10000x128xf32, #tpu.memory_space<hbm>> -> memref<10000x128xf32, #tpu.memory_space<hbm>>
    tpu.wait_indirect_dma semaphore(%arg15 : memref<!tpu.dma_semaphore, #tpu.memory_space<semaphore_mem>>) src(%dma_wait3A_830 : memref<10000x128xf32, #tpu.memory_space<hbm>>) dst(%dma_wait3A_825 : memref<40x128xf32, #tpu.memory_space<vmem>>)
    %dma_start3A_831 = arith.constant 2 : i32
    %dma_start3A_832 = arith.constant 0 : i32
    %dma_start3A_833 = arith.constant 0 : i32
    %dma_start3A_834 = tpu.memref_slice %arg8[%dma_start3A_831, %dma_start3A_832, %dma_start3A_833] : memref<4x40x128xf32, #tpu.memory_space<vmem>> -> memref<1x40x128xf32, #tpu.memory_space<vmem>>
    %dma_start3A_835 = tpu.memref_squeeze %dma_start3A_834 : memref<1x40x128xf32, #tpu.memory_space<vmem>> -> memref<40x128xf32, #tpu.memory_space<vmem>>
    %dma_start3A_836 = arith.constant 80 : i32
    %dma_start3A_837 = tpu.memref_slice %arg7[%dma_start3A_836] : memref<10000xi32, #tpu.memory_space<vmem>> -> memref<40xi32, #tpu.memory_space<vmem>>
    %dma_start3A_838 = arith.constant 0 : i32
    %dma_start3A_839 = arith.constant 0 : i32
    %dma_start3A_840 = tpu.memref_slice %arg11[%dma_start3A_838, %dma_start3A_839] : memref<10240x128xf32, #tpu.memory_space<vmem_shared>> -> memref<10240x128xf32, #tpu.memory_space<vmem_shared>>
    tpu.enqueue_indirect_dma source(%dma_start3A_835 : memref<40x128xf32, #tpu.memory_space<vmem>>) target(%dma_start3A_840 : memref<10240x128xf32, #tpu.memory_space<vmem_shared>>) offsets(%dma_start3A_837 : memref<40xi32, #tpu.memory_space<vmem>>) semaphore(%arg19 : memref<!tpu.dma_semaphore, #tpu.memory_space<semaphore_mem>>) {add = true}
    %dma_start3A_841 = arith.constant 80 : i32
    %dma_start3A_842 = tpu.memref_slice %arg7[%dma_start3A_841] : memref<10000xi32, #tpu.memory_space<vmem>> -> memref<40xi32, #tpu.memory_space<vmem>>
    %dma_start3A_843 = arith.constant 0 : i32
    %dma_start3A_844 = arith.constant 0 : i32
    %dma_start3A_845 = tpu.memref_slice %arg12[%dma_start3A_843, %dma_start3A_844] : memref<10240x8xf32, #tpu.memory_space<vmem_shared>> -> memref<10240x8xf32, #tpu.memory_space<vmem_shared>>
    tpu.enqueue_indirect_dma source(%arg9 : memref<40x8xf32, #tpu.memory_space<vmem>>) target(%dma_start3A_845 : memref<10240x8xf32, #tpu.memory_space<vmem_shared>>) offsets(%dma_start3A_842 : memref<40xi32, #tpu.memory_space<vmem>>) semaphore(%arg23 : memref<!tpu.dma_semaphore, #tpu.memory_space<semaphore_mem>>) {add = true}
    %dma_wait3A_846 = arith.constant 1 : i32
    %dma_wait3A_847 = arith.constant 0 : i32
    %dma_wait3A_848 = arith.constant 0 : i32
    %dma_wait3A_849 = tpu.memref_slice %arg8[%dma_wait3A_846, %dma_wait3A_847, %dma_wait3A_848] : memref<4x40x128xf32, #tpu.memory_space<vmem>> -> memref<1x40x128xf32, #tpu.memory_space<vmem>>
    %dma_wait3A_850 = tpu.memref_squeeze %dma_wait3A_849 : memref<1x40x128xf32, #tpu.memory_space<vmem>> -> memref<40x128xf32, #tpu.memory_space<vmem>>
    %dma_wait3A_851 = arith.constant 40 : i32
    %dma_wait3A_852 = tpu.memref_slice %arg7[%dma_wait3A_851] : memref<10000xi32, #tpu.memory_space<vmem>> -> memref<40xi32, #tpu.memory_space<vmem>>
    %dma_wait3A_853 = arith.constant 0 : i32
    %dma_wait3A_854 = arith.constant 0 : i32
    %dma_wait3A_855 = tpu.memref_slice %arg11[%dma_wait3A_853, %dma_wait3A_854] : memref<10240x128xf32, #tpu.memory_space<vmem_shared>> -> memref<10240x128xf32, #tpu.memory_space<vmem_shared>>
    tpu.wait_indirect_dma semaphore(%arg18 : memref<!tpu.dma_semaphore, #tpu.memory_space<semaphore_mem>>) src(%dma_wait3A_850 : memref<40x128xf32, #tpu.memory_space<vmem>>) dst(%dma_wait3A_855 : memref<10240x128xf32, #tpu.memory_space<vmem_shared>>)
    %dma_wait3A_856 = arith.constant 40 : i32
    %dma_wait3A_857 = tpu.memref_slice %arg7[%dma_wait3A_856] : memref<10000xi32, #tpu.memory_space<vmem>> -> memref<40xi32, #tpu.memory_space<vmem>>
    %dma_wait3A_858 = arith.constant 0 : i32
    %dma_wait3A_859 = arith.constant 0 : i32
    %dma_wait3A_860 = tpu.memref_slice %arg12[%dma_wait3A_858, %dma_wait3A_859] : memref<10240x8xf32, #tpu.memory_space<vmem_shared>> -> memref<10240x8xf32, #tpu.memory_space<vmem_shared>>
    tpu.wait_indirect_dma semaphore(%arg22 : memref<!tpu.dma_semaphore, #tpu.memory_space<semaphore_mem>>) src(%arg9 : memref<40x8xf32, #tpu.memory_space<vmem>>) dst(%dma_wait3A_860 : memref<10240x8xf32, #tpu.memory_space<vmem_shared>>)
    %dma_start3A_861 = arith.constant 1 : i32
    %dma_start3A_862 = arith.constant 0 : i32
    %dma_start3A_863 = arith.constant 0 : i32
    %dma_start3A_864 = tpu.memref_slice %arg8[%dma_start3A_861, %dma_start3A_862, %dma_start3A_863] : memref<4x40x128xf32, #tpu.memory_space<vmem>> -> memref<1x40x128xf32, #tpu.memory_space<vmem>>
    %dma_start3A_865 = tpu.memref_squeeze %dma_start3A_864 : memref<1x40x128xf32, #tpu.memory_space<vmem>> -> memref<40x128xf32, #tpu.memory_space<vmem>>
    %dma_start3A_866 = arith.constant 200 : i32
    %dma_start3A_867 = tpu.memref_slice %arg6[%dma_start3A_866] : memref<10000xi32, #tpu.memory_space<vmem>> -> memref<40xi32, #tpu.memory_space<vmem>>
    %dma_start3A_868 = arith.constant 0 : i32
    %dma_start3A_869 = arith.constant 0 : i32
    %dma_start3A_870 = tpu.memref_slice %arg2[%dma_start3A_868, %dma_start3A_869] : memref<10000x128xf32, #tpu.memory_space<hbm>> -> memref<10000x128xf32, #tpu.memory_space<hbm>>
    tpu.enqueue_indirect_dma source(%dma_start3A_870 : memref<10000x128xf32, #tpu.memory_space<hbm>>) target(%dma_start3A_865 : memref<40x128xf32, #tpu.memory_space<vmem>>) offsets(%dma_start3A_867 : memref<40xi32, #tpu.memory_space<vmem>>) semaphore(%arg14 : memref<!tpu.dma_semaphore, #tpu.memory_space<semaphore_mem>>)
    %dma_wait3A_871 = arith.constant 3 : i32
    %dma_wait3A_872 = arith.constant 0 : i32
    %dma_wait3A_873 = arith.constant 0 : i32
    %dma_wait3A_874 = tpu.memref_slice %arg8[%dma_wait3A_871, %dma_wait3A_872, %dma_wait3A_873] : memref<4x40x128xf32, #tpu.memory_space<vmem>> -> memref<1x40x128xf32, #tpu.memory_space<vmem>>
    %dma_wait3A_875 = tpu.memref_squeeze %dma_wait3A_874 : memref<1x40x128xf32, #tpu.memory_space<vmem>> -> memref<40x128xf32, #tpu.memory_space<vmem>>
    %dma_wait3A_876 = arith.constant 120 : i32
    %dma_wait3A_877 = tpu.memref_slice %arg6[%dma_wait3A_876] : memref<10000xi32, #tpu.memory_space<vmem>> -> memref<40xi32, #tpu.memory_space<vmem>>
    %dma_wait3A_878 = arith.constant 0 : i32
    %dma_wait3A_879 = arith.constant 0 : i32
    %dma_wait3A_880 = tpu.memref_slice %arg2[%dma_wait3A_878, %dma_wait3A_879] : memref<10000x128xf32, #tpu.memory_space<hbm>> -> memref<10000x128xf32, #tpu.memory_space<hbm>>
    tpu.wait_indirect_dma semaphore(%arg16 : memref<!tpu.dma_semaphore, #tpu.memory_space<semaphore_mem>>) src(%dma_wait3A_880 : memref<10000x128xf32, #tpu.memory_space<hbm>>) dst(%dma_wait3A_875 : memref<40x128xf32, #tpu.memory_space<vmem>>)
    %dma_start3A_881 = arith.constant 3 : i32
    %dma_start3A_882 = arith.constant 0 : i32
    %dma_start3A_883 = arith.constant 0 : i32
    %dma_start3A_884 = tpu.memref_slice %arg8[%dma_start3A_881, %dma_start3A_882, %dma_start3A_883] : memref<4x40x128xf32, #tpu.memory_space<vmem>> -> memref<1x40x128xf32, #tpu.memory_space<vmem>>
    %dma_start3A_885 = tpu.memref_squeeze %dma_start3A_884 : memref<1x40x128xf32, #tpu.memory_space<vmem>> -> memref<40x128xf32, #tpu.memory_space<vmem>>
    %dma_start3A_886 = arith.constant 120 : i32
    %dma_start3A_887 = tpu.memref_slice %arg7[%dma_start3A_886] : memref<10000xi32, #tpu.memory_space<vmem>> -> memref<40xi32, #tpu.memory_space<vmem>>
    %dma_start3A_888 = arith.constant 0 : i32
    %dma_start3A_889 = arith.constant 0 : i32
    %dma_start3A_890 = tpu.memref_slice %arg11[%dma_start3A_888, %dma_start3A_889] : memref<10240x128xf32, #tpu.memory_space<vmem_shared>> -> memref<10240x128xf32, #tpu.memory_space<vmem_shared>>
    tpu.enqueue_indirect_dma source(%dma_start3A_885 : memref<40x128xf32, #tpu.memory_space<vmem>>) target(%dma_start3A_890 : memref<10240x128xf32, #tpu.memory_space<vmem_shared>>) offsets(%dma_start3A_887 : memref<40xi32, #tpu.memory_space<vmem>>) semaphore(%arg20 : memref<!tpu.dma_semaphore, #tpu.memory_space<semaphore_mem>>) {add = true}
    %dma_start3A_891 = arith.constant 120 : i32
    %dma_start3A_892 = tpu.memref_slice %arg7[%dma_start3A_891] : memref<10000xi32, #tpu.memory_space<vmem>> -> memref<40xi32, #tpu.memory_space<vmem>>
    %dma_start3A_893 = arith.constant 0 : i32
    %dma_start3A_894 = arith.constant 0 : i32
    %dma_start3A_895 = tpu.memref_slice %arg12[%dma_start3A_893, %dma_start3A_894] : memref<10240x8xf32, #tpu.memory_space<vmem_shared>> -> memref<10240x8xf32, #tpu.memory_space<vmem_shared>>
    tpu.enqueue_indirect_dma source(%arg9 : memref<40x8xf32, #tpu.memory_space<vmem>>) target(%dma_start3A_895 : memref<10240x8xf32, #tpu.memory_space<vmem_shared>>) offsets(%dma_start3A_892 : memref<40xi32, #tpu.memory_space<vmem>>) semaphore(%arg24 : memref<!tpu.dma_semaphore, #tpu.memory_space<semaphore_mem>>) {add = true}
    %scan3A_896 = arith.constant 0 : i32
    %scan3A_897 = arith.constant 1 : i32
    %scan3A_898 = arith.constant 61 : i32
    %scan3A_899 = arith.addi %scan3A_897, %scan3A_898 : i32
    %scan3A_900 = arith.constant 1 : i32
    %scan3A_901 = scf.for %scan3A_1042 = %scan3A_897 to %scan3A_899 step %scan3A_900 iter_args(%scan3A_1043 = %scan3A_896) -> (i32)  : i32 {
      %mul3A_1044 = arith.constant 4 : i32
      %mul3A_1045 = arith.muli %mul3A_1044, %scan3A_1042 : i32
      %add3A_1046 = arith.constant 0 : i32
      %add3A_1047 = arith.addi %mul3A_1045, %add3A_1046 : i32
      %add3A_1048 = arith.constant 2 : i32
      %add3A_1049 = arith.addi %add3A_1047, %add3A_1048 : i32
      %sub3A = arith.constant 4 : i32
      %sub3A_1050 = arith.subi %add3A_1049, %sub3A : i32
      %mul3A_1051 = arith.constant 40 : i32
      %mul3A_1052 = arith.muli %sub3A_1050, %mul3A_1051 : i32
      %dma_wait3A_1053 = arith.constant 2 : i32
      %dma_wait3A_1054 = arith.constant 0 : i32
      %dma_wait3A_1055 = arith.constant 0 : i32
      %dma_wait3A_1056 = tpu.memref_slice %arg8[%dma_wait3A_1053, %dma_wait3A_1054, %dma_wait3A_1055] : memref<4x40x128xf32, #tpu.memory_space<vmem>> -> memref<1x40x128xf32, #tpu.memory_space<vmem>>
      %dma_wait3A_1057 = tpu.memref_squeeze %dma_wait3A_1056 : memref<1x40x128xf32, #tpu.memory_space<vmem>> -> memref<40x128xf32, #tpu.memory_space<vmem>>
      %dma_wait3A_1058 = tpu.memref_slice %arg7[%mul3A_1052] : memref<10000xi32, #tpu.memory_space<vmem>> -> memref<40xi32, #tpu.memory_space<vmem>>
      %dma_wait3A_1059 = arith.constant 0 : i32
      %dma_wait3A_1060 = arith.constant 0 : i32
      %dma_wait3A_1061 = tpu.memref_slice %arg11[%dma_wait3A_1059, %dma_wait3A_1060] : memref<10240x128xf32, #tpu.memory_space<vmem_shared>> -> memref<10240x128xf32, #tpu.memory_space<vmem_shared>>
      tpu.wait_indirect_dma semaphore(%arg19 : memref<!tpu.dma_semaphore, #tpu.memory_space<semaphore_mem>>) src(%dma_wait3A_1057 : memref<40x128xf32, #tpu.memory_space<vmem>>) dst(%dma_wait3A_1061 : memref<10240x128xf32, #tpu.memory_space<vmem_shared>>)
      %mul3A_1062 = arith.constant 40 : i32
      %mul3A_1063 = arith.muli %sub3A_1050, %mul3A_1062 : i32
      %dma_wait3A_1064 = tpu.memref_slice %arg7[%mul3A_1063] : memref<10000xi32, #tpu.memory_space<vmem>> -> memref<40xi32, #tpu.memory_space<vmem>>
      %dma_wait3A_1065 = arith.constant 0 : i32
      %dma_wait3A_1066 = arith.constant 0 : i32
      %dma_wait3A_1067 = tpu.memref_slice %arg12[%dma_wait3A_1065, %dma_wait3A_1066] : memref<10240x8xf32, #tpu.memory_space<vmem_shared>> -> memref<10240x8xf32, #tpu.memory_space<vmem_shared>>
      tpu.wait_indirect_dma semaphore(%arg23 : memref<!tpu.dma_semaphore, #tpu.memory_space<semaphore_mem>>) src(%arg9 : memref<40x8xf32, #tpu.memory_space<vmem>>) dst(%dma_wait3A_1067 : memref<10240x8xf32, #tpu.memory_space<vmem_shared>>)
      %mul3A_1068 = arith.constant 40 : i32
      %mul3A_1069 = arith.muli %add3A_1049, %mul3A_1068 : i32
      %dma_start3A_1070 = arith.constant 2 : i32
      %dma_start3A_1071 = arith.constant 0 : i32
      %dma_start3A_1072 = arith.constant 0 : i32
      %dma_start3A_1073 = tpu.memref_slice %arg8[%dma_start3A_1070, %dma_start3A_1071, %dma_start3A_1072] : memref<4x40x128xf32, #tpu.memory_space<vmem>> -> memref<1x40x128xf32, #tpu.memory_space<vmem>>
      %dma_start3A_1074 = tpu.memref_squeeze %dma_start3A_1073 : memref<1x40x128xf32, #tpu.memory_space<vmem>> -> memref<40x128xf32, #tpu.memory_space<vmem>>
      %dma_start3A_1075 = tpu.memref_slice %arg6[%mul3A_1069] : memref<10000xi32, #tpu.memory_space<vmem>> -> memref<40xi32, #tpu.memory_space<vmem>>
      %dma_start3A_1076 = arith.constant 0 : i32
      %dma_start3A_1077 = arith.constant 0 : i32
      %dma_start3A_1078 = tpu.memref_slice %arg2[%dma_start3A_1076, %dma_start3A_1077] : memref<10000x128xf32, #tpu.memory_space<hbm>> -> memref<10000x128xf32, #tpu.memory_space<hbm>>
      tpu.enqueue_indirect_dma source(%dma_start3A_1078 : memref<10000x128xf32, #tpu.memory_space<hbm>>) target(%dma_start3A_1074 : memref<40x128xf32, #tpu.memory_space<vmem>>) offsets(%dma_start3A_1075 : memref<40xi32, #tpu.memory_space<vmem>>) semaphore(%arg15 : memref<!tpu.dma_semaphore, #tpu.memory_space<semaphore_mem>>)
      %mul3A_1079 = arith.constant 40 : i32
      %mul3A_1080 = arith.muli %add3A_1047, %mul3A_1079 : i32
      %dma_wait3A_1081 = arith.constant 0 : i32
      %dma_wait3A_1082 = arith.constant 0 : i32
      %dma_wait3A_1083 = arith.constant 0 : i32
      %dma_wait3A_1084 = tpu.memref_slice %arg8[%dma_wait3A_1081, %dma_wait3A_1082, %dma_wait3A_1083] : memref<4x40x128xf32, #tpu.memory_space<vmem>> -> memref<1x40x128xf32, #tpu.memory_space<vmem>>
      %dma_wait3A_1085 = tpu.memref_squeeze %dma_wait3A_1084 : memref<1x40x128xf32, #tpu.memory_space<vmem>> -> memref<40x128xf32, #tpu.memory_space<vmem>>
      %dma_wait3A_1086 = tpu.memref_slice %arg6[%mul3A_1080] : memref<10000xi32, #tpu.memory_space<vmem>> -> memref<40xi32, #tpu.memory_space<vmem>>
      %dma_wait3A_1087 = arith.constant 0 : i32
      %dma_wait3A_1088 = arith.constant 0 : i32
      %dma_wait3A_1089 = tpu.memref_slice %arg2[%dma_wait3A_1087, %dma_wait3A_1088] : memref<10000x128xf32, #tpu.memory_space<hbm>> -> memref<10000x128xf32, #tpu.memory_space<hbm>>
      tpu.wait_indirect_dma semaphore(%arg13 : memref<!tpu.dma_semaphore, #tpu.memory_space<semaphore_mem>>) src(%dma_wait3A_1089 : memref<10000x128xf32, #tpu.memory_space<hbm>>) dst(%dma_wait3A_1085 : memref<40x128xf32, #tpu.memory_space<vmem>>)
      %mul3A_1090 = arith.constant 40 : i32
      %mul3A_1091 = arith.muli %add3A_1047, %mul3A_1090 : i32
      %dma_start3A_1092 = arith.constant 0 : i32
      %dma_start3A_1093 = arith.constant 0 : i32
      %dma_start3A_1094 = arith.constant 0 : i32
      %dma_start3A_1095 = tpu.memref_slice %arg8[%dma_start3A_1092, %dma_start3A_1093, %dma_start3A_1094] : memref<4x40x128xf32, #tpu.memory_space<vmem>> -> memref<1x40x128xf32, #tpu.memory_space<vmem>>
      %dma_start3A_1096 = tpu.memref_squeeze %dma_start3A_1095 : memref<1x40x128xf32, #tpu.memory_space<vmem>> -> memref<40x128xf32, #tpu.memory_space<vmem>>
      %dma_start3A_1097 = tpu.memref_slice %arg7[%mul3A_1091] : memref<10000xi32, #tpu.memory_space<vmem>> -> memref<40xi32, #tpu.memory_space<vmem>>
      %dma_start3A_1098 = arith.constant 0 : i32
      %dma_start3A_1099 = arith.constant 0 : i32
      %dma_start3A_1100 = tpu.memref_slice %arg11[%dma_start3A_1098, %dma_start3A_1099] : memref<10240x128xf32, #tpu.memory_space<vmem_shared>> -> memref<10240x128xf32, #tpu.memory_space<vmem_shared>>
      tpu.enqueue_indirect_dma source(%dma_start3A_1096 : memref<40x128xf32, #tpu.memory_space<vmem>>) target(%dma_start3A_1100 : memref<10240x128xf32, #tpu.memory_space<vmem_shared>>) offsets(%dma_start3A_1097 : memref<40xi32, #tpu.memory_space<vmem>>) semaphore(%arg17 : memref<!tpu.dma_semaphore, #tpu.memory_space<semaphore_mem>>) {add = true}
      %mul3A_1101 = arith.constant 40 : i32
      %mul3A_1102 = arith.muli %add3A_1047, %mul3A_1101 : i32
      %dma_start3A_1103 = tpu.memref_slice %arg7[%mul3A_1102] : memref<10000xi32, #tpu.memory_space<vmem>> -> memref<40xi32, #tpu.memory_space<vmem>>
      %dma_start3A_1104 = arith.constant 0 : i32
      %dma_start3A_1105 = arith.constant 0 : i32
      %dma_start3A_1106 = tpu.memref_slice %arg12[%dma_start3A_1104, %dma_start3A_1105] : memref<10240x8xf32, #tpu.memory_space<vmem_shared>> -> memref<10240x8xf32, #tpu.memory_space<vmem_shared>>
      tpu.enqueue_indirect_dma source(%arg9 : memref<40x8xf32, #tpu.memory_space<vmem>>) target(%dma_start3A_1106 : memref<10240x8xf32, #tpu.memory_space<vmem_shared>>) offsets(%dma_start3A_1103 : memref<40xi32, #tpu.memory_space<vmem>>) semaphore(%arg21 : memref<!tpu.dma_semaphore, #tpu.memory_space<semaphore_mem>>) {add = true}
      %add3A_1107 = arith.constant 1 : i32
      %add3A_1108 = arith.addi %mul3A_1045, %add3A_1107 : i32
      %add3A_1109 = arith.constant 2 : i32
      %add3A_1110 = arith.addi %add3A_1108, %add3A_1109 : i32
      %sub3A_1111 = arith.constant 4 : i32
      %sub3A_1112 = arith.subi %add3A_1110, %sub3A_1111 : i32
      %mul3A_1113 = arith.constant 40 : i32
      %mul3A_1114 = arith.muli %sub3A_1112, %mul3A_1113 : i32
      %dma_wait3A_1115 = arith.constant 3 : i32
      %dma_wait3A_1116 = arith.constant 0 : i32
      %dma_wait3A_1117 = arith.constant 0 : i32
      %dma_wait3A_1118 = tpu.memref_slice %arg8[%dma_wait3A_1115, %dma_wait3A_1116, %dma_wait3A_1117] : memref<4x40x128xf32, #tpu.memory_space<vmem>> -> memref<1x40x128xf32, #tpu.memory_space<vmem>>
      %dma_wait3A_1119 = tpu.memref_squeeze %dma_wait3A_1118 : memref<1x40x128xf32, #tpu.memory_space<vmem>> -> memref<40x128xf32, #tpu.memory_space<vmem>>
      %dma_wait3A_1120 = tpu.memref_slice %arg7[%mul3A_1114] : memref<10000xi32, #tpu.memory_space<vmem>> -> memref<40xi32, #tpu.memory_space<vmem>>
      %dma_wait3A_1121 = arith.constant 0 : i32
      %dma_wait3A_1122 = arith.constant 0 : i32
      %dma_wait3A_1123 = tpu.memref_slice %arg11[%dma_wait3A_1121, %dma_wait3A_1122] : memref<10240x128xf32, #tpu.memory_space<vmem_shared>> -> memref<10240x128xf32, #tpu.memory_space<vmem_shared>>
      tpu.wait_indirect_dma semaphore(%arg20 : memref<!tpu.dma_semaphore, #tpu.memory_space<semaphore_mem>>) src(%dma_wait3A_1119 : memref<40x128xf32, #tpu.memory_space<vmem>>) dst(%dma_wait3A_1123 : memref<10240x128xf32, #tpu.memory_space<vmem_shared>>)
      %mul3A_1124 = arith.constant 40 : i32
      %mul3A_1125 = arith.muli %sub3A_1112, %mul3A_1124 : i32
      %dma_wait3A_1126 = tpu.memref_slice %arg7[%mul3A_1125] : memref<10000xi32, #tpu.memory_space<vmem>> -> memref<40xi32, #tpu.memory_space<vmem>>
      %dma_wait3A_1127 = arith.constant 0 : i32
      %dma_wait3A_1128 = arith.constant 0 : i32
      %dma_wait3A_1129 = tpu.memref_slice %arg12[%dma_wait3A_1127, %dma_wait3A_1128] : memref<10240x8xf32, #tpu.memory_space<vmem_shared>> -> memref<10240x8xf32, #tpu.memory_space<vmem_shared>>
      tpu.wait_indirect_dma semaphore(%arg24 : memref<!tpu.dma_semaphore, #tpu.memory_space<semaphore_mem>>) src(%arg9 : memref<40x8xf32, #tpu.memory_space<vmem>>) dst(%dma_wait3A_1129 : memref<10240x8xf32, #tpu.memory_space<vmem_shared>>)
      %mul3A_1130 = arith.constant 40 : i32
      %mul3A_1131 = arith.muli %add3A_1110, %mul3A_1130 : i32
      %dma_start3A_1132 = arith.constant 3 : i32
      %dma_start3A_1133 = arith.constant 0 : i32
      %dma_start3A_1134 = arith.constant 0 : i32
      %dma_start3A_1135 = tpu.memref_slice %arg8[%dma_start3A_1132, %dma_start3A_1133, %dma_start3A_1134] : memref<4x40x128xf32, #tpu.memory_space<vmem>> -> memref<1x40x128xf32, #tpu.memory_space<vmem>>
      %dma_start3A_1136 = tpu.memref_squeeze %dma_start3A_1135 : memref<1x40x128xf32, #tpu.memory_space<vmem>> -> memref<40x128xf32, #tpu.memory_space<vmem>>
      %dma_start3A_1137 = tpu.memref_slice %arg6[%mul3A_1131] : memref<10000xi32, #tpu.memory_space<vmem>> -> memref<40xi32, #tpu.memory_space<vmem>>
      %dma_start3A_1138 = arith.constant 0 : i32
      %dma_start3A_1139 = arith.constant 0 : i32
      %dma_start3A_1140 = tpu.memref_slice %arg2[%dma_start3A_1138, %dma_start3A_1139] : memref<10000x128xf32, #tpu.memory_space<hbm>> -> memref<10000x128xf32, #tpu.memory_space<hbm>>
      tpu.enqueue_indirect_dma source(%dma_start3A_1140 : memref<10000x128xf32, #tpu.memory_space<hbm>>) target(%dma_start3A_1136 : memref<40x128xf32, #tpu.memory_space<vmem>>) offsets(%dma_start3A_1137 : memref<40xi32, #tpu.memory_space<vmem>>) semaphore(%arg16 : memref<!tpu.dma_semaphore, #tpu.memory_space<semaphore_mem>>)
      %mul3A_1141 = arith.constant 40 : i32
      %mul3A_1142 = arith.muli %add3A_1108, %mul3A_1141 : i32
      %dma_wait3A_1143 = arith.constant 1 : i32
      %dma_wait3A_1144 = arith.constant 0 : i32
      %dma_wait3A_1145 = arith.constant 0 : i32
      %dma_wait3A_1146 = tpu.memref_slice %arg8[%dma_wait3A_1143, %dma_wait3A_1144, %dma_wait3A_1145] : memref<4x40x128xf32, #tpu.memory_space<vmem>> -> memref<1x40x128xf32, #tpu.memory_space<vmem>>
      %dma_wait3A_1147 = tpu.memref_squeeze %dma_wait3A_1146 : memref<1x40x128xf32, #tpu.memory_space<vmem>> -> memref<40x128xf32, #tpu.memory_space<vmem>>
      %dma_wait3A_1148 = tpu.memref_slice %arg6[%mul3A_1142] : memref<10000xi32, #tpu.memory_space<vmem>> -> memref<40xi32, #tpu.memory_space<vmem>>
      %dma_wait3A_1149 = arith.constant 0 : i32
      %dma_wait3A_1150 = arith.constant 0 : i32
      %dma_wait3A_1151 = tpu.memref_slice %arg2[%dma_wait3A_1149, %dma_wait3A_1150] : memref<10000x128xf32, #tpu.memory_space<hbm>> -> memref<10000x128xf32, #tpu.memory_space<hbm>>
      tpu.wait_indirect_dma semaphore(%arg14 : memref<!tpu.dma_semaphore, #tpu.memory_space<semaphore_mem>>) src(%dma_wait3A_1151 : memref<10000x128xf32, #tpu.memory_space<hbm>>) dst(%dma_wait3A_1147 : memref<40x128xf32, #tpu.memory_space<vmem>>)
      %mul3A_1152 = arith.constant 40 : i32
      %mul3A_1153 = arith.muli %add3A_1108, %mul3A_1152 : i32
      %dma_start3A_1154 = arith.constant 1 : i32
      %dma_start3A_1155 = arith.constant 0 : i32
      %dma_start3A_1156 = arith.constant 0 : i32
      %dma_start3A_1157 = tpu.memref_slice %arg8[%dma_start3A_1154, %dma_start3A_1155, %dma_start3A_1156] : memref<4x40x128xf32, #tpu.memory_space<vmem>> -> memref<1x40x128xf32, #tpu.memory_space<vmem>>
      %dma_start3A_1158 = tpu.memref_squeeze %dma_start3A_1157 : memref<1x40x128xf32, #tpu.memory_space<vmem>> -> memref<40x128xf32, #tpu.memory_space<vmem>>
      %dma_start3A_1159 = tpu.memref_slice %arg7[%mul3A_1153] : memref<10000xi32, #tpu.memory_space<vmem>> -> memref<40xi32, #tpu.memory_space<vmem>>
      %dma_start3A_1160 = arith.constant 0 : i32
      %dma_start3A_1161 = arith.constant 0 : i32
      %dma_start3A_1162 = tpu.memref_slice %arg11[%dma_start3A_1160, %dma_start3A_1161] : memref<10240x128xf32, #tpu.memory_space<vmem_shared>> -> memref<10240x128xf32, #tpu.memory_space<vmem_shared>>
      tpu.enqueue_indirect_dma source(%dma_start3A_1158 : memref<40x128xf32, #tpu.memory_space<vmem>>) target(%dma_start3A_1162 : memref<10240x128xf32, #tpu.memory_space<vmem_shared>>) offsets(%dma_start3A_1159 : memref<40xi32, #tpu.memory_space<vmem>>) semaphore(%arg18 : memref<!tpu.dma_semaphore, #tpu.memory_space<semaphore_mem>>) {add = true}
      %mul3A_1163 = arith.constant 40 : i32
      %mul3A_1164 = arith.muli %add3A_1108, %mul3A_1163 : i32
      %dma_start3A_1165 = tpu.memref_slice %arg7[%mul3A_1164] : memref<10000xi32, #tpu.memory_space<vmem>> -> memref<40xi32, #tpu.memory_space<vmem>>
      %dma_start3A_1166 = arith.constant 0 : i32
      %dma_start3A_1167 = arith.constant 0 : i32
      %dma_start3A_1168 = tpu.memref_slice %arg12[%dma_start3A_1166, %dma_start3A_1167] : memref<10240x8xf32, #tpu.memory_space<vmem_shared>> -> memref<10240x8xf32, #tpu.memory_space<vmem_shared>>
      tpu.enqueue_indirect_dma source(%arg9 : memref<40x8xf32, #tpu.memory_space<vmem>>) target(%dma_start3A_1168 : memref<10240x8xf32, #tpu.memory_space<vmem_shared>>) offsets(%dma_start3A_1165 : memref<40xi32, #tpu.memory_space<vmem>>) semaphore(%arg22 : memref<!tpu.dma_semaphore, #tpu.memory_space<semaphore_mem>>) {add = true}
      %add3A_1169 = arith.constant 2 : i32
      %add3A_1170 = arith.addi %mul3A_1045, %add3A_1169 : i32
      %add3A_1171 = arith.constant 2 : i32
      %add3A_1172 = arith.addi %add3A_1170, %add3A_1171 : i32
      %sub3A_1173 = arith.constant 4 : i32
      %sub3A_1174 = arith.subi %add3A_1172, %sub3A_1173 : i32
      %mul3A_1175 = arith.constant 40 : i32
      %mul3A_1176 = arith.muli %sub3A_1174, %mul3A_1175 : i32
      %dma_wait3A_1177 = arith.constant 0 : i32
      %dma_wait3A_1178 = arith.constant 0 : i32
      %dma_wait3A_1179 = arith.constant 0 : i32
      %dma_wait3A_1180 = tpu.memref_slice %arg8[%dma_wait3A_1177, %dma_wait3A_1178, %dma_wait3A_1179] : memref<4x40x128xf32, #tpu.memory_space<vmem>> -> memref<1x40x128xf32, #tpu.memory_space<vmem>>
      %dma_wait3A_1181 = tpu.memref_squeeze %dma_wait3A_1180 : memref<1x40x128xf32, #tpu.memory_space<vmem>> -> memref<40x128xf32, #tpu.memory_space<vmem>>
      %dma_wait3A_1182 = tpu.memref_slice %arg7[%mul3A_1176] : memref<10000xi32, #tpu.memory_space<vmem>> -> memref<40xi32, #tpu.memory_space<vmem>>
      %dma_wait3A_1183 = arith.constant 0 : i32
      %dma_wait3A_1184 = arith.constant 0 : i32
      %dma_wait3A_1185 = tpu.memref_slice %arg11[%dma_wait3A_1183, %dma_wait3A_1184] : memref<10240x128xf32, #tpu.memory_space<vmem_shared>> -> memref<10240x128xf32, #tpu.memory_space<vmem_shared>>
      tpu.wait_indirect_dma semaphore(%arg17 : memref<!tpu.dma_semaphore, #tpu.memory_space<semaphore_mem>>) src(%dma_wait3A_1181 : memref<40x128xf32, #tpu.memory_space<vmem>>) dst(%dma_wait3A_1185 : memref<10240x128xf32, #tpu.memory_space<vmem_shared>>)
      %mul3A_1186 = arith.constant 40 : i32
      %mul3A_1187 = arith.muli %sub3A_1174, %mul3A_1186 : i32
      %dma_wait3A_1188 = tpu.memref_slice %arg7[%mul3A_1187] : memref<10000xi32, #tpu.memory_space<vmem>> -> memref<40xi32, #tpu.memory_space<vmem>>
      %dma_wait3A_1189 = arith.constant 0 : i32
      %dma_wait3A_1190 = arith.constant 0 : i32
      %dma_wait3A_1191 = tpu.memref_slice %arg12[%dma_wait3A_1189, %dma_wait3A_1190] : memref<10240x8xf32, #tpu.memory_space<vmem_shared>> -> memref<10240x8xf32, #tpu.memory_space<vmem_shared>>
      tpu.wait_indirect_dma semaphore(%arg21 : memref<!tpu.dma_semaphore, #tpu.memory_space<semaphore_mem>>) src(%arg9 : memref<40x8xf32, #tpu.memory_space<vmem>>) dst(%dma_wait3A_1191 : memref<10240x8xf32, #tpu.memory_space<vmem_shared>>)
      %mul3A_1192 = arith.constant 40 : i32
      %mul3A_1193 = arith.muli %add3A_1172, %mul3A_1192 : i32
      %dma_start3A_1194 = arith.constant 0 : i32
      %dma_start3A_1195 = arith.constant 0 : i32
      %dma_start3A_1196 = arith.constant 0 : i32
      %dma_start3A_1197 = tpu.memref_slice %arg8[%dma_start3A_1194, %dma_start3A_1195, %dma_start3A_1196] : memref<4x40x128xf32, #tpu.memory_space<vmem>> -> memref<1x40x128xf32, #tpu.memory_space<vmem>>
      %dma_start3A_1198 = tpu.memref_squeeze %dma_start3A_1197 : memref<1x40x128xf32, #tpu.memory_space<vmem>> -> memref<40x128xf32, #tpu.memory_space<vmem>>
      %dma_start3A_1199 = tpu.memref_slice %arg6[%mul3A_1193] : memref<10000xi32, #tpu.memory_space<vmem>> -> memref<40xi32, #tpu.memory_space<vmem>>
      %dma_start3A_1200 = arith.constant 0 : i32
      %dma_start3A_1201 = arith.constant 0 : i32
      %dma_start3A_1202 = tpu.memref_slice %arg2[%dma_start3A_1200, %dma_start3A_1201] : memref<10000x128xf32, #tpu.memory_space<hbm>> -> memref<10000x128xf32, #tpu.memory_space<hbm>>
      tpu.enqueue_indirect_dma source(%dma_start3A_1202 : memref<10000x128xf32, #tpu.memory_space<hbm>>) target(%dma_start3A_1198 : memref<40x128xf32, #tpu.memory_space<vmem>>) offsets(%dma_start3A_1199 : memref<40xi32, #tpu.memory_space<vmem>>) semaphore(%arg13 : memref<!tpu.dma_semaphore, #tpu.memory_space<semaphore_mem>>)
      %mul3A_1203 = arith.constant 40 : i32
      %mul3A_1204 = arith.muli %add3A_1170, %mul3A_1203 : i32
      %dma_wait3A_1205 = arith.constant 2 : i32
      %dma_wait3A_1206 = arith.constant 0 : i32
      %dma_wait3A_1207 = arith.constant 0 : i32
      %dma_wait3A_1208 = tpu.memref_slice %arg8[%dma_wait3A_1205, %dma_wait3A_1206, %dma_wait3A_1207] : memref<4x40x128xf32, #tpu.memory_space<vmem>> -> memref<1x40x128xf32, #tpu.memory_space<vmem>>
      %dma_wait3A_1209 = tpu.memref_squeeze %dma_wait3A_1208 : memref<1x40x128xf32, #tpu.memory_space<vmem>> -> memref<40x128xf32, #tpu.memory_space<vmem>>
      %dma_wait3A_1210 = tpu.memref_slice %arg6[%mul3A_1204] : memref<10000xi32, #tpu.memory_space<vmem>> -> memref<40xi32, #tpu.memory_space<vmem>>
      %dma_wait3A_1211 = arith.constant 0 : i32
      %dma_wait3A_1212 = arith.constant 0 : i32
      %dma_wait3A_1213 = tpu.memref_slice %arg2[%dma_wait3A_1211, %dma_wait3A_1212] : memref<10000x128xf32, #tpu.memory_space<hbm>> -> memref<10000x128xf32, #tpu.memory_space<hbm>>
      tpu.wait_indirect_dma semaphore(%arg15 : memref<!tpu.dma_semaphore, #tpu.memory_space<semaphore_mem>>) src(%dma_wait3A_1213 : memref<10000x128xf32, #tpu.memory_space<hbm>>) dst(%dma_wait3A_1209 : memref<40x128xf32, #tpu.memory_space<vmem>>)
      %mul3A_1214 = arith.constant 40 : i32
      %mul3A_1215 = arith.muli %add3A_1170, %mul3A_1214 : i32
      %dma_start3A_1216 = arith.constant 2 : i32
      %dma_start3A_1217 = arith.constant 0 : i32
      %dma_start3A_1218 = arith.constant 0 : i32
      %dma_start3A_1219 = tpu.memref_slice %arg8[%dma_start3A_1216, %dma_start3A_1217, %dma_start3A_1218] : memref<4x40x128xf32, #tpu.memory_space<vmem>> -> memref<1x40x128xf32, #tpu.memory_space<vmem>>
      %dma_start3A_1220 = tpu.memref_squeeze %dma_start3A_1219 : memref<1x40x128xf32, #tpu.memory_space<vmem>> -> memref<40x128xf32, #tpu.memory_space<vmem>>
      %dma_start3A_1221 = tpu.memref_slice %arg7[%mul3A_1215] : memref<10000xi32, #tpu.memory_space<vmem>> -> memref<40xi32, #tpu.memory_space<vmem>>
      %dma_start3A_1222 = arith.constant 0 : i32
      %dma_start3A_1223 = arith.constant 0 : i32
      %dma_start3A_1224 = tpu.memref_slice %arg11[%dma_start3A_1222, %dma_start3A_1223] : memref<10240x128xf32, #tpu.memory_space<vmem_shared>> -> memref<10240x128xf32, #tpu.memory_space<vmem_shared>>
      tpu.enqueue_indirect_dma source(%dma_start3A_1220 : memref<40x128xf32, #tpu.memory_space<vmem>>) target(%dma_start3A_1224 : memref<10240x128xf32, #tpu.memory_space<vmem_shared>>) offsets(%dma_start3A_1221 : memref<40xi32, #tpu.memory_space<vmem>>) semaphore(%arg19 : memref<!tpu.dma_semaphore, #tpu.memory_space<semaphore_mem>>) {add = true}
      %mul3A_1225 = arith.constant 40 : i32
      %mul3A_1226 = arith.muli %add3A_1170, %mul3A_1225 : i32
      %dma_start3A_1227 = tpu.memref_slice %arg7[%mul3A_1226] : memref<10000xi32, #tpu.memory_space<vmem>> -> memref<40xi32, #tpu.memory_space<vmem>>
      %dma_start3A_1228 = arith.constant 0 : i32
      %dma_start3A_1229 = arith.constant 0 : i32
      %dma_start3A_1230 = tpu.memref_slice %arg12[%dma_start3A_1228, %dma_start3A_1229] : memref<10240x8xf32, #tpu.memory_space<vmem_shared>> -> memref<10240x8xf32, #tpu.memory_space<vmem_shared>>
      tpu.enqueue_indirect_dma source(%arg9 : memref<40x8xf32, #tpu.memory_space<vmem>>) target(%dma_start3A_1230 : memref<10240x8xf32, #tpu.memory_space<vmem_shared>>) offsets(%dma_start3A_1227 : memref<40xi32, #tpu.memory_space<vmem>>) semaphore(%arg23 : memref<!tpu.dma_semaphore, #tpu.memory_space<semaphore_mem>>) {add = true}
      %add3A_1231 = arith.constant 3 : i32
      %add3A_1232 = arith.addi %mul3A_1045, %add3A_1231 : i32
      %add3A_1233 = arith.constant 2 : i32
      %add3A_1234 = arith.addi %add3A_1232, %add3A_1233 : i32
      %sub3A_1235 = arith.constant 4 : i32
      %sub3A_1236 = arith.subi %add3A_1234, %sub3A_1235 : i32
      %mul3A_1237 = arith.constant 40 : i32
      %mul3A_1238 = arith.muli %sub3A_1236, %mul3A_1237 : i32
      %dma_wait3A_1239 = arith.constant 1 : i32
      %dma_wait3A_1240 = arith.constant 0 : i32
      %dma_wait3A_1241 = arith.constant 0 : i32
      %dma_wait3A_1242 = tpu.memref_slice %arg8[%dma_wait3A_1239, %dma_wait3A_1240, %dma_wait3A_1241] : memref<4x40x128xf32, #tpu.memory_space<vmem>> -> memref<1x40x128xf32, #tpu.memory_space<vmem>>
      %dma_wait3A_1243 = tpu.memref_squeeze %dma_wait3A_1242 : memref<1x40x128xf32, #tpu.memory_space<vmem>> -> memref<40x128xf32, #tpu.memory_space<vmem>>
      %dma_wait3A_1244 = tpu.memref_slice %arg7[%mul3A_1238] : memref<10000xi32, #tpu.memory_space<vmem>> -> memref<40xi32, #tpu.memory_space<vmem>>
      %dma_wait3A_1245 = arith.constant 0 : i32
      %dma_wait3A_1246 = arith.constant 0 : i32
      %dma_wait3A_1247 = tpu.memref_slice %arg11[%dma_wait3A_1245, %dma_wait3A_1246] : memref<10240x128xf32, #tpu.memory_space<vmem_shared>> -> memref<10240x128xf32, #tpu.memory_space<vmem_shared>>
      tpu.wait_indirect_dma semaphore(%arg18 : memref<!tpu.dma_semaphore, #tpu.memory_space<semaphore_mem>>) src(%dma_wait3A_1243 : memref<40x128xf32, #tpu.memory_space<vmem>>) dst(%dma_wait3A_1247 : memref<10240x128xf32, #tpu.memory_space<vmem_shared>>)
      %mul3A_1248 = arith.constant 40 : i32
      %mul3A_1249 = arith.muli %sub3A_1236, %mul3A_1248 : i32
      %dma_wait3A_1250 = tpu.memref_slice %arg7[%mul3A_1249] : memref<10000xi32, #tpu.memory_space<vmem>> -> memref<40xi32, #tpu.memory_space<vmem>>
      %dma_wait3A_1251 = arith.constant 0 : i32
      %dma_wait3A_1252 = arith.constant 0 : i32
      %dma_wait3A_1253 = tpu.memref_slice %arg12[%dma_wait3A_1251, %dma_wait3A_1252] : memref<10240x8xf32, #tpu.memory_space<vmem_shared>> -> memref<10240x8xf32, #tpu.memory_space<vmem_shared>>
      tpu.wait_indirect_dma semaphore(%arg22 : memref<!tpu.dma_semaphore, #tpu.memory_space<semaphore_mem>>) src(%arg9 : memref<40x8xf32, #tpu.memory_space<vmem>>) dst(%dma_wait3A_1253 : memref<10240x8xf32, #tpu.memory_space<vmem_shared>>)
      %mul3A_1254 = arith.constant 40 : i32
      %mul3A_1255 = arith.muli %add3A_1234, %mul3A_1254 : i32
      %dma_start3A_1256 = arith.constant 1 : i32
      %dma_start3A_1257 = arith.constant 0 : i32
      %dma_start3A_1258 = arith.constant 0 : i32
      %dma_start3A_1259 = tpu.memref_slice %arg8[%dma_start3A_1256, %dma_start3A_1257, %dma_start3A_1258] : memref<4x40x128xf32, #tpu.memory_space<vmem>> -> memref<1x40x128xf32, #tpu.memory_space<vmem>>
      %dma_start3A_1260 = tpu.memref_squeeze %dma_start3A_1259 : memref<1x40x128xf32, #tpu.memory_space<vmem>> -> memref<40x128xf32, #tpu.memory_space<vmem>>
      %dma_start3A_1261 = tpu.memref_slice %arg6[%mul3A_1255] : memref<10000xi32, #tpu.memory_space<vmem>> -> memref<40xi32, #tpu.memory_space<vmem>>
      %dma_start3A_1262 = arith.constant 0 : i32
      %dma_start3A_1263 = arith.constant 0 : i32
      %dma_start3A_1264 = tpu.memref_slice %arg2[%dma_start3A_1262, %dma_start3A_1263] : memref<10000x128xf32, #tpu.memory_space<hbm>> -> memref<10000x128xf32, #tpu.memory_space<hbm>>
      tpu.enqueue_indirect_dma source(%dma_start3A_1264 : memref<10000x128xf32, #tpu.memory_space<hbm>>) target(%dma_start3A_1260 : memref<40x128xf32, #tpu.memory_space<vmem>>) offsets(%dma_start3A_1261 : memref<40xi32, #tpu.memory_space<vmem>>) semaphore(%arg14 : memref<!tpu.dma_semaphore, #tpu.memory_space<semaphore_mem>>)
      %mul3A_1265 = arith.constant 40 : i32
      %mul3A_1266 = arith.muli %add3A_1232, %mul3A_1265 : i32
      %dma_wait3A_1267 = arith.constant 3 : i32
      %dma_wait3A_1268 = arith.constant 0 : i32
      %dma_wait3A_1269 = arith.constant 0 : i32
      %dma_wait3A_1270 = tpu.memref_slice %arg8[%dma_wait3A_1267, %dma_wait3A_1268, %dma_wait3A_1269] : memref<4x40x128xf32, #tpu.memory_space<vmem>> -> memref<1x40x128xf32, #tpu.memory_space<vmem>>
      %dma_wait3A_1271 = tpu.memref_squeeze %dma_wait3A_1270 : memref<1x40x128xf32, #tpu.memory_space<vmem>> -> memref<40x128xf32, #tpu.memory_space<vmem>>
      %dma_wait3A_1272 = tpu.memref_slice %arg6[%mul3A_1266] : memref<10000xi32, #tpu.memory_space<vmem>> -> memref<40xi32, #tpu.memory_space<vmem>>
      %dma_wait3A_1273 = arith.constant 0 : i32
      %dma_wait3A_1274 = arith.constant 0 : i32
      %dma_wait3A_1275 = tpu.memref_slice %arg2[%dma_wait3A_1273, %dma_wait3A_1274] : memref<10000x128xf32, #tpu.memory_space<hbm>> -> memref<10000x128xf32, #tpu.memory_space<hbm>>
      tpu.wait_indirect_dma semaphore(%arg16 : memref<!tpu.dma_semaphore, #tpu.memory_space<semaphore_mem>>) src(%dma_wait3A_1275 : memref<10000x128xf32, #tpu.memory_space<hbm>>) dst(%dma_wait3A_1271 : memref<40x128xf32, #tpu.memory_space<vmem>>)
      %mul3A_1276 = arith.constant 40 : i32
      %mul3A_1277 = arith.muli %add3A_1232, %mul3A_1276 : i32
      %dma_start3A_1278 = arith.constant 3 : i32
      %dma_start3A_1279 = arith.constant 0 : i32
      %dma_start3A_1280 = arith.constant 0 : i32
      %dma_start3A_1281 = tpu.memref_slice %arg8[%dma_start3A_1278, %dma_start3A_1279, %dma_start3A_1280] : memref<4x40x128xf32, #tpu.memory_space<vmem>> -> memref<1x40x128xf32, #tpu.memory_space<vmem>>
      %dma_start3A_1282 = tpu.memref_squeeze %dma_start3A_1281 : memref<1x40x128xf32, #tpu.memory_space<vmem>> -> memref<40x128xf32, #tpu.memory_space<vmem>>
      %dma_start3A_1283 = tpu.memref_slice %arg7[%mul3A_1277] : memref<10000xi32, #tpu.memory_space<vmem>> -> memref<40xi32, #tpu.memory_space<vmem>>
      %dma_start3A_1284 = arith.constant 0 : i32
      %dma_start3A_1285 = arith.constant 0 : i32
      %dma_start3A_1286 = tpu.memref_slice %arg11[%dma_start3A_1284, %dma_start3A_1285] : memref<10240x128xf32, #tpu.memory_space<vmem_shared>> -> memref<10240x128xf32, #tpu.memory_space<vmem_shared>>
      tpu.enqueue_indirect_dma source(%dma_start3A_1282 : memref<40x128xf32, #tpu.memory_space<vmem>>) target(%dma_start3A_1286 : memref<10240x128xf32, #tpu.memory_space<vmem_shared>>) offsets(%dma_start3A_1283 : memref<40xi32, #tpu.memory_space<vmem>>) semaphore(%arg20 : memref<!tpu.dma_semaphore, #tpu.memory_space<semaphore_mem>>) {add = true}
      %mul3A_1287 = arith.constant 40 : i32
      %mul3A_1288 = arith.muli %add3A_1232, %mul3A_1287 : i32
      %dma_start3A_1289 = tpu.memref_slice %arg7[%mul3A_1288] : memref<10000xi32, #tpu.memory_space<vmem>> -> memref<40xi32, #tpu.memory_space<vmem>>
      %dma_start3A_1290 = arith.constant 0 : i32
      %dma_start3A_1291 = arith.constant 0 : i32
      %dma_start3A_1292 = tpu.memref_slice %arg12[%dma_start3A_1290, %dma_start3A_1291] : memref<10240x8xf32, #tpu.memory_space<vmem_shared>> -> memref<10240x8xf32, #tpu.memory_space<vmem_shared>>
      tpu.enqueue_indirect_dma source(%arg9 : memref<40x8xf32, #tpu.memory_space<vmem>>) target(%dma_start3A_1292 : memref<10240x8xf32, #tpu.memory_space<vmem_shared>>) offsets(%dma_start3A_1289 : memref<40xi32, #tpu.memory_space<vmem>>) semaphore(%arg24 : memref<!tpu.dma_semaphore, #tpu.memory_space<semaphore_mem>>) {add = true}
      %scan3A_1293 = arith.constant 0 : i32
      scf.yield %scan3A_1293 : i32
    }
    %scan3A_902 = arith.constant 61 : i32
    %dma_wait3A_903 = arith.constant 2 : i32
    %dma_wait3A_904 = arith.constant 0 : i32
    %dma_wait3A_905 = arith.constant 0 : i32
    %dma_wait3A_906 = tpu.memref_slice %arg8[%dma_wait3A_903, %dma_wait3A_904, %dma_wait3A_905] : memref<4x40x128xf32, #tpu.memory_space<vmem>> -> memref<1x40x128xf32, #tpu.memory_space<vmem>>
    %dma_wait3A_907 = tpu.memref_squeeze %dma_wait3A_906 : memref<1x40x128xf32, #tpu.memory_space<vmem>> -> memref<40x128xf32, #tpu.memory_space<vmem>>
    %dma_wait3A_908 = arith.constant 9840 : i32
    %dma_wait3A_909 = tpu.memref_slice %arg7[%dma_wait3A_908] : memref<10000xi32, #tpu.memory_space<vmem>> -> memref<40xi32, #tpu.memory_space<vmem>>
    %dma_wait3A_910 = arith.constant 0 : i32
    %dma_wait3A_911 = arith.constant 0 : i32
    %dma_wait3A_912 = tpu.memref_slice %arg11[%dma_wait3A_910, %dma_wait3A_911] : memref<10240x128xf32, #tpu.memory_space<vmem_shared>> -> memref<10240x128xf32, #tpu.memory_space<vmem_shared>>
    tpu.wait_indirect_dma semaphore(%arg19 : memref<!tpu.dma_semaphore, #tpu.memory_space<semaphore_mem>>) src(%dma_wait3A_907 : memref<40x128xf32, #tpu.memory_space<vmem>>) dst(%dma_wait3A_912 : memref<10240x128xf32, #tpu.memory_space<vmem_shared>>)
    %dma_wait3A_913 = arith.constant 9840 : i32
    %dma_wait3A_914 = tpu.memref_slice %arg7[%dma_wait3A_913] : memref<10000xi32, #tpu.memory_space<vmem>> -> memref<40xi32, #tpu.memory_space<vmem>>
    %dma_wait3A_915 = arith.constant 0 : i32
    %dma_wait3A_916 = arith.constant 0 : i32
    %dma_wait3A_917 = tpu.memref_slice %arg12[%dma_wait3A_915, %dma_wait3A_916] : memref<10240x8xf32, #tpu.memory_space<vmem_shared>> -> memref<10240x8xf32, #tpu.memory_space<vmem_shared>>
    tpu.wait_indirect_dma semaphore(%arg23 : memref<!tpu.dma_semaphore, #tpu.memory_space<semaphore_mem>>) src(%arg9 : memref<40x8xf32, #tpu.memory_space<vmem>>) dst(%dma_wait3A_917 : memref<10240x8xf32, #tpu.memory_space<vmem_shared>>)
    %dma_wait3A_918 = arith.constant 3 : i32
    %dma_wait3A_919 = arith.constant 0 : i32
    %dma_wait3A_920 = arith.constant 0 : i32
    %dma_wait3A_921 = tpu.memref_slice %arg8[%dma_wait3A_918, %dma_wait3A_919, %dma_wait3A_920] : memref<4x40x128xf32, #tpu.memory_space<vmem>> -> memref<1x40x128xf32, #tpu.memory_space<vmem>>
    %dma_wait3A_922 = tpu.memref_squeeze %dma_wait3A_921 : memref<1x40x128xf32, #tpu.memory_space<vmem>> -> memref<40x128xf32, #tpu.memory_space<vmem>>
    %dma_wait3A_923 = arith.constant 9880 : i32
    %dma_wait3A_924 = tpu.memref_slice %arg7[%dma_wait3A_923] : memref<10000xi32, #tpu.memory_space<vmem>> -> memref<40xi32, #tpu.memory_space<vmem>>
    %dma_wait3A_925 = arith.constant 0 : i32
    %dma_wait3A_926 = arith.constant 0 : i32
    %dma_wait3A_927 = tpu.memref_slice %arg11[%dma_wait3A_925, %dma_wait3A_926] : memref<10240x128xf32, #tpu.memory_space<vmem_shared>> -> memref<10240x128xf32, #tpu.memory_space<vmem_shared>>
    tpu.wait_indirect_dma semaphore(%arg20 : memref<!tpu.dma_semaphore, #tpu.memory_space<semaphore_mem>>) src(%dma_wait3A_922 : memref<40x128xf32, #tpu.memory_space<vmem>>) dst(%dma_wait3A_927 : memref<10240x128xf32, #tpu.memory_space<vmem_shared>>)
    %dma_wait3A_928 = arith.constant 9880 : i32
    %dma_wait3A_929 = tpu.memref_slice %arg7[%dma_wait3A_928] : memref<10000xi32, #tpu.memory_space<vmem>> -> memref<40xi32, #tpu.memory_space<vmem>>
    %dma_wait3A_930 = arith.constant 0 : i32
    %dma_wait3A_931 = arith.constant 0 : i32
    %dma_wait3A_932 = tpu.memref_slice %arg12[%dma_wait3A_930, %dma_wait3A_931] : memref<10240x8xf32, #tpu.memory_space<vmem_shared>> -> memref<10240x8xf32, #tpu.memory_space<vmem_shared>>
    tpu.wait_indirect_dma semaphore(%arg24 : memref<!tpu.dma_semaphore, #tpu.memory_space<semaphore_mem>>) src(%arg9 : memref<40x8xf32, #tpu.memory_space<vmem>>) dst(%dma_wait3A_932 : memref<10240x8xf32, #tpu.memory_space<vmem_shared>>)
    %dma_wait3A_933 = arith.constant 0 : i32
    %dma_wait3A_934 = arith.constant 0 : i32
    %dma_wait3A_935 = arith.constant 0 : i32
    %dma_wait3A_936 = tpu.memref_slice %arg8[%dma_wait3A_933, %dma_wait3A_934, %dma_wait3A_935] : memref<4x40x128xf32, #tpu.memory_space<vmem>> -> memref<1x40x128xf32, #tpu.memory_space<vmem>>
    %dma_wait3A_937 = tpu.memref_squeeze %dma_wait3A_936 : memref<1x40x128xf32, #tpu.memory_space<vmem>> -> memref<40x128xf32, #tpu.memory_space<vmem>>
    %dma_wait3A_938 = arith.constant 9920 : i32
    %dma_wait3A_939 = tpu.memref_slice %arg6[%dma_wait3A_938] : memref<10000xi32, #tpu.memory_space<vmem>> -> memref<40xi32, #tpu.memory_space<vmem>>
    %dma_wait3A_940 = arith.constant 0 : i32
    %dma_wait3A_941 = arith.constant 0 : i32
    %dma_wait3A_942 = tpu.memref_slice %arg2[%dma_wait3A_940, %dma_wait3A_941] : memref<10000x128xf32, #tpu.memory_space<hbm>> -> memref<10000x128xf32, #tpu.memory_space<hbm>>
    tpu.wait_indirect_dma semaphore(%arg13 : memref<!tpu.dma_semaphore, #tpu.memory_space<semaphore_mem>>) src(%dma_wait3A_942 : memref<10000x128xf32, #tpu.memory_space<hbm>>) dst(%dma_wait3A_937 : memref<40x128xf32, #tpu.memory_space<vmem>>)
    %dma_start3A_943 = arith.constant 0 : i32
    %dma_start3A_944 = arith.constant 0 : i32
    %dma_start3A_945 = arith.constant 0 : i32
    %dma_start3A_946 = tpu.memref_slice %arg8[%dma_start3A_943, %dma_start3A_944, %dma_start3A_945] : memref<4x40x128xf32, #tpu.memory_space<vmem>> -> memref<1x40x128xf32, #tpu.memory_space<vmem>>
    %dma_start3A_947 = tpu.memref_squeeze %dma_start3A_946 : memref<1x40x128xf32, #tpu.memory_space<vmem>> -> memref<40x128xf32, #tpu.memory_space<vmem>>
    %dma_start3A_948 = arith.constant 9920 : i32
    %dma_start3A_949 = tpu.memref_slice %arg7[%dma_start3A_948] : memref<10000xi32, #tpu.memory_space<vmem>> -> memref<40xi32, #tpu.memory_space<vmem>>
    %dma_start3A_950 = arith.constant 0 : i32
    %dma_start3A_951 = arith.constant 0 : i32
    %dma_start3A_952 = tpu.memref_slice %arg11[%dma_start3A_950, %dma_start3A_951] : memref<10240x128xf32, #tpu.memory_space<vmem_shared>> -> memref<10240x128xf32, #tpu.memory_space<vmem_shared>>
    tpu.enqueue_indirect_dma source(%dma_start3A_947 : memref<40x128xf32, #tpu.memory_space<vmem>>) target(%dma_start3A_952 : memref<10240x128xf32, #tpu.memory_space<vmem_shared>>) offsets(%dma_start3A_949 : memref<40xi32, #tpu.memory_space<vmem>>) semaphore(%arg17 : memref<!tpu.dma_semaphore, #tpu.memory_space<semaphore_mem>>) {add = true}
    %dma_start3A_953 = arith.constant 9920 : i32
    %dma_start3A_954 = tpu.memref_slice %arg7[%dma_start3A_953] : memref<10000xi32, #tpu.memory_space<vmem>> -> memref<40xi32, #tpu.memory_space<vmem>>
    %dma_start3A_955 = arith.constant 0 : i32
    %dma_start3A_956 = arith.constant 0 : i32
    %dma_start3A_957 = tpu.memref_slice %arg12[%dma_start3A_955, %dma_start3A_956] : memref<10240x8xf32, #tpu.memory_space<vmem_shared>> -> memref<10240x8xf32, #tpu.memory_space<vmem_shared>>
    tpu.enqueue_indirect_dma source(%arg9 : memref<40x8xf32, #tpu.memory_space<vmem>>) target(%dma_start3A_957 : memref<10240x8xf32, #tpu.memory_space<vmem_shared>>) offsets(%dma_start3A_954 : memref<40xi32, #tpu.memory_space<vmem>>) semaphore(%arg21 : memref<!tpu.dma_semaphore, #tpu.memory_space<semaphore_mem>>) {add = true}
    %dma_wait3A_958 = arith.constant 1 : i32
    %dma_wait3A_959 = arith.constant 0 : i32
    %dma_wait3A_960 = arith.constant 0 : i32
    %dma_wait3A_961 = tpu.memref_slice %arg8[%dma_wait3A_958, %dma_wait3A_959, %dma_wait3A_960] : memref<4x40x128xf32, #tpu.memory_space<vmem>> -> memref<1x40x128xf32, #tpu.memory_space<vmem>>
    %dma_wait3A_962 = tpu.memref_squeeze %dma_wait3A_961 : memref<1x40x128xf32, #tpu.memory_space<vmem>> -> memref<40x128xf32, #tpu.memory_space<vmem>>
    %dma_wait3A_963 = arith.constant 9960 : i32
    %dma_wait3A_964 = tpu.memref_slice %arg6[%dma_wait3A_963] : memref<10000xi32, #tpu.memory_space<vmem>> -> memref<40xi32, #tpu.memory_space<vmem>>
    %dma_wait3A_965 = arith.constant 0 : i32
    %dma_wait3A_966 = arith.constant 0 : i32
    %dma_wait3A_967 = tpu.memref_slice %arg2[%dma_wait3A_965, %dma_wait3A_966] : memref<10000x128xf32, #tpu.memory_space<hbm>> -> memref<10000x128xf32, #tpu.memory_space<hbm>>
    tpu.wait_indirect_dma semaphore(%arg14 : memref<!tpu.dma_semaphore, #tpu.memory_space<semaphore_mem>>) src(%dma_wait3A_967 : memref<10000x128xf32, #tpu.memory_space<hbm>>) dst(%dma_wait3A_962 : memref<40x128xf32, #tpu.memory_space<vmem>>)
    %dma_start3A_968 = arith.constant 1 : i32
    %dma_start3A_969 = arith.constant 0 : i32
    %dma_start3A_970 = arith.constant 0 : i32
    %dma_start3A_971 = tpu.memref_slice %arg8[%dma_start3A_968, %dma_start3A_969, %dma_start3A_970] : memref<4x40x128xf32, #tpu.memory_space<vmem>> -> memref<1x40x128xf32, #tpu.memory_space<vmem>>
    %dma_start3A_972 = tpu.memref_squeeze %dma_start3A_971 : memref<1x40x128xf32, #tpu.memory_space<vmem>> -> memref<40x128xf32, #tpu.memory_space<vmem>>
    %dma_start3A_973 = arith.constant 9960 : i32
    %dma_start3A_974 = tpu.memref_slice %arg7[%dma_start3A_973] : memref<10000xi32, #tpu.memory_space<vmem>> -> memref<40xi32, #tpu.memory_space<vmem>>
    %dma_start3A_975 = arith.constant 0 : i32
    %dma_start3A_976 = arith.constant 0 : i32
    %dma_start3A_977 = tpu.memref_slice %arg11[%dma_start3A_975, %dma_start3A_976] : memref<10240x128xf32, #tpu.memory_space<vmem_shared>> -> memref<10240x128xf32, #tpu.memory_space<vmem_shared>>
    tpu.enqueue_indirect_dma source(%dma_start3A_972 : memref<40x128xf32, #tpu.memory_space<vmem>>) target(%dma_start3A_977 : memref<10240x128xf32, #tpu.memory_space<vmem_shared>>) offsets(%dma_start3A_974 : memref<40xi32, #tpu.memory_space<vmem>>) semaphore(%arg18 : memref<!tpu.dma_semaphore, #tpu.memory_space<semaphore_mem>>) {add = true}
    %dma_start3A_978 = arith.constant 9960 : i32
    %dma_start3A_979 = tpu.memref_slice %arg7[%dma_start3A_978] : memref<10000xi32, #tpu.memory_space<vmem>> -> memref<40xi32, #tpu.memory_space<vmem>>
    %dma_start3A_980 = arith.constant 0 : i32
    %dma_start3A_981 = arith.constant 0 : i32
    %dma_start3A_982 = tpu.memref_slice %arg12[%dma_start3A_980, %dma_start3A_981] : memref<10240x8xf32, #tpu.memory_space<vmem_shared>> -> memref<10240x8xf32, #tpu.memory_space<vmem_shared>>
    tpu.enqueue_indirect_dma source(%arg9 : memref<40x8xf32, #tpu.memory_space<vmem>>) target(%dma_start3A_982 : memref<10240x8xf32, #tpu.memory_space<vmem_shared>>) offsets(%dma_start3A_979 : memref<40xi32, #tpu.memory_space<vmem>>) semaphore(%arg22 : memref<!tpu.dma_semaphore, #tpu.memory_space<semaphore_mem>>) {add = true}
    %dma_wait3A_983 = arith.constant 0 : i32
    %dma_wait3A_984 = arith.constant 0 : i32
    %dma_wait3A_985 = arith.constant 0 : i32
    %dma_wait3A_986 = tpu.memref_slice %arg8[%dma_wait3A_983, %dma_wait3A_984, %dma_wait3A_985] : memref<4x40x128xf32, #tpu.memory_space<vmem>> -> memref<1x40x128xf32, #tpu.memory_space<vmem>>
    %dma_wait3A_987 = tpu.memref_squeeze %dma_wait3A_986 : memref<1x40x128xf32, #tpu.memory_space<vmem>> -> memref<40x128xf32, #tpu.memory_space<vmem>>
    %dma_wait3A_988 = arith.constant 9920 : i32
    %dma_wait3A_989 = tpu.memref_slice %arg7[%dma_wait3A_988] : memref<10000xi32, #tpu.memory_space<vmem>> -> memref<40xi32, #tpu.memory_space<vmem>>
    %dma_wait3A_990 = arith.constant 0 : i32
    %dma_wait3A_991 = arith.constant 0 : i32
    %dma_wait3A_992 = tpu.memref_slice %arg11[%dma_wait3A_990, %dma_wait3A_991] : memref<10240x128xf32, #tpu.memory_space<vmem_shared>> -> memref<10240x128xf32, #tpu.memory_space<vmem_shared>>
    tpu.wait_indirect_dma semaphore(%arg17 : memref<!tpu.dma_semaphore, #tpu.memory_space<semaphore_mem>>) src(%dma_wait3A_987 : memref<40x128xf32, #tpu.memory_space<vmem>>) dst(%dma_wait3A_992 : memref<10240x128xf32, #tpu.memory_space<vmem_shared>>)
    %dma_wait3A_993 = arith.constant 9920 : i32
    %dma_wait3A_994 = tpu.memref_slice %arg7[%dma_wait3A_993] : memref<10000xi32, #tpu.memory_space<vmem>> -> memref<40xi32, #tpu.memory_space<vmem>>
    %dma_wait3A_995 = arith.constant 0 : i32
    %dma_wait3A_996 = arith.constant 0 : i32
    %dma_wait3A_997 = tpu.memref_slice %arg12[%dma_wait3A_995, %dma_wait3A_996] : memref<10240x8xf32, #tpu.memory_space<vmem_shared>> -> memref<10240x8xf32, #tpu.memory_space<vmem_shared>>
    tpu.wait_indirect_dma semaphore(%arg21 : memref<!tpu.dma_semaphore, #tpu.memory_space<semaphore_mem>>) src(%arg9 : memref<40x8xf32, #tpu.memory_space<vmem>>) dst(%dma_wait3A_997 : memref<10240x8xf32, #tpu.memory_space<vmem_shared>>)
    %dma_wait3A_998 = arith.constant 1 : i32
    %dma_wait3A_999 = arith.constant 0 : i32
    %dma_wait3A_1000 = arith.constant 0 : i32
    %dma_wait3A_1001 = tpu.memref_slice %arg8[%dma_wait3A_998, %dma_wait3A_999, %dma_wait3A_1000] : memref<4x40x128xf32, #tpu.memory_space<vmem>> -> memref<1x40x128xf32, #tpu.memory_space<vmem>>
    %dma_wait3A_1002 = tpu.memref_squeeze %dma_wait3A_1001 : memref<1x40x128xf32, #tpu.memory_space<vmem>> -> memref<40x128xf32, #tpu.memory_space<vmem>>
    %dma_wait3A_1003 = arith.constant 9960 : i32
    %dma_wait3A_1004 = tpu.memref_slice %arg7[%dma_wait3A_1003] : memref<10000xi32, #tpu.memory_space<vmem>> -> memref<40xi32, #tpu.memory_space<vmem>>
    %dma_wait3A_1005 = arith.constant 0 : i32
    %dma_wait3A_1006 = arith.constant 0 : i32
    %dma_wait3A_1007 = tpu.memref_slice %arg11[%dma_wait3A_1005, %dma_wait3A_1006] : memref<10240x128xf32, #tpu.memory_space<vmem_shared>> -> memref<10240x128xf32, #tpu.memory_space<vmem_shared>>
    tpu.wait_indirect_dma semaphore(%arg18 : memref<!tpu.dma_semaphore, #tpu.memory_space<semaphore_mem>>) src(%dma_wait3A_1002 : memref<40x128xf32, #tpu.memory_space<vmem>>) dst(%dma_wait3A_1007 : memref<10240x128xf32, #tpu.memory_space<vmem_shared>>)
    %dma_wait3A_1008 = arith.constant 9960 : i32
    %dma_wait3A_1009 = tpu.memref_slice %arg7[%dma_wait3A_1008] : memref<10000xi32, #tpu.memory_space<vmem>> -> memref<40xi32, #tpu.memory_space<vmem>>
    %dma_wait3A_1010 = arith.constant 0 : i32
    %dma_wait3A_1011 = arith.constant 0 : i32
    %dma_wait3A_1012 = tpu.memref_slice %arg12[%dma_wait3A_1010, %dma_wait3A_1011] : memref<10240x8xf32, #tpu.memory_space<vmem_shared>> -> memref<10240x8xf32, #tpu.memory_space<vmem_shared>>
    tpu.wait_indirect_dma semaphore(%arg22 : memref<!tpu.dma_semaphore, #tpu.memory_space<semaphore_mem>>) src(%arg9 : memref<40x8xf32, #tpu.memory_space<vmem>>) dst(%dma_wait3A_1012 : memref<10240x8xf32, #tpu.memory_space<vmem_shared>>)
    %barrier3A_1013 = arith.constant 0 : index
    tpu.barrier barrier_id(%barrier3A_1013)
    %mul3A_1014 = arith.constant 640 : i32
    %mul3A_1015 = arith.muli %arg1, %mul3A_1014 : i32
    %mul3A_1016 = arith.constant 640 : i32
    %mul3A_1017 = arith.muli %arg1, %mul3A_1016 : i32
    %dma_start3A_1018 = arith.constant 0 : i32
    %dma_start3A_1019 = tpu.memref_slice %arg4[%arg0, %mul3A_1017, %dma_start3A_1018] : memref<2x10240x128xf32, #tpu.memory_space<hbm>> -> memref<1x640x128xf32, #tpu.memory_space<hbm>>
    %dma_start3A_1020 = tpu.memref_squeeze %dma_start3A_1019 : memref<1x640x128xf32, #tpu.memory_space<hbm>> -> memref<640x128xf32, #tpu.memory_space<hbm>>
    %dma_start3A_1021 = arith.constant 0 : i32
    %dma_start3A_1022 = tpu.memref_slice %arg11[%mul3A_1015, %dma_start3A_1021] : memref<10240x128xf32, #tpu.memory_space<vmem_shared>> -> memref<640x128xf32, #tpu.memory_space<vmem_shared>>
    tpu.enqueue_dma source(%dma_start3A_1022 : memref<640x128xf32, #tpu.memory_space<vmem_shared>>) target(%dma_start3A_1020 : memref<640x128xf32, #tpu.memory_space<hbm>>) target_semaphore(%arg13 : memref<!tpu.dma_semaphore, #tpu.memory_space<semaphore_mem>>)
    %mul3A_1023 = arith.constant 640 : i32
    %mul3A_1024 = arith.muli %arg1, %mul3A_1023 : i32
    %mul3A_1025 = arith.constant 640 : i32
    %mul3A_1026 = arith.muli %arg1, %mul3A_1025 : i32
    %dma_start3A_1027 = arith.constant 0 : i32
    %dma_start3A_1028 = tpu.memref_slice %arg5[%arg0, %mul3A_1026, %dma_start3A_1027] : memref<2x10240x128xf32, #tpu.memory_space<hbm>> -> memref<1x640x8xf32, #tpu.memory_space<hbm>>
    %dma_start3A_1029 = tpu.memref_squeeze %dma_start3A_1028 : memref<1x640x8xf32, #tpu.memory_space<hbm>> -> memref<640x8xf32, #tpu.memory_space<hbm>>
    %dma_start3A_1030 = arith.constant 0 : i32
    %dma_start3A_1031 = tpu.memref_slice %arg12[%mul3A_1024, %dma_start3A_1030] : memref<10240x8xf32, #tpu.memory_space<vmem_shared>> -> memref<640x8xf32, #tpu.memory_space<vmem_shared>>
    tpu.enqueue_dma source(%dma_start3A_1031 : memref<640x8xf32, #tpu.memory_space<vmem_shared>>) target(%dma_start3A_1029 : memref<640x8xf32, #tpu.memory_space<hbm>>) target_semaphore(%arg14 : memref<!tpu.dma_semaphore, #tpu.memory_space<semaphore_mem>>)
    %dma_wait3A_1032 = arith.constant 0 : i32
    %dma_wait3A_1033 = tpu.memref_slice %arg4[%arg0, %mul3A_1017, %dma_wait3A_1032] : memref<2x10240x128xf32, #tpu.memory_space<hbm>> -> memref<1x640x128xf32, #tpu.memory_space<hbm>>
    %dma_wait3A_1034 = tpu.memref_squeeze %dma_wait3A_1033 : memref<1x640x128xf32, #tpu.memory_space<hbm>> -> memref<640x128xf32, #tpu.memory_space<hbm>>
    %dma_wait3A_1035 = arith.constant 0 : i32
    %dma_wait3A_1036 = tpu.memref_slice %arg11[%mul3A_1015, %dma_wait3A_1035] : memref<10240x128xf32, #tpu.memory_space<vmem_shared>> -> memref<640x128xf32, #tpu.memory_space<vmem_shared>>
    tpu.wait_dma2 semaphore(%arg13 : memref<!tpu.dma_semaphore, #tpu.memory_space<semaphore_mem>>) src(%dma_wait3A_1036 : memref<640x128xf32, #tpu.memory_space<vmem_shared>>) dst(%dma_wait3A_1034 : memref<640x128xf32, #tpu.memory_space<hbm>>)
    %dma_wait3A_1037 = arith.constant 0 : i32
    %dma_wait3A_1038 = tpu.memref_slice %arg5[%arg0, %mul3A_1026, %dma_wait3A_1037] : memref<2x10240x128xf32, #tpu.memory_space<hbm>> -> memref<1x640x8xf32, #tpu.memory_space<hbm>>
    %dma_wait3A_1039 = tpu.memref_squeeze %dma_wait3A_1038 : memref<1x640x8xf32, #tpu.memory_space<hbm>> -> memref<640x8xf32, #tpu.memory_space<hbm>>
    %dma_wait3A_1040 = arith.constant 0 : i32
    %dma_wait3A_1041 = tpu.memref_slice %arg12[%mul3A_1024, %dma_wait3A_1040] : memref<10240x8xf32, #tpu.memory_space<vmem_shared>> -> memref<640x8xf32, #tpu.memory_space<vmem_shared>>
    tpu.wait_dma2 semaphore(%arg14 : memref<!tpu.dma_semaphore, #tpu.memory_space<semaphore_mem>>) src(%dma_wait3A_1041 : memref<640x8xf32, #tpu.memory_space<vmem_shared>>) dst(%dma_wait3A_1039 : memref<640x8xf32, #tpu.memory_space<hbm>>)
    return
  }
}

module attributes {stable_mosaic.version = 14 : i64} {
  func.func @_tc_body(%arg0: i32, %arg1: memref<2000x128xf32, #tpu.memory_space<vmem>>, %arg2: memref<2x2000x128xf32, #tpu.memory_space<vmem>>, %arg3: memref<2x2000x128xf32, #tpu.memory_space<vmem>>, %arg4: memref<256x128xf32, #tpu.memory_space<vmem>>, %arg5: memref<1x128xf32, #tpu.memory_space<vmem>>, %arg6: memref<2000x128xf32, #tpu.memory_space<vmem>>) attributes {dimension_semantics = [#tpu.dimension_semantics<arbitrary>], iteration_bounds = array<i64: 5>, scalar_prefetch = 0 : i64, scratch_operands = 0 : i64, tpu.core_type = #tpu.core_type<tc>, window_params = [{transform_indices = @transform_0, window_bounds = array<i64: 2000, 128>}, {transform_indices = @transform_1, window_bounds = array<i64: 2, 2000, 128>}, {transform_indices = @transform_2, window_bounds = array<i64: 2, 2000, 128>}, {pipeline_mode = #tpu.pipeline_mode<synchronous>, transform_indices = @transform_3, window_bounds = array<i64: 256, 128>}, {pipeline_mode = #tpu.pipeline_mode<synchronous>, transform_indices = @transform_4, window_bounds = array<i64: 1, 128>}, {transform_indices = @transform_5, window_bounds = array<i64: 2000, 128>}]} {
    %get3A = arith.constant 0 : index
    %get3A_0 = arith.constant 0 : index
    %get3A_1 = arith.constant 0 : index
    %get3A_2 = vector.load %arg2[%get3A, %get3A_0, %get3A_1] : memref<2x2000x128xf32, #tpu.memory_space<vmem>>, vector<1x2000x128xf32>
    %get3A_3 = vector.shape_cast %get3A_2 : vector<1x2000x128xf32> to vector<2000x128xf32>
    %get3A_4 = arith.constant 1 : index
    %get3A_5 = arith.constant 0 : index
    %get3A_6 = arith.constant 0 : index
    %get3A_7 = vector.load %arg2[%get3A_4, %get3A_5, %get3A_6] : memref<2x2000x128xf32, #tpu.memory_space<vmem>>, vector<1x2000x128xf32>
    %get3A_8 = vector.shape_cast %get3A_7 : vector<1x2000x128xf32> to vector<2000x128xf32>
    %add3A = arith.addf %get3A_3, %get3A_8 : vector<2000x128xf32>
    %get3A_9 = arith.constant 0 : index
    %get3A_10 = arith.constant 0 : index
    %get3A_11 = arith.constant 0 : index
    %get3A_12 = vector.load %arg3[%get3A_9, %get3A_10, %get3A_11] : memref<2x2000x128xf32, #tpu.memory_space<vmem>>, vector<1x2000x1xf32>
    %get3A_13 = vector.shape_cast %get3A_12 : vector<1x2000x1xf32> to vector<2000x1xf32>
    %get3A_14 = arith.constant 1 : index
    %get3A_15 = arith.constant 0 : index
    %get3A_16 = arith.constant 0 : index
    %get3A_17 = vector.load %arg3[%get3A_14, %get3A_15, %get3A_16] : memref<2x2000x128xf32, #tpu.memory_space<vmem>>, vector<1x2000x1xf32>
    %get3A_18 = vector.shape_cast %get3A_17 : vector<1x2000x1xf32> to vector<2000x1xf32>
    %add3A_19 = arith.addf %get3A_13, %get3A_18 : vector<2000x1xf32>
    %max3A = arith.constant 1.000000e+00 : f32
    %max3A_20 = vector.broadcast %max3A : f32 to vector<2000x1xf32>
    %max3A_21 = arith.maximumf %add3A_19, %max3A_20 : vector<2000x1xf32>
    %div3A = vector.broadcast %max3A_21 : vector<2000x1xf32> to vector<2000x128xf32>
    %div3A_22 = arith.divf %add3A, %div3A : vector<2000x128xf32>
    %get3A_23 = arith.constant 0 : index
    %get3A_24 = arith.constant 0 : index
    %get3A_25 = vector.load %arg1[%get3A_23, %get3A_24] : memref<2000x128xf32, #tpu.memory_space<vmem>>, vector<2000x128xf32>
    %get3A_26 = arith.constant 0 : index
    %get3A_27 = arith.constant 0 : index
    %get3A_28 = vector.load %arg4[%get3A_26, %get3A_27] : memref<256x128xf32, #tpu.memory_space<vmem>>, vector<128x128xf32>
    %dot_general3A = arith.constant dense<0.000000e+00> : vector<2000x128xf32>
    %dot_general3A_29 = tpu.matmul %get3A_25, %get3A_28, %dot_general3A {dimension_numbers = #tpu.dot_dimension_numbers<[1], [0], [0], [1], [0, 0, 1, 1], [], []>, transpose_lhs_hint = false} : vector<2000x128xf32>, vector<128x128xf32>, vector<2000x128xf32> -> vector<2000x128xf32>
    %get3A_30 = arith.constant 128 : index
    %get3A_31 = arith.constant 0 : index
    %get3A_32 = vector.load %arg4[%get3A_30, %get3A_31] : memref<256x128xf32, #tpu.memory_space<vmem>>, vector<128x128xf32>
    %dot_general3A_33 = arith.constant dense<0.000000e+00> : vector<2000x128xf32>
    %dot_general3A_34 = tpu.matmul %div3A_22, %get3A_32, %dot_general3A_33 {dimension_numbers = #tpu.dot_dimension_numbers<[1], [0], [0], [1], [0, 0, 1, 1], [], []>, transpose_lhs_hint = false} : vector<2000x128xf32>, vector<128x128xf32>, vector<2000x128xf32> -> vector<2000x128xf32>
    %add3A_35 = arith.addf %dot_general3A_29, %dot_general3A_34 : vector<2000x128xf32>
    %mul3A = arith.mulf %add3A_35, %add3A_35 : vector<2000x128xf32>
    %reduce_sum3A = arith.constant dense<0.000000e+00> : vector<2000xf32>
    %reduce_sum3A_36 = vector.multi_reduction <add>, %mul3A, %reduce_sum3A [1] : vector<2000x128xf32> to vector<2000xf32>
    %broadcast_in_dim3A = vector.shape_cast %reduce_sum3A_36 : vector<2000xf32> to vector<2000x1xf32>
    %sqrt3A = math.sqrt %broadcast_in_dim3A : vector<2000x1xf32>
    %max3A_37 = arith.constant 9.99999996E-13 : f32
    %max3A_38 = vector.broadcast %max3A_37 : f32 to vector<2000x1xf32>
    %max3A_39 = arith.maximumf %sqrt3A, %max3A_38 : vector<2000x1xf32>
    %div3A_40 = vector.broadcast %max3A_39 : vector<2000x1xf32> to vector<2000x128xf32>
    %div3A_41 = arith.divf %add3A_35, %div3A_40 : vector<2000x128xf32>
    %get3A_42 = arith.constant 0 : index
    %get3A_43 = arith.constant 0 : index
    %get3A_44 = vector.load %arg5[%get3A_42, %get3A_43] : memref<1x128xf32, #tpu.memory_space<vmem>>, vector<1x128xf32>
    %add3A_45 = vector.broadcast %get3A_44 : vector<1x128xf32> to vector<2000x128xf32>
    %add3A_46 = arith.addf %div3A_41, %add3A_45 : vector<2000x128xf32>
    %swap3A = arith.constant 0 : index
    %swap3A_47 = arith.constant 0 : index
    %swap3A_48 = vector.load %arg6[%swap3A, %swap3A_47] : memref<2000x128xf32, #tpu.memory_space<vmem>>, vector<2000x128xf32>
    tpu.vector_store %arg6[%swap3A, %swap3A_47], %add3A_46 {strides = array<i32>} : memref<2000x128xf32, #tpu.memory_space<vmem>>, vector<2000x128xf32>,
    return
  }
  func.func @transform_0(%arg0: i32) -> (i32, i32) {
    %c0_i32 = arith.constant 0 : i32
    %c0_i32_0 = arith.constant 0 : i32
    return %arg0, %c0_i32 : i32, i32
  }
  func.func @transform_1(%arg0: i32) -> (i32, i32, i32) {
    %c0_i32 = arith.constant 0 : i32
    %c0_i32_0 = arith.constant 0 : i32
    %c0_i32_1 = arith.constant 0 : i32
    return %c0_i32, %arg0, %c0_i32_0 : i32, i32, i32
  }
  func.func @transform_2(%arg0: i32) -> (i32, i32, i32) {
    %c0_i32 = arith.constant 0 : i32
    %c0_i32_0 = arith.constant 0 : i32
    %c0_i32_1 = arith.constant 0 : i32
    return %c0_i32, %arg0, %c0_i32_0 : i32, i32, i32
  }
  func.func @transform_3(%arg0: i32) -> (i32, i32) {
    %c0_i32 = arith.constant 0 : i32
    %c0_i32_0 = arith.constant 0 : i32
    %c0_i32_1 = arith.constant 0 : i32
    return %c0_i32, %c0_i32_0 : i32, i32
  }
  func.func @transform_4(%arg0: i32) -> (i32, i32) {
    %c0_i32 = arith.constant 0 : i32
    %c0_i32_0 = arith.constant 0 : i32
    %c0_i32_1 = arith.constant 0 : i32
    return %c0_i32, %c0_i32_0 : i32, i32
  }
  func.func @transform_5(%arg0: i32) -> (i32, i32) {
    %c0_i32 = arith.constant 0 : i32
    %c0_i32_0 = arith.constant 0 : i32
    return %arg0, %c0_i32 : i32, i32
  }
}

</mosaic_0001>

<sc_bundles>
// kernel: kernel.4.cloned.1.call-start
scs
__scs_entry_jumppad:
0x0: {  	(pc) =	sbr.rel $0x88, $3  }
0x1: {  	(tag) =	ssettag $0x0;
	lr =	simm.s32 $0x1  }
0x2: {  	[smem:$0x3F9D] =	sst lr;
	_ =	strace $0xD0000000  }
0x3: {  	_ = 	snop  }
0x4: {  	_ = 	snop  }
0x5: {  	_ = 	snop  }
0x6: {  	_ = 	snop  }
0x7: {  	_ = 	snop  }
__scs_overlays_trampoline_lowered:
0x8: {  	[smem:$0x3FAC] =	sst s0  }
0x9: {  	[smem:$0x3FAD] =	sst s1  }
0xa: {  	[smem:$0x3FAE] =	sst s2  }
0xb: {  	[smem:$0x3FAF] =	sst s3  }
0xc: {  	[smem:$0x3FB0] =	sst s4  }
0xd: {  	[smem:$0x3FB1] =	sst s5  }
0xe: {  	[smem:$0x3FB2] =	sst s6  }
0xf: {  	[smem:$0x3FB3] =	sst s7  }
0x10: {  	[smem:$0x3FB4] =	sst s8  }
0x11: {  	[smem:$0x3FB5] =	sst s9;
	s0 =	simm.s32 @!p0 $0x0  }
0x12: {  	s1 =	sld [smem:$0x3F9B];
	s0 =	simm.s32 @p0 $0x1  }
0x13: {  	[smem:$0x3FB6] =	sst s0;
	s0 =	simm.s32 @!p1 $0x0  }
0x14: {  	s2 =	sld [smem:$0x3F9A];
	s0 =	simm.s32 @p1 $0x1  }
0x15: {  	[smem:$0x3FB7] =	sst s0;
	s0 =	simm.s32 @!p2 $0x0  }
0x16: {  	s3 =	sld [smem:$0x3FDB];
	s0 =	simm.s32 @p2 $0x1  }
0x17: {  	s4 =	simm.s32 $0x1BF5;
	[smem:$0x3FB9] =	sst s0  }
0x18: {  	s0 =	sld [smem:$0x3F9C];
	_ =	swait.ge [sflag:s4], $0x0  }
0x19: {  	s7 =	sld [smem:$0x3F9D]  }
0x1a: {  	s8 =	sadd.s32 $0xFFFFE003, lr  }
0x1b: {  	s9 =	sadd.s32 $0xFFFFFEF7, lr;
	s5 =	simm.s32 $0xFFFFFFFF;
	p2 =	slt.u32 s8, $0xFFFFF086  }
0x1c: {  	p1 =	slt.u32 s9, $0xF7A;
	s5 =	simm.s32 @!p2 $0x0  }
0x1d: {  	s5 =	simm.s32 @p1 $0x1;
	p0 =	seq.s32 s7, s2  }
0x1e: {  	s7 =	smul.u32 @!p0 $0xF7A, s2;
	p2 =	seq.s32 @!p0 s5, $0x0  }
0x1f: {  	s9 =	smul.u32 $0xF7A, s1;
	s8 =	simm.s32 @!p0 $0x1BF5;
	p2 =	por !p2, p0  }
0x20: {  	[sflag:s8] =	ssyncset.s32 @!p0 $0xFFFFF086;
	s6 =	sadd.s32 @!p0 s3, s7;
	s7 =	simm.s32 @!p0 $0x108  }
0x21: {  	s3 =	sadd.s32 s3, s9;
	s6 =	sadd.s32 @!p0 $0x88, s6;
	s7 =	simm.s32 @p2 $0x1082  }
0x22: {  	[simem:s7], [sflag:s8] =	dma.local @!p0 [hbm:s6], $0xF7A  }
0x23: {  	s9 =	sor.u32 $0xD0000000, s2;
	s6 =	simm.s32 $0x108;
	_ =	swait.ge @!p0 [sflag:s8], $0x0  }
0x24: {  	s3 =	sadd.s32 $0x88, s3;
	s6 =	simm.s32 @!p1 $0x1082;
	[sflag:s4] =	ssyncset.s32 $0xFFFFF086  }
0x25: {  	[simem:s6], [sflag:s4] =	dma.local [hbm:s3], $0xF7A  }
0x26: {  	[smem:$0x3F9D] =	sst s1;
	(tag) =	ssettag s2;
	_ =	strace s9  }
0x27: {  	s1 =	sld [smem:$0x3FAD]  }
0x28: {  	s2 =	sld [smem:$0x3FAE]  }
0x29: {  	s4 =	sld [smem:$0x3FB0]  }
0x2a: {  	p0 =	seq.s32 s5, $0x0;
	s5 =	sld [smem:$0x3FB1]  }
0x2b: {  	s6 =	sld [smem:$0x3FB2]  }
0x2c: {  	s7 =	sld [smem:$0x3FB3]  }
0x2d: {  	s3 =	simm.s32 $0x108;
	s8 =	sld [smem:$0x3FB4]  }
0x2e: {  	s3 =	simm.s32 @!p0 $0x1082;
	s9 =	sld [smem:$0x3FB5]  }
0x2f: {  	lr =	sadd.s32 s0, s3;
	s0 =	sld [smem:$0x3FAC]  }
0x30: {  	s3 =	sld [smem:$0x3FAF]  }
0x31: {  	[smem:$0x3FB8] =	sst s10  }
0x32: {  	s10 =	sld [smem:$0x3FB6];
	_ =	sdelay $0x3  }
0x33: {  	p0 =	seq.s32 s10, $0x1;
	s10 =	sld [smem:$0x3FB8];
	_ =	sdelay $0x3  }
0x34: {  	[smem:$0x3FB8] =	sst s10  }
0x35: {  	s10 =	sld [smem:$0x3FB7];
	_ =	sdelay $0x3  }
0x36: {  	p1 =	seq.s32 s10, $0x1;
	s10 =	sld [smem:$0x3FB8];
	_ =	sdelay $0x3  }
0x37: {  	[smem:$0x3FB8] =	sst s10  }
0x38: {  	s10 =	sld [smem:$0x3FB9]  }
0x39: {  	_ = 	snop;
	(pc) =	sbr.ind lr, $3  }
0x3a: {  	_ = 	snop  }
0x3b: {  	_ = 	snop  }
0x3c: {  	p2 =	seq.s32 s10, $0x1;
	s10 =	sld [smem:$0x3FB8]  }
0x3d: {  	_ =	shalt  }
0x3e: {  	_ =	shalt  }
0x3f: {  	_ =	shalt  }
0x40: {  	_ =	shalt  }
0x41: {  	_ =	shalt  }
0x42: {  	_ =	shalt  }
0x43: {  	_ =	shalt  }
0x44: {  	_ =	shalt  }
0x45: {  	_ =	shalt  }
0x46: {  	_ =	shalt  }
0x47: {  	_ =	shalt  }
0x48: {  	_ =	shalt  }
0x49: {  	_ =	shalt  }
0x4a: {  	_ =	shalt  }
0x4b: {  	_ =	shalt  }
0x4c: {  	_ =	shalt  }
0x4d: {  	_ =	shalt  }
0x4e: {  	_ =	shalt  }
0x4f: {  	_ =	shalt  }
0x50: {  	_ =	shalt  }
0x51: {  	_ =	shalt  }
0x52: {  	_ =	shalt  }
0x53: {  	_ =	shalt  }
0x54: {  	_ =	shalt  }
0x55: {  	_ =	shalt  }
0x56: {  	_ =	shalt  }
0x57: {  	_ =	shalt  }
0x58: {  	_ =	shalt  }
0x59: {  	_ =	shalt  }
0x5a: {  	_ =	shalt  }
0x5b: {  	_ =	shalt  }
0x5c: {  	_ =	shalt  }
0x5d: {  	_ =	shalt  }
0x5e: {  	_ =	shalt  }
0x5f: {  	_ =	shalt  }
0x60: {  	_ =	shalt  }
0x61: {  	_ =	shalt  }
0x62: {  	_ =	shalt  }
0x63: {  	_ =	shalt  }
0x64: {  	_ =	shalt  }
0x65: {  	_ =	shalt  }
0x66: {  	_ =	shalt  }
0x67: {  	_ =	shalt  }
0x68: {  	_ =	shalt  }
0x69: {  	_ =	shalt  }
0x6a: {  	_ =	shalt  }
0x6b: {  	_ =	shalt  }
0x6c: {  	_ =	shalt  }
0x6d: {  	_ =	shalt  }
0x6e: {  	_ =	shalt  }
0x6f: {  	_ =	shalt  }
0x70: {  	_ =	shalt  }
0x71: {  	_ =	shalt  }
0x72: {  	_ =	shalt  }
0x73: {  	_ =	shalt  }
0x74: {  	_ =	shalt  }
0x75: {  	_ =	shalt  }
0x76: {  	_ =	shalt  }
0x77: {  	_ =	shalt  }
0x78: {  	_ =	shalt  }
0x79: {  	_ =	shalt  }
0x7a: {  	_ =	shalt  }
0x7b: {  	_ =	shalt  }
0x7c: {  	_ =	shalt  }
0x7d: {  	_ =	shalt  }
0x7e: {  	_ =	shalt  }
0x7f: {  	_ =	shalt  }
0x80: {  	_ =	shalt  }
0x81: {  	_ =	shalt  }
0x82: {  	_ =	shalt  }
0x83: {  	_ =	shalt  }
0x84: {  	_ =	shalt  }
0x85: {  	_ =	shalt  }
0x86: {  	_ =	shalt  }
0x87: {  	_ =	shalt  }
.Lfunc_end0:
.L_simem_size_0:
called_computation_lowered:
.L_overlay_start_0:
0x88: {  	s2 =	sld [smem:$0x3FD9]  }
0x89: {  	s3 =	sld [smem:$0x3FFE];
	_ =	sdelay $0x1  }
0x8a: {  	s1 =	srdreg.scid  }
0x8b: {  	s0 =	sand.u32 $0x1, s1  }
0x8c: {  	s17 =	sshll.u32 s0, $0xA;
	s2 =	sadd.s32 s3, s2  }
0x8d: {  	s2 =	sadd.s32 s2, s17  }
0x8e: {  	[smem:$0x3FC4] =	sst s2  }
0x8f: {  	_ = 	snop  }
0x90: {  	s2 =	sld [smem:$0x3FC9]  }
0x91: {  	s18 =	sld [smem:$0x3FD0];
	(tm) =	ssettm $0x1  }
0x92: {  	s4 =	sld [smem:$0x3FFB];
	_ =	sdelay $0x3  }
0x93: {  	_ =	strace s4  }
0x94: {  	s4 =	sld [smem:$0x3FFC];
	_ =	sdelay $0x3  }
0x95: {  	_ =	strace s4  }
0x96: {  	s4 =	sld [smem:$0x3FFD];
	_ =	sdelay $0x3  }
0x97: {  	_ =	strace s4  }
0x98: {  	_ =	strace $0x8FFFFFFF  }
0x99: {  	s19 =	sld [smem:$0x3FDB];
	_ =	sdelay $0x1  }
0x9a: {  	s5 =	simm.s32 $_scs_section_size  }
0x9b: {  	s6 =	simm.s32 $_size__tile_overlayer_lowered;
	s7 =	simm.s32 $_tile_overlayer_lowered  }
0x9c: {  	s22 =	simm.s32 $0x1BFF;
	s21 =	sshll.u32 s7, $0x1;
	s4 =	sadd.s32 s5, s19  }
0x9d: {  	s8 =	simm.s32 $0x0;
	s20 =	sshll.u32 s6, $0x1;
	s6 =	sadd.s32 s21, s4  }
0x9e: {  	[timem:s8], [sflag:s22] =	dma.local [hbm:s6], s20  }
0x9f: {  	_ =	swait.ge [sflag:s22], s20  }
0xa0: {  	s5 =	ssub.s32 $0x0, s20;
	[sflag:s22] =	ssyncset.done $0x0  }
0xa1: {  	[sflag:s22] =	ssyncadd.s32 s5;
	_ =	sdelay $0x1  }
0xa2: {  	s23 =	simm.s32 $0x1B8B  }
0xa3: {  	_ =	swait.ge [sflag:s23], $0x1  }
0xa4: {  	[sflag:s23] =	ssyncset.done $0x0  }
0xa5: {  	s25 =	simm.s32 $0x1B8E;
	s24 =	sld [smem:$0x3FFE];
	[sflag:s23] =	ssyncadd.s32 $0xFFFFFFFF  }
0xa6: {  	s26 =	simm.s32 $execute0_lowered;
	[smem:$0x3FD2] =	sst s25  }
0xa7: {  	s6 =	sshll.u32 s26, $0x1;
	_ =	strace $0x80000046;
	[dreg:$0x1] =	wrdreg $0xFFFFFFFF  }
0xa8: {  	s28 =	simm.s32 $_size_execute0_lowered;
	s4 =	sadd.s32 s4, s6;
	[dreg:$0x0] =	wrdreg $0x0  }
0xa9: {  	s6 =	sshll.u32 s28, $0x1;
	[dreg:$0x2] =	wrdreg s4  }
0xaa: {  	[dreg:$0x3] =	wrdreg s6  }
0xab: {  	[dreg:$0x4] =	wrdreg $0xC0  }
0xac: {  	_ =	task [dreg:s8], $0x5FFFF  }
0xad: {  	[dreg:$0x1] =	wrdreg $0xFFFFFFFF  }
0xae: {  	[dreg:$0x0] =	wrdreg $0x60  }
0xaf: {  	[dreg:$0x2] =	wrdreg s2  }
0xb0: {  	[dreg:$0x3] =	wrdreg s18  }
0xb1: {  	[dreg:$0x4] =	wrdreg s24  }
0xb2: {  	[dreg:$0x5] =	wrdreg $0xA0A00  }
0xb3: {  	[dreg:$0x6] =	wrdreg $0x1E0A00  }
0xb4: {  	[dreg:$0x7] =	wrdreg $0x9  }
0xb5: {  	_ =	task.clear_ibuf [dreg:s8], $0x8FFFF;
	_ =	strace $0x90000046  }
0xb6: {  	s29 =	simm.s32 $0x9;
	_ =	strace $0x80000048  }
0xb7: {  	_ =	swait.ge [sflag:s29], $0x1  }
0xb8: {  	[sflag:s29] =	ssyncadd.s32 $0xFFFFFFFF  }
0xb9: {  	_ =	strace $0x90000048  }
0xba: {  	_ =	sfence  }
0xbb: {  	s30 =	sld [smem:$0x0];
	_ =	sdelay $0x2  }
0xbc: {  	s31 =	sshll.u32 s1, $0xD;
	s1 =	sshrl.u32 s1, $0x2  }
0xbd: {  	s3 =	sand.u32 $0x4000, s31;
	s1 =	sadd.s32 s1, s30  }
0xbe: {  	s0 =	sor.u32 s3, s0;
	s1 =	sshll.u32 s1, $0x11  }
0xbf: {  	s0 =	sor.u32 s1, s0  }
0xc0: {  	s0 =	sadd.s32 $0x8F2B, s0  }
0xc1: {  	[sflag:s0] =	ssyncadd.remote.s32 $0x1  }
0xc2: {  	_ =	sfence.sel $0xFFFF  }
0xc3: {  	[dreg:$0x0] =	wrdreg $0xFFFFFFFF;
	(pc) =	sbr.abs _section_cstart, $3  }
0xc4: {  	[dreg:$0x1] =	wrdreg $0xFFFFFFFF  }
0xc5: {  	_ =	task.clear_ibuf [dreg:s8], $0x2FFFF;
	_ =	strace $0x9FFFFFFF  }
0xc6: {  	(tm) =	ssettm $0x7FFFFFFF  }
0xc7: {  	_ =	shalt  }
tec
execute0_lowered:
.L_overlay_start_1:
0x0: {  	(tag) =	ssettag $0x1  }
0x1: {  	s1 =	rddreg [dreg:$0x0]  }
0x2: {  	s9 =	rddreg [dreg:$0x1]  }
0x3: {  	s0 =	rddreg [dreg:$0x2]  }
0x4: {  	s2 =	srdreg.scid;
	s3 =	rddreg [dreg:$0x3]  }
0x5: {  	s13 =	stileid.u32;
	s4 =	rddreg [dreg:$0x4];
	s5 =	simm.s32 $0x0  }
0x6: {  	s28 =	simm.s32 $0x28;
	s29 =	simm.s32 $0x6220;
	s6 =	smul.u32 $0x14000, s13  }
0x7: {  	s30 =	simm.s32 $0x7620;
	s31 =	simm.s32 $0x9E20;
	s10 =	smul.u32 $0x5000, s13  }
0x8: {  	s2 =	sand.u32 $0x1, s2;
	[smem:$0x7FF] =	sst s5;
	s8 =	smul.u32 $0x280, s13  }
0x9: {  	s7 =	smul.u32 $0x140000, s2;
	s25 =	ssub.s32 $0x2, s2;
	s12 =	sshll.u32 s2, $0x4  }
0xa: {  	_ =	strace $0x80000047;
	s11 =	sshrl.u32 s25, $0x1;
	s26 =	sor.u32 s13, s12  }
0xb: {  	s10 =	sshrl.u32 s10, $0x2;
	s12 =	sor.u32 $0x28, s8;
	s14 =	sor.u32 $0x50, s8  }
0xc: {  	s17 =	sor.u32 $0x78, s8;
	s20 =	sadd.s32 $0xA0, s8;
	s22 =	sadd.s32 $0xC8, s8  }
0xd: {  	s7 =	sadd.s32 s6, s7;
	s2 =	ssub.s32 s25, s11;
	s6 =	sadd.s32 s6, s3  }
0xe: {  	s13 =	sshll.u32 s12, $0x7;
	s15 =	sshll.u32 s14, $0x7;
	s16 =	sshll.u32 s14, $0x3  }
0xf: {  	s18 =	sshll.u32 s17, $0x7;
	s21 =	sshll.u32 s20, $0x7;
	s23 =	sshll.u32 s22, $0x7  }
0x10: {  	s24 =	sshll.u32 s22, $0x3;
	s25 =	sadd.s32 $0xF0, s8;
	s11 =	smul.u32 $0x2710, s26  }
0x11: {  	s7 =	sshrl.u32 s7, $0x3;
	s26 =	sadd.s32 s24, s4;
	s14 =	sshll.u32 s25, $0x3  }
0x12: {  	s24 =	sadd.s32 $0x190, s8;
	s0 =	sadd.s32 s7, s0;
	s7 =	sadd.s32 s10, s4  }
0x13: {  	s10 =	sshll.u32 s12, $0x3;
	s12 =	sadd.s32 s13, s3;
	[dreg:$0xf] =	wrdreg s26  }
0x14: {  	s11 =	sshrl.u32 s11, $0x3;
	[dreg:$0x6] =	wrdreg s12;
	s10 =	sadd.s32 s10, s4  }
0x15: {  	s12 =	sshll.u32 s17, $0x3;
	[dreg:$0x7] =	wrdreg s10;
	s10 =	sadd.s32 s15, s3  }
0x16: {  	s26 =	sadd.s32 $0x1B8, s8;
	s19 =	sadd.s32 s12, s4;
	[dreg:$0x8] =	wrdreg s10  }
0x17: {  	s17 =	sadd.s32 $0x140, s8;
	s12 =	sadd.s32 s21, s3;
	[dreg:$0xb] =	wrdreg s19  }
0x18: {  	s13 =	sshll.u32 s26, $0x7;
	s10 =	sadd.s32 s16, s4;
	[dreg:$0xc] =	wrdreg s12  }
0x19: {  	s15 =	sadd.s32 $0x118, s8;
	[dreg:$0x9] =	wrdreg s10;
	s10 =	sadd.s32 s18, s3  }
0x1a: {  	s21 =	sadd.s32 $0x168, s8;
	[dreg:$0xa] =	wrdreg s10;
	s10 =	sshll.u32 s20, $0x3  }
0x1b: {  	s12 =	sshll.u32 s25, $0x7;
	s16 =	sshll.u32 s15, $0x7;
	s10 =	sadd.s32 s10, s4  }
0x1c: {  	s19 =	sshll.u32 s17, $0x7;
	[dreg:$0xd] =	wrdreg s10;
	s10 =	sadd.s32 s23, s3  }
0x1d: {  	s22 =	sshll.u32 s21, $0x7;
	[dreg:$0xe] =	wrdreg s10;
	s10 =	sadd.s32 s12, s3  }
0x1e: {  	s12 =	sadd.s32 s9, s11;
	s9 =	sadd.s32 s16, s3;
	[dreg:$0x10] =	wrdreg s10  }
0x1f: {  	s25 =	sshll.u32 s24, $0x7;
	s20 =	sshll.u32 s17, $0x3;
	[dreg:$0x13] =	wrdreg s9  }
0x20: {  	s10 =	sadd.s32 s14, s4;
	s9 =	sadd.s32 s19, s3;
	[dreg:$0x12] =	wrdreg s12  }
0x21: {  	s14 =	sshll.u32 s26, $0x3;
	s26 =	sadd.s32 $0x9C40, s12;
	[dreg:$0x11] =	wrdreg s10  }
0x22: {  	s12 =	simm.s32 $0x7;
	s10 =	sshll.u32 s15, $0x3;
	[dreg:$0x15] =	wrdreg s9  }
0x23: {  	s9 =	sadd.s32 s20, s4;
	s15 =	sadd.s32 $0x1E0, s8;
	s20 =	sadd.s32 $0x230, s8  }
0x24: {  	[smem:$0x7FD] =	sst s26;
	s26 =	simm.s32 $0x3;
	s18 =	sadd.s32 s10, s4  }
0x25: {  	[dreg:$0x16] =	wrdreg s9;
	s10 =	sshll.u32 s21, $0x3;
	s9 =	sadd.s32 s22, s3  }
0x26: {  	s16 =	sshll.u32 s15, $0x7;
	s21 =	sshll.u32 s20, $0x7;
	[dreg:$0x14] =	wrdreg s18  }
0x27: {  	s22 =	sshll.u32 s20, $0x3;
	s20 =	simm.s32 $0x4;
	[dreg:$0x17] =	wrdreg s9  }
0x28: {  	s23 =	sadd.s32 s10, s4;
	s9 =	sshll.u32 s24, $0x3;
	s10 =	sadd.s32 s25, s3  }
0x29: {  	s18 =	sadd.s32 $0x208, s8;
	s8 =	sadd.s32 $0x258, s8;
	[dreg:$0x18] =	wrdreg s23  }
0x2a: {  	s24 =	sadd.s32 $0x1600, s0;
	s0 =	sadd.s32 $0x51600, s0;
	[dreg:$0x19] =	wrdreg s10  }
0x2b: {  	s25 =	smax.u32 s2, $0x1;
	s2 =	simm.s32 $0x8A20;
	[smem:$0x7FA] =	sst s24  }
0x2c: {  	s9 =	sadd.s32 s9, s4;
	s10 =	sshll.u32 s15, $0x3;
	[smem:$0x7FB] =	sst s0  }
0x2d: {  	s19 =	sshll.u32 s18, $0x7;
	s23 =	sshll.u32 s8, $0x7;
	[smem:$0x7FC] =	sst s25  }
0x2e: {  	s8 =	sshll.u32 s8, $0x3;
	[dreg:$0x1a] =	wrdreg s9;
	s9 =	sadd.s32 s13, s3  }
0x2f: {  	s24 =	simm.s32 $0x2;
	s17 =	sadd.s32 s10, s4;
	[dreg:$0x1b] =	wrdreg s9  }
0x30: {  	s25 =	simm.s32 $0xA;
	s10 =	sadd.s32 s19, s3;
	[dreg:$0x1e] =	wrdreg s17  }
0x31: {  	s15 =	simm.s32 $0xC;
	s8 =	sadd.s32 s8, s4;
	[dreg:$0x1f] =	wrdreg s10  }
0x32: {  	s19 =	simm.s32 $0x9F60;
	s9 =	sadd.s32 s14, s4;
	[smem:$0x7F9] =	sst s8  }
0x33: {  	s13 =	simm.s32 $0xB;
	[dreg:$0x1c] =	wrdreg s9;
	s9 =	sadd.s32 s16, s3  }
0x34: {  	s8 =	simm.s32 $0x5;
	[dreg:$0x1d] =	wrdreg s9;
	s9 =	sshll.u32 s18, $0x3  }
0x35: {  	s10 =	simm.s32 $0x6;
	s14 =	simm.s32 $0x8;
	s9 =	sadd.s32 s9, s4  }
0x36: {  	s17 =	simm.s32 $0x4DF8;
	[smem:$0x7F5] =	sst s9;
	s9 =	sadd.s32 s21, s3  }
0x37: {  	s18 =	simm.s32 $0x4E20;
	[smem:$0x7F6] =	sst s9;
	s9 =	sadd.s32 s22, s4  }
0x38: {  	s21 =	simm.s32 $0x2710;
	[smem:$0x7F7] =	sst s9;
	s9 =	sadd.s32 s23, s3  }
0x39: {  	v0 =	vimm.f32 $0.0e+00;
	v1 =	vimm.f32 $1.000000000e+00;
	s22 =	simm.s32 $0x1;
	s23 =	simm.s32 $0x9;
	[smem:$0x7F8] =	sst s9  }
.LBB2_1:
0x3a: {  	s0 =	simm.s32 $0x4E60  }
0x3b: {  	[tilespmem:s0+$0x20] =	vst v0  }
0x3c: {  	[tilespmem:s0+$0x10] =	vst v0  }
0x3d: {  	[tilespmem:s0+$0x0] =	vst v0  }
0x3e: {  	[tilespmem:s0+$0xFFFFFFF0] =	vst v0  }
0x3f: {  	[tilespmem:s0+$0xFFFFFFE0] =	vst v0  }
0x40: {  	[tilespmem:s0+$0xFFFFFFD0] =	vst v0  }
0x41: {  	[tilespmem:s0+$0xFFFFFFC0] =	vst v0  }
0x42: {  	s11 =	simm.s32 $0x0;
	s9 =	simm.s32 $0x20;
	[tilespmem:s0+$0x30] =	vst v0  }
.LBB2_2:
0x43: {  	p0 =	sne.s32 s9, $0x4E0;
	[tilespmem:s11+$0x9F60] =	vst.msk $0xff, v0  }
0x44: {  	s0 =	sadd.s32 $0x80, s0;
	[tilespmem:s11+$0x9E20] =	vst.msk $0xff, v1  }
0x45: {  	[tilespmem:s0+$0x20] =	vst v0  }
0x46: {  	[tilespmem:s0+$0x10] =	vst v0  }
0x47: {  	[tilespmem:s0+$0x0] =	vst v0  }
.Ltmp0:
0x48: {  	[tilespmem:s0+$0xFFFFFFF0] =	vst v0;
	(pc) =	sbr.rel @p0 .LBB2_2-.Ltmp0, $4  }
0x49: {  	[tilespmem:s0+$0xFFFFFFE0] =	vst v0  }
0x4a: {  	[tilespmem:s0+$0xFFFFFFD0] =	vst v0  }
0x4b: {  	[tilespmem:s0+$0xFFFFFFC0] =	vst v0  }
0x4c: {  	s11 =	sshra.s32 s9, $0x2;
	s9 =	sadd.s32 $0x20, s9;
	[tilespmem:s0+$0x30] =	vst v0  }
0x4d: {  	[tilespmem:s11+$0x9F60] =	vst.msk $0xff, v0  }
0x4e: {  	[tilespmem:s11+$0x9E20] =	vst.msk $0xff, v1  }
0x4f: {  	[spmem:s6] =	stream.linear.scatter [tilespmem:s18], [sflag:$0x1], $0x1400, $0x38;
	[tilespmem:$0x1F4A0] =	vst v63  }
0x50: {  	s0 =	rddreg [dreg:$0x6]  }
0x51: {  	[spmem:s7] =	stream.linear.scatter [tilespmem:s19], [sflag:$0x9], $0x140, $0x38;
	[tilespmem:$0x1F4A0] =	vst v63  }
0x52: {  	s16 =	rddreg [dreg:$0x7]  }
0x53: {  	[spmem:s0] =	stream.linear.scatter [tilespmem:s18], [sflag:$0x2], $0x1400, $0x38;
	[tilespmem:$0x1F4A0] =	vst v63  }
0x54: {  	s9 =	rddreg [dreg:$0x8]  }
0x55: {  	[spmem:s16] =	stream.linear.scatter [tilespmem:s19], [sflag:$0xA], $0x140, $0x38;
	[tilespmem:$0x1F4A0] =	vst v63  }
0x56: {  	s11 =	rddreg [dreg:$0x9]  }
0x57: {  	[spmem:s9] =	stream.linear.scatter [tilespmem:s18], [sflag:$0x1], $0x1400, $0x38;
	[tilespmem:$0x1F4A0] =	vst v63  }
0x58: {  	s16 =	rddreg [dreg:$0xa]  }
0x59: {  	[spmem:s11] =	stream.linear.scatter [tilespmem:s19], [sflag:$0x9], $0x140, $0x38;
	[tilespmem:$0x1F4A0] =	vst v63  }
0x5a: {  	s9 =	rddreg [dreg:$0xb]  }
0x5b: {  	[spmem:s16] =	stream.linear.scatter [tilespmem:s18], [sflag:$0x2], $0x1400, $0x38;
	[tilespmem:$0x1F4A0] =	vst v63  }
0x5c: {  	s11 =	rddreg [dreg:$0xc]  }
0x5d: {  	[spmem:s9] =	stream.linear.scatter [tilespmem:s19], [sflag:$0xA], $0x140, $0x38;
	[tilespmem:$0x1F4A0] =	vst v63  }
0x5e: {  	s16 =	rddreg [dreg:$0xd]  }
0x5f: {  	[spmem:s11] =	stream.linear.scatter [tilespmem:s18], [sflag:$0x1], $0x1400, $0x38;
	[tilespmem:$0x1F4A0] =	vst v63  }
0x60: {  	s9 =	rddreg [dreg:$0xe]  }
0x61: {  	[spmem:s16] =	stream.linear.scatter [tilespmem:s19], [sflag:$0x9], $0x140, $0x38;
	[tilespmem:$0x1F4A0] =	vst v63  }
0x62: {  	s11 =	rddreg [dreg:$0xf]  }
0x63: {  	[spmem:s9] =	stream.linear.scatter [tilespmem:s18], [sflag:$0x2], $0x1400, $0x38;
	[tilespmem:$0x1F4A0] =	vst v63  }
0x64: {  	s16 =	rddreg [dreg:$0x10]  }
0x65: {  	[spmem:s11] =	stream.linear.scatter [tilespmem:s19], [sflag:$0xA], $0x140, $0x38;
	[tilespmem:$0x1F4A0] =	vst v63  }
0x66: {  	s9 =	rddreg [dreg:$0x11]  }
0x67: {  	[spmem:s16] =	stream.linear.scatter [tilespmem:s18], [sflag:$0x1], $0x1400, $0x38;
	[tilespmem:$0x1F4A0] =	vst v63  }
0x68: {  	s11 =	rddreg [dreg:$0x13]  }
0x69: {  	[spmem:s9] =	stream.linear.scatter [tilespmem:s19], [sflag:$0x9], $0x140, $0x38;
	[tilespmem:$0x1F4A0] =	vst v63  }
0x6a: {  	s16 =	rddreg [dreg:$0x14]  }
0x6b: {  	[spmem:s11] =	stream.linear.scatter [tilespmem:s18], [sflag:$0x2], $0x1400, $0x38;
	[tilespmem:$0x1F4A0] =	vst v63  }
0x6c: {  	s9 =	rddreg [dreg:$0x15]  }
0x6d: {  	[spmem:s16] =	stream.linear.scatter [tilespmem:s19], [sflag:$0xA], $0x140, $0x38;
	[tilespmem:$0x1F4A0] =	vst v63  }
0x6e: {  	s11 =	rddreg [dreg:$0x16]  }
0x6f: {  	[spmem:s9] =	stream.linear.scatter [tilespmem:s18], [sflag:$0x1], $0x1400, $0x38;
	[tilespmem:$0x1F4A0] =	vst v63  }
0x70: {  	s16 =	rddreg [dreg:$0x17]  }
0x71: {  	[spmem:s11] =	stream.linear.scatter [tilespmem:s19], [sflag:$0x9], $0x140, $0x38;
	[tilespmem:$0x1F4A0] =	vst v63  }
0x72: {  	s9 =	rddreg [dreg:$0x18]  }
0x73: {  	[spmem:s16] =	stream.linear.scatter [tilespmem:s18], [sflag:$0x2], $0x1400, $0x38;
	[tilespmem:$0x1F4A0] =	vst v63  }
0x74: {  	s11 =	rddreg [dreg:$0x19]  }
0x75: {  	[spmem:s9] =	stream.linear.scatter [tilespmem:s19], [sflag:$0xA], $0x140, $0x38;
	[tilespmem:$0x1F4A0] =	vst v63  }
0x76: {  	s16 =	rddreg [dreg:$0x1a]  }
0x77: {  	[spmem:s11] =	stream.linear.scatter [tilespmem:s18], [sflag:$0x1], $0x1400, $0x38;
	[tilespmem:$0x1F4A0] =	vst v63  }
0x78: {  	s9 =	rddreg [dreg:$0x1b]  }
0x79: {  	[spmem:s16] =	stream.linear.scatter [tilespmem:s19], [sflag:$0x9], $0x140, $0x38;
	[tilespmem:$0x1F4A0] =	vst v63  }
0x7a: {  	s11 =	rddreg [dreg:$0x1c]  }
0x7b: {  	[spmem:s9] =	stream.linear.scatter [tilespmem:s18], [sflag:$0x2], $0x1400, $0x38;
	[tilespmem:$0x1F4A0] =	vst v63  }
0x7c: {  	s16 =	rddreg [dreg:$0x1d]  }
0x7d: {  	[spmem:s11] =	stream.linear.scatter [tilespmem:s19], [sflag:$0xA], $0x140, $0x38;
	[tilespmem:$0x1F4A0] =	vst v63  }
0x7e: {  	s9 =	rddreg [dreg:$0x1e]  }
0x7f: {  	[spmem:s16] =	stream.linear.scatter [tilespmem:s18], [sflag:$0x1], $0x1400, $0x38;
	[tilespmem:$0x1F4A0] =	vst v63  }
0x80: {  	s11 =	rddreg [dreg:$0x1f]  }
0x81: {  	[spmem:s9] =	stream.linear.scatter [tilespmem:s19], [sflag:$0x9], $0x140, $0x38;
	[tilespmem:$0x1F4A0] =	vst v63  }
0x82: {  	s16 =	sld [smem:$0x7F5]  }
0x83: {  	[spmem:s11] =	stream.linear.scatter [tilespmem:s18], [sflag:$0x2], $0x1400, $0x38;
	[tilespmem:$0x1F4A0] =	vst v63  }
0x84: {  	s9 =	sld [smem:$0x7F6]  }
0x85: {  	[spmem:s16] =	stream.linear.scatter [tilespmem:s19], [sflag:$0xA], $0x140, $0x38;
	[tilespmem:$0x1F4A0] =	vst v63  }
0x86: {  	s11 =	sld [smem:$0x7F7]  }
0x87: {  	[spmem:s9] =	stream.linear.scatter [tilespmem:s18], [sflag:$0x1], $0x1400, $0x38;
	[tilespmem:$0x1F4A0] =	vst v63  }
0x88: {  	s16 =	sld [smem:$0x7F8]  }
0x89: {  	[spmem:s11] =	stream.linear.scatter [tilespmem:s19], [sflag:$0x9], $0x140, $0x38;
	[tilespmem:$0x1F4A0] =	vst v63  }
0x8a: {  	s9 =	sld [smem:$0x7F9]  }
0x8b: {  	[spmem:s16] =	stream.linear.scatter [tilespmem:s18], [sflag:$0x2], $0x1400, $0x38;
	[tilespmem:$0x1F4A0] =	vst v63  }
0x8c: {  	s16 =	sld [smem:$0x7FD]  }
0x8d: {  	[spmem:s9] =	stream.linear.scatter [tilespmem:s19], [sflag:$0xA], $0x140, $0x38;
	[tilespmem:$0x1F4A0] =	vst v63  }
0x8e: {  	s11 =	simm.s32 $0x0;
	s9 =	rddreg [dreg:$0x12]  }
0x8f: {  	[tilespmem:s11], [sflag:$0x3] =	stream.linear.gather [hbm4b:s9+s11], $0x2710, $0x38;
	[tilespmem:$0x1F4A0] =	vst v63  }
0x90: {  	_ = 	snop  }
0x91: {  	[tilespmem:s21], [sflag:$0x4] =	stream.linear.gather [hbm4b:s16+s11], $0x2710, $0x38;
	[tilespmem:$0x1F4A0] =	vst v63  }
0x92: {  	_ =	swait.ge [sflag:s22], $0x1400  }
0x93: {  	[sflag:s22] =	ssyncset.done $0x0  }
0x94: {  	[sflag:s22] =	ssyncadd.s32 $0xFFFFEC00  }
0x95: {  	_ =	swait.ge [sflag:s23], $0x140  }
0x96: {  	[sflag:s23] =	ssyncset.done $0x0  }
0x97: {  	[sflag:s23] =	ssyncadd.s32 $0xFFFFFEC0  }
0x98: {  	_ =	swait.ge [sflag:s24], $0x1400  }
0x99: {  	[sflag:s24] =	ssyncset.done $0x0  }
0x9a: {  	[sflag:s24] =	ssyncadd.s32 $0xFFFFEC00  }
0x9b: {  	_ =	swait.ge [sflag:s25], $0x140  }
0x9c: {  	[sflag:s25] =	ssyncset.done $0x0  }
0x9d: {  	[sflag:s25] =	ssyncadd.s32 $0xFFFFFEC0  }
0x9e: {  	_ =	swait.ge [sflag:s22], $0x1400  }
0x9f: {  	[sflag:s22] =	ssyncset.done $0x0  }
0xa0: {  	[sflag:s22] =	ssyncadd.s32 $0xFFFFEC00  }
0xa1: {  	_ =	swait.ge [sflag:s23], $0x140  }
0xa2: {  	[sflag:s23] =	ssyncset.done $0x0  }
0xa3: {  	[sflag:s23] =	ssyncadd.s32 $0xFFFFFEC0  }
0xa4: {  	_ =	swait.ge [sflag:s24], $0x1400  }
0xa5: {  	[sflag:s24] =	ssyncset.done $0x0  }
0xa6: {  	[sflag:s24] =	ssyncadd.s32 $0xFFFFEC00  }
0xa7: {  	_ =	swait.ge [sflag:s25], $0x140  }
0xa8: {  	[sflag:s25] =	ssyncset.done $0x0  }
0xa9: {  	[sflag:s25] =	ssyncadd.s32 $0xFFFFFEC0  }
0xaa: {  	_ =	swait.ge [sflag:s22], $0x1400  }
0xab: {  	[sflag:s22] =	ssyncset.done $0x0  }
0xac: {  	[sflag:s22] =	ssyncadd.s32 $0xFFFFEC00  }
0xad: {  	_ =	swait.ge [sflag:s23], $0x140  }
0xae: {  	[sflag:s23] =	ssyncset.done $0x0  }
0xaf: {  	[sflag:s23] =	ssyncadd.s32 $0xFFFFFEC0  }
0xb0: {  	_ =	swait.ge [sflag:s24], $0x1400  }
0xb1: {  	[sflag:s24] =	ssyncset.done $0x0  }
0xb2: {  	[sflag:s24] =	ssyncadd.s32 $0xFFFFEC00  }
0xb3: {  	_ =	swait.ge [sflag:s25], $0x140  }
0xb4: {  	[sflag:s25] =	ssyncset.done $0x0  }
0xb5: {  	[sflag:s25] =	ssyncadd.s32 $0xFFFFFEC0  }
0xb6: {  	_ =	swait.ge [sflag:s22], $0x1400  }
0xb7: {  	[sflag:s22] =	ssyncset.done $0x0  }
0xb8: {  	[sflag:s22] =	ssyncadd.s32 $0xFFFFEC00  }
0xb9: {  	_ =	swait.ge [sflag:s23], $0x140  }
0xba: {  	[sflag:s23] =	ssyncset.done $0x0  }
0xbb: {  	[sflag:s23] =	ssyncadd.s32 $0xFFFFFEC0  }
0xbc: {  	_ =	swait.ge [sflag:s24], $0x1400  }
0xbd: {  	[sflag:s24] =	ssyncset.done $0x0  }
0xbe: {  	[sflag:s24] =	ssyncadd.s32 $0xFFFFEC00  }
0xbf: {  	_ =	swait.ge [sflag:s25], $0x140  }
0xc0: {  	[sflag:s25] =	ssyncset.done $0x0  }
0xc1: {  	[sflag:s25] =	ssyncadd.s32 $0xFFFFFEC0  }
0xc2: {  	_ =	swait.ge [sflag:s22], $0x1400  }
0xc3: {  	[sflag:s22] =	ssyncset.done $0x0  }
0xc4: {  	[sflag:s22] =	ssyncadd.s32 $0xFFFFEC00  }
0xc5: {  	_ =	swait.ge [sflag:s23], $0x140  }
0xc6: {  	[sflag:s23] =	ssyncset.done $0x0  }
0xc7: {  	[sflag:s23] =	ssyncadd.s32 $0xFFFFFEC0  }
0xc8: {  	_ =	swait.ge [sflag:s24], $0x1400  }
0xc9: {  	[sflag:s24] =	ssyncset.done $0x0  }
0xca: {  	[sflag:s24] =	ssyncadd.s32 $0xFFFFEC00  }
0xcb: {  	_ =	swait.ge [sflag:s25], $0x140  }
0xcc: {  	[sflag:s25] =	ssyncset.done $0x0  }
0xcd: {  	[sflag:s25] =	ssyncadd.s32 $0xFFFFFEC0  }
0xce: {  	_ =	swait.ge [sflag:s22], $0x1400  }
0xcf: {  	[sflag:s22] =	ssyncset.done $0x0  }
0xd0: {  	[sflag:s22] =	ssyncadd.s32 $0xFFFFEC00  }
0xd1: {  	_ =	swait.ge [sflag:s23], $0x140  }
0xd2: {  	[sflag:s23] =	ssyncset.done $0x0  }
0xd3: {  	[sflag:s23] =	ssyncadd.s32 $0xFFFFFEC0  }
0xd4: {  	_ =	swait.ge [sflag:s24], $0x1400  }
0xd5: {  	[sflag:s24] =	ssyncset.done $0x0  }
0xd6: {  	[sflag:s24] =	ssyncadd.s32 $0xFFFFEC00  }
0xd7: {  	_ =	swait.ge [sflag:s25], $0x140  }
0xd8: {  	[sflag:s25] =	ssyncset.done $0x0  }
0xd9: {  	[sflag:s25] =	ssyncadd.s32 $0xFFFFFEC0  }
0xda: {  	_ =	swait.ge [sflag:s22], $0x1400  }
0xdb: {  	[sflag:s22] =	ssyncset.done $0x0  }
0xdc: {  	[sflag:s22] =	ssyncadd.s32 $0xFFFFEC00  }
0xdd: {  	_ =	swait.ge [sflag:s23], $0x140  }
0xde: {  	[sflag:s23] =	ssyncset.done $0x0  }
0xdf: {  	[sflag:s23] =	ssyncadd.s32 $0xFFFFFEC0  }
0xe0: {  	_ =	swait.ge [sflag:s24], $0x1400  }
0xe1: {  	[sflag:s24] =	ssyncset.done $0x0  }
0xe2: {  	[sflag:s24] =	ssyncadd.s32 $0xFFFFEC00  }
0xe3: {  	_ =	swait.ge [sflag:s25], $0x140  }
0xe4: {  	[sflag:s25] =	ssyncset.done $0x0  }
0xe5: {  	[sflag:s25] =	ssyncadd.s32 $0xFFFFFEC0  }
0xe6: {  	_ =	swait.ge [sflag:s22], $0x1400  }
0xe7: {  	[sflag:s22] =	ssyncset.done $0x0  }
0xe8: {  	[sflag:s22] =	ssyncadd.s32 $0xFFFFEC00  }
0xe9: {  	_ =	swait.ge [sflag:s23], $0x140  }
0xea: {  	[sflag:s23] =	ssyncset.done $0x0  }
0xeb: {  	[sflag:s23] =	ssyncadd.s32 $0xFFFFFEC0  }
0xec: {  	_ =	swait.ge [sflag:s24], $0x1400  }
0xed: {  	[sflag:s24] =	ssyncset.done $0x0  }
0xee: {  	[sflag:s24] =	ssyncadd.s32 $0xFFFFEC00  }
0xef: {  	_ =	swait.ge [sflag:s25], $0x140  }
0xf0: {  	[sflag:s25] =	ssyncset.done $0x0  }
0xf1: {  	[sflag:s25] =	ssyncadd.s32 $0xFFFFFEC0  }
0xf2: {  	_ =	swait.ge [sflag:s26], $0x2710  }
0xf3: {  	[sflag:s26] =	ssyncset.done $0x0  }
0xf4: {  	[sflag:s26] =	ssyncadd.s32 $0xFFFFD8F0  }
0xf5: {  	_ =	swait.ge [sflag:s20], $0x2710  }
0xf6: {  	[sflag:s20] =	ssyncset.done $0x0  }
0xf7: {  	[sflag:s20] =	ssyncadd.s32 $0xFFFFD8F0  }
0xf8: {  	[bflag:$0x0] =	sbarrier.arrive $0xFFFF  }
0xf9: {  	[tilespmem:s18], [sflag:$0x1] =	stream.indirect.gather [hbm4b:s1+s28], $0x80, s11, s28, $0xb8;
	[tilespmem:$0x1F4A0] =	vst v63  }
0xfa: {  	_ = 	snop  }
0xfb: {  	[tilespmem:s29], [sflag:$0x2] =	stream.indirect.gather [hbm4b:s1+s28], $0x80, s28, s28, $0xb8;
	[tilespmem:$0x1F4A0] =	vst v63  }
0xfc: {  	s11 =	simm.s32 $0x50  }
0xfd: {  	[tilespmem:s30], [sflag:$0x3] =	stream.indirect.gather [hbm4b:s1+s28], $0x80, s11, s28, $0xb8;
	[tilespmem:$0x1F4A0] =	vst v63  }
0xfe: {  	_ =	swait.ge [sflag:s22], $0x1400  }
0xff: {  	[sflag:s22] =	ssyncset.done $0x0  }
0x100: {  	[sflag:s22] =	ssyncadd.s32 $0xFFFFEC00  }
0x101: {  	[spmem:s3] =	stream.indirect.scatter.add.f32 [tilespmem:s18], [sflag:$0x5], $0x80, s21, s28, $0xb8;
	[tilespmem:$0x1F4A0] =	vst v63  }
0x102: {  	_ = 	snop  }
0x103: {  	[spmem:s4] =	stream.indirect.scatter.add.f32 [tilespmem:s31], [sflag:$0x9], $0x8, s21, s28, $0xb8;
	[tilespmem:$0x1F4A0] =	vst v63  }
0x104: {  	s16 =	simm.s32 $0x78  }
0x105: {  	[tilespmem:s2], [sflag:$0x4] =	stream.indirect.gather [hbm4b:s1+s28], $0x80, s16, s28, $0xb8;
	[tilespmem:$0x1F4A0] =	vst v63  }
0x106: {  	_ =	swait.ge [sflag:s24], $0x1400  }
0x107: {  	[sflag:s24] =	ssyncset.done $0x0  }
0x108: {  	s9 =	simm.s32 $0x2738;
	[sflag:s24] =	ssyncadd.s32 $0xFFFFEC00  }
0x109: {  	[spmem:s3] =	stream.indirect.scatter.add.f32 [tilespmem:s29], [sflag:$0x6], $0x80, s9, s28, $0xb8;
	[tilespmem:$0x1F4A0] =	vst v63  }
0x10a: {  	_ = 	snop  }
0x10b: {  	[spmem:s4] =	stream.indirect.scatter.add.f32 [tilespmem:s31], [sflag:$0xA], $0x8, s9, s28, $0xb8;
	[tilespmem:$0x1F4A0] =	vst v63  }
0x10c: {  	_ =	swait.ge [sflag:s8], $0x1400  }
0x10d: {  	[sflag:s8] =	ssyncset.done $0x0  }
0x10e: {  	[sflag:s8] =	ssyncadd.s32 $0xFFFFEC00  }
0x10f: {  	_ =	swait.ge [sflag:s23], $0x140  }
0x110: {  	[sflag:s23] =	ssyncset.done $0x0  }
0x111: {  	s11 =	simm.s32 $0xA0;
	[sflag:s23] =	ssyncadd.s32 $0xFFFFFEC0  }
0x112: {  	[tilespmem:s18], [sflag:$0x1] =	stream.indirect.gather [hbm4b:s1+s28], $0x80, s11, s28, $0xb8;
	[tilespmem:$0x1F4A0] =	vst v63  }
0x113: {  	_ =	swait.ge [sflag:s26], $0x1400  }
0x114: {  	[sflag:s26] =	ssyncset.done $0x0  }
0x115: {  	s16 =	simm.s32 $0x2760;
	[sflag:s26] =	ssyncadd.s32 $0xFFFFEC00  }
0x116: {  	[spmem:s3] =	stream.indirect.scatter.add.f32 [tilespmem:s30], [sflag:$0x7], $0x80, s16, s28, $0xb8;
	[tilespmem:$0x1F4A0] =	vst v63  }
0x117: {  	_ = 	snop  }
0x118: {  	[spmem:s4] =	stream.indirect.scatter.add.f32 [tilespmem:s31], [sflag:$0xB], $0x8, s16, s28, $0xb8;
	[tilespmem:$0x1F4A0] =	vst v63  }
0x119: {  	_ =	swait.ge [sflag:s10], $0x1400  }
0x11a: {  	[sflag:s10] =	ssyncset.done $0x0  }
0x11b: {  	[sflag:s10] =	ssyncadd.s32 $0xFFFFEC00  }
0x11c: {  	_ =	swait.ge [sflag:s25], $0x140  }
0x11d: {  	[sflag:s25] =	ssyncset.done $0x0  }
0x11e: {  	s9 =	simm.s32 $0xC8;
	[sflag:s25] =	ssyncadd.s32 $0xFFFFFEC0  }
0x11f: {  	[tilespmem:s29], [sflag:$0x2] =	stream.indirect.gather [hbm4b:s1+s28], $0x80, s9, s28, $0xb8;
	[tilespmem:$0x1F4A0] =	vst v63  }
0x120: {  	_ =	swait.ge [sflag:s20], $0x1400  }
0x121: {  	[sflag:s20] =	ssyncset.done $0x0  }
0x122: {  	s11 =	simm.s32 $0x2788;
	[sflag:s20] =	ssyncadd.s32 $0xFFFFEC00  }
0x123: {  	[spmem:s3] =	stream.indirect.scatter.add.f32 [tilespmem:s2], [sflag:$0x8], $0x80, s11, s28, $0xb8;
	[tilespmem:$0x1F4A0] =	vst v63  }
0x124: {  	_ = 	snop  }
0x125: {  	[spmem:s4] =	stream.indirect.scatter.add.f32 [tilespmem:s31], [sflag:$0xC], $0x8, s11, s28, $0xb8;
	[tilespmem:$0x1F4A0] =	vst v63  }
0x126: {  	_ =	swait.ge [sflag:s12], $0x1400  }
0x127: {  	[sflag:s12] =	ssyncset.done $0x0  }
0x128: {  	[sflag:s12] =	ssyncadd.s32 $0xFFFFEC00  }
0x129: {  	_ =	swait.ge [sflag:s13], $0x140  }
0x12a: {  	[sflag:s13] =	ssyncset.done $0x0  }
0x12b: {  	s16 =	simm.s32 $0xF0;
	[sflag:s13] =	ssyncadd.s32 $0xFFFFFEC0  }
0x12c: {  	[tilespmem:s30], [sflag:$0x3] =	stream.indirect.gather [hbm4b:s1+s28], $0x80, s16, s28, $0xb8;
	[tilespmem:$0x1F4A0] =	vst v63  }
0x12d: {  	_ =	swait.ge [sflag:s22], $0x1400  }
0x12e: {  	[sflag:s22] =	ssyncset.done $0x0  }
0x12f: {  	s9 =	simm.s32 $0x27B0;
	[sflag:s22] =	ssyncadd.s32 $0xFFFFEC00  }
0x130: {  	[spmem:s3] =	stream.indirect.scatter.add.f32 [tilespmem:s18], [sflag:$0x5], $0x80, s9, s28, $0xb8;
	[tilespmem:$0x1F4A0] =	vst v63  }
0x131: {  	_ = 	snop  }
0x132: {  	[spmem:s4] =	stream.indirect.scatter.add.f32 [tilespmem:s31], [sflag:$0x9], $0x8, s9, s28, $0xb8;
	[tilespmem:$0x1F4A0] =	vst v63  }
0x133: {  	_ =	swait.ge [sflag:s14], $0x1400  }
0x134: {  	[sflag:s14] =	ssyncset.done $0x0  }
0x135: {  	[sflag:s14] =	ssyncadd.s32 $0xFFFFEC00  }
0x136: {  	_ =	swait.ge [sflag:s15], $0x140  }
0x137: {  	[sflag:s15] =	ssyncset.done $0x0  }
0x138: {  	s11 =	simm.s32 $0x118;
	[sflag:s15] =	ssyncadd.s32 $0xFFFFFEC0  }
0x139: {  	[tilespmem:s2], [sflag:$0x4] =	stream.indirect.gather [hbm4b:s1+s28], $0x80, s11, s28, $0xb8;
	[tilespmem:$0x1F4A0] =	vst v63  }
0x13a: {  	_ =	swait.ge [sflag:s24], $0x1400  }
0x13b: {  	[sflag:s24] =	ssyncset.done $0x0  }
0x13c: {  	s16 =	simm.s32 $0x27D8;
	[sflag:s24] =	ssyncadd.s32 $0xFFFFEC00  }
0x13d: {  	[spmem:s3] =	stream.indirect.scatter.add.f32 [tilespmem:s29], [sflag:$0x6], $0x80, s16, s28, $0xb8;
	[tilespmem:$0x1F4A0] =	vst v63  }
0x13e: {  	_ = 	snop  }
0x13f: {  	[spmem:s4] =	stream.indirect.scatter.add.f32 [tilespmem:s31], [sflag:$0xA], $0x8, s16, s28, $0xb8;
	[tilespmem:$0x1F4A0] =	vst v63  }
0x140: {  	_ =	swait.ge [sflag:s8], $0x1400  }
0x141: {  	[sflag:s8] =	ssyncset.done $0x0  }
0x142: {  	[sflag:s8] =	ssyncadd.s32 $0xFFFFEC00  }
0x143: {  	_ =	swait.ge [sflag:s23], $0x140  }
0x144: {  	[sflag:s23] =	ssyncset.done $0x0  }
0x145: {  	s9 =	simm.s32 $0x140;
	[sflag:s23] =	ssyncadd.s32 $0xFFFFFEC0  }
0x146: {  	[tilespmem:s18], [sflag:$0x1] =	stream.indirect.gather [hbm4b:s1+s28], $0x80, s9, s28, $0xb8;
	[tilespmem:$0x1F4A0] =	vst v63  }
0x147: {  	_ =	swait.ge [sflag:s26], $0x1400  }
0x148: {  	[sflag:s26] =	ssyncset.done $0x0  }
0x149: {  	s11 =	simm.s32 $0x2800;
	[sflag:s26] =	ssyncadd.s32 $0xFFFFEC00  }
0x14a: {  	[spmem:s3] =	stream.indirect.scatter.add.f32 [tilespmem:s30], [sflag:$0x7], $0x80, s11, s28, $0xb8;
	[tilespmem:$0x1F4A0] =	vst v63  }
0x14b: {  	_ = 	snop  }
0x14c: {  	[spmem:s4] =	stream.indirect.scatter.add.f32 [tilespmem:s31], [sflag:$0xB], $0x8, s11, s28, $0xb8;
	[tilespmem:$0x1F4A0] =	vst v63  }
0x14d: {  	_ =	swait.ge [sflag:s10], $0x1400  }
0x14e: {  	[sflag:s10] =	ssyncset.done $0x0  }
0x14f: {  	[sflag:s10] =	ssyncadd.s32 $0xFFFFEC00  }
0x150: {  	_ =	swait.ge [sflag:s25], $0x140  }
0x151: {  	[sflag:s25] =	ssyncset.done $0x0  }
0x152: {  	s16 =	simm.s32 $0x168;
	[sflag:s25] =	ssyncadd.s32 $0xFFFFFEC0  }
0x153: {  	[tilespmem:s29], [sflag:$0x2] =	stream.indirect.gather [hbm4b:s1+s28], $0x80, s16, s28, $0xb8;
	[tilespmem:$0x1F4A0] =	vst v63  }
0x154: {  	_ =	swait.ge [sflag:s20], $0x1400  }
0x155: {  	[sflag:s20] =	ssyncset.done $0x0  }
0x156: {  	s0 =	simm.s32 $0x280;
	s9 =	simm.s32 $0x2828;
	[sflag:s20] =	ssyncadd.s32 $0xFFFFEC00  }
0x157: {  	[spmem:s3] =	stream.indirect.scatter.add.f32 [tilespmem:s2], [sflag:$0x8], $0x80, s9, s28, $0xb8;
	[tilespmem:$0x1F4A0] =	vst v63  }
.LBB2_4:
0x158: {  	[spmem:s4] =	stream.indirect.scatter.add.f32 [tilespmem:s31], [sflag:$0xC], $0x8, s9, s28, $0xb8;
	[tilespmem:$0x1F4A0] =	vst v63  }
0x159: {  	s9 =	smov.u32 s0  }
0x15a: {  	p0 =	sne.s32 s0, $0x9600;
	s0 =	sadd.s32 $0x280, s0;
	_ =	swait.ge [sflag:s12], $0x1400  }
0x15b: {  	[sflag:s12] =	ssyncset.done $0x0  }
0x15c: {  	[sflag:s12] =	ssyncadd.s32 $0xFFFFEC00  }
0x15d: {  	_ =	swait.ge [sflag:s13], $0x140  }
0x15e: {  	s9 =	sshra.s32 s9, $0x2;
	[sflag:s13] =	ssyncset.done $0x0  }
0x15f: {  	s11 =	sadd.s32 $0xF0, s9;
	[sflag:s13] =	ssyncadd.s32 $0xFFFFFEC0  }
0x160: {  	[tilespmem:s30], [sflag:$0x3] =	stream.indirect.gather [hbm4b:s1+s28], $0x80, s11, s28, $0xb8;
	[tilespmem:$0x1F4A0] =	vst v63  }
0x161: {  	_ =	swait.ge [sflag:s22], $0x1400  }
0x162: {  	[sflag:s22] =	ssyncset.done $0x0  }
0x163: {  	s11 =	sadd.s32 $0x27B0, s9;
	[sflag:s22] =	ssyncadd.s32 $0xFFFFEC00  }
0x164: {  	[spmem:s3] =	stream.indirect.scatter.add.f32 [tilespmem:s18], [sflag:$0x5], $0x80, s11, s28, $0xb8;
	[tilespmem:$0x1F4A0] =	vst v63  }
0x165: {  	_ = 	snop  }
0x166: {  	[spmem:s4] =	stream.indirect.scatter.add.f32 [tilespmem:s31], [sflag:$0x9], $0x8, s11, s28, $0xb8;
	[tilespmem:$0x1F4A0] =	vst v63  }
0x167: {  	_ =	swait.ge [sflag:s14], $0x1400  }
0x168: {  	[sflag:s14] =	ssyncset.done $0x0  }
0x169: {  	[sflag:s14] =	ssyncadd.s32 $0xFFFFEC00  }
0x16a: {  	_ =	swait.ge [sflag:s15], $0x140  }
0x16b: {  	[sflag:s15] =	ssyncset.done $0x0  }
0x16c: {  	s11 =	sadd.s32 $0x118, s9;
	[sflag:s15] =	ssyncadd.s32 $0xFFFFFEC0  }
0x16d: {  	[tilespmem:s2], [sflag:$0x4] =	stream.indirect.gather [hbm4b:s1+s28], $0x80, s11, s28, $0xb8;
	[tilespmem:$0x1F4A0] =	vst v63  }
0x16e: {  	_ =	swait.ge [sflag:s24], $0x1400  }
0x16f: {  	[sflag:s24] =	ssyncset.done $0x0  }
0x170: {  	s11 =	sadd.s32 $0x27D8, s9;
	[sflag:s24] =	ssyncadd.s32 $0xFFFFEC00  }
0x171: {  	[spmem:s3] =	stream.indirect.scatter.add.f32 [tilespmem:s29], [sflag:$0x6], $0x80, s11, s28, $0xb8;
	[tilespmem:$0x1F4A0] =	vst v63  }
0x172: {  	_ = 	snop  }
0x173: {  	[spmem:s4] =	stream.indirect.scatter.add.f32 [tilespmem:s31], [sflag:$0xA], $0x8, s11, s28, $0xb8;
	[tilespmem:$0x1F4A0] =	vst v63  }
0x174: {  	_ =	swait.ge [sflag:s8], $0x1400  }
0x175: {  	[sflag:s8] =	ssyncset.done $0x0  }
0x176: {  	[sflag:s8] =	ssyncadd.s32 $0xFFFFEC00  }
0x177: {  	_ =	swait.ge [sflag:s23], $0x140  }
0x178: {  	[sflag:s23] =	ssyncset.done $0x0  }
0x179: {  	s11 =	sadd.s32 $0x140, s9;
	[sflag:s23] =	ssyncadd.s32 $0xFFFFFEC0  }
0x17a: {  	[tilespmem:s18], [sflag:$0x1] =	stream.indirect.gather [hbm4b:s1+s28], $0x80, s11, s28, $0xb8;
	[tilespmem:$0x1F4A0] =	vst v63  }
0x17b: {  	_ =	swait.ge [sflag:s26], $0x1400  }
0x17c: {  	[sflag:s26] =	ssyncset.done $0x0  }
0x17d: {  	s11 =	sadd.s32 $0x2800, s9;
	[sflag:s26] =	ssyncadd.s32 $0xFFFFEC00  }
0x17e: {  	[spmem:s3] =	stream.indirect.scatter.add.f32 [tilespmem:s30], [sflag:$0x7], $0x80, s11, s28, $0xb8;
	[tilespmem:$0x1F4A0] =	vst v63  }
0x17f: {  	_ = 	snop  }
0x180: {  	[spmem:s4] =	stream.indirect.scatter.add.f32 [tilespmem:s31], [sflag:$0xB], $0x8, s11, s28, $0xb8;
	[tilespmem:$0x1F4A0] =	vst v63  }
0x181: {  	_ =	swait.ge [sflag:s10], $0x1400  }
0x182: {  	[sflag:s10] =	ssyncset.done $0x0  }
0x183: {  	[sflag:s10] =	ssyncadd.s32 $0xFFFFEC00  }
0x184: {  	_ =	swait.ge [sflag:s25], $0x140  }
0x185: {  	[sflag:s25] =	ssyncset.done $0x0  }
0x186: {  	s11 =	sadd.s32 $0x168, s9;
	[sflag:s25] =	ssyncadd.s32 $0xFFFFFEC0  }
0x187: {  	[tilespmem:s29], [sflag:$0x2] =	stream.indirect.gather [hbm4b:s1+s28], $0x80, s11, s28, $0xb8;
	[tilespmem:$0x1F4A0] =	vst v63  }
.Ltmp1:
0x188: {  	_ = 	snop;
	(pc) =	sbr.rel @p0 .LBB2_4-.Ltmp1, $4  }
0x189: {  	_ =	swait.ge [sflag:s20], $0x1400  }
0x18a: {  	[sflag:s20] =	ssyncset.done $0x0  }
0x18b: {  	s9 =	sadd.s32 $0x2828, s9;
	[sflag:s20] =	ssyncadd.s32 $0xFFFFEC00  }
0x18c: {  	[spmem:s3] =	stream.indirect.scatter.add.f32 [tilespmem:s2], [sflag:$0x8], $0x80, s9, s28, $0xb8;
	[tilespmem:$0x1F4A0] =	vst v63  }
0x18d: {  	[spmem:s4] =	stream.indirect.scatter.add.f32 [tilespmem:s31], [sflag:$0xC], $0x8, s9, s28, $0xb8;
	[tilespmem:$0x1F4A0] =	vst v63  }
0x18e: {  	_ =	swait.ge [sflag:s12], $0x1400  }
0x18f: {  	[sflag:s12] =	ssyncset.done $0x0  }
0x190: {  	[sflag:s12] =	ssyncadd.s32 $0xFFFFEC00  }
0x191: {  	_ =	swait.ge [sflag:s13], $0x140  }
0x192: {  	[sflag:s13] =	ssyncset.done $0x0  }
0x193: {  	[sflag:s13] =	ssyncadd.s32 $0xFFFFFEC0  }
0x194: {  	_ =	swait.ge [sflag:s14], $0x1400  }
0x195: {  	[sflag:s14] =	ssyncset.done $0x0  }
0x196: {  	[sflag:s14] =	ssyncadd.s32 $0xFFFFEC00  }
0x197: {  	_ =	swait.ge [sflag:s15], $0x140  }
0x198: {  	[sflag:s15] =	ssyncset.done $0x0  }
0x199: {  	[sflag:s15] =	ssyncadd.s32 $0xFFFFFEC0  }
0x19a: {  	_ =	swait.ge [sflag:s22], $0x1400  }
0x19b: {  	[sflag:s22] =	ssyncset.done $0x0  }
0x19c: {  	s0 =	simm.s32 $0x4DD0;
	[sflag:s22] =	ssyncadd.s32 $0xFFFFEC00  }
0x19d: {  	[spmem:s3] =	stream.indirect.scatter.add.f32 [tilespmem:s18], [sflag:$0x5], $0x80, s0, s28, $0xb8;
	[tilespmem:$0x1F4A0] =	vst v63  }
0x19e: {  	_ = 	snop  }
0x19f: {  	[spmem:s4] =	stream.indirect.scatter.add.f32 [tilespmem:s31], [sflag:$0x9], $0x8, s0, s28, $0xb8;
	[tilespmem:$0x1F4A0] =	vst v63  }
0x1a0: {  	_ =	swait.ge [sflag:s24], $0x1400  }
0x1a1: {  	[sflag:s24] =	ssyncset.done $0x0  }
0x1a2: {  	[sflag:s24] =	ssyncadd.s32 $0xFFFFEC00  }
0x1a3: {  	[spmem:s3] =	stream.indirect.scatter.add.f32 [tilespmem:s29], [sflag:$0x6], $0x80, s17, s28, $0xb8;
	[tilespmem:$0x1F4A0] =	vst v63  }
0x1a4: {  	_ = 	snop  }
0x1a5: {  	[spmem:s4] =	stream.indirect.scatter.add.f32 [tilespmem:s31], [sflag:$0xA], $0x8, s17, s28, $0xb8;
	[tilespmem:$0x1F4A0] =	vst v63  }
0x1a6: {  	_ =	swait.ge [sflag:s8], $0x1400  }
0x1a7: {  	[sflag:s8] =	ssyncset.done $0x0  }
0x1a8: {  	[sflag:s8] =	ssyncadd.s32 $0xFFFFEC00  }
0x1a9: {  	_ =	swait.ge [sflag:s23], $0x140  }
0x1aa: {  	[sflag:s23] =	ssyncset.done $0x0  }
0x1ab: {  	[sflag:s23] =	ssyncadd.s32 $0xFFFFFEC0  }
0x1ac: {  	_ =	swait.ge [sflag:s10], $0x1400  }
0x1ad: {  	[sflag:s10] =	ssyncset.done $0x0  }
0x1ae: {  	[sflag:s10] =	ssyncadd.s32 $0xFFFFEC00  }
0x1af: {  	_ =	swait.ge [sflag:s25], $0x140  }
0x1b0: {  	[sflag:s25] =	ssyncset.done $0x0  }
0x1b1: {  	[sflag:s25] =	ssyncadd.s32 $0xFFFFFEC0  }
0x1b2: {  	[bflag:$0x0] =	sbarrier.arrive $0xFFFF  }
0x1b3: {  	s11 =	stileid.u32;
	s16 =	sld [smem:$0x7FA]  }
0x1b4: {  	s0 =	sshll.u32 s11, $0x6  }
0x1b5: {  	s11 =	sshrl.u32 s6, $0x3;
	s9 =	sor.u32 $0x1C01, s0  }
0x1b6: {  	[hbm:s16], [sflag:s9] =	dma.local [spmem:s11], $0x2800  }
0x1b7: {  	s11 =	sld [smem:$0x7FB];
	_ =	sdelay $0x1  }
0x1b8: {  	s0 =	sor.u32 $0x1C02, s0;
	s9 =	sshrl.u32 s7, $0x3;
	s16 =	simm.s32 $0x10  }
0x1b9: {  	[hbm:s11@s16], [sflag:s0] =	dma.strided [spmem:s9@s22], $0x280, s22, $0x1   }
0x1ba: {  	_ =	swait.ge [sflag:s22], $0x2800  }
0x1bb: {  	[sflag:s22] =	ssyncset.done $0x0  }
0x1bc: {  	[sflag:s22] =	ssyncadd.s32 $0xFFFFD800  }
0x1bd: {  	_ =	swait.ge [sflag:s24], $0x280  }
0x1be: {  	s16 =	sld [smem:$0x7FC];
	_ =	sdelay $0x1  }
0x1bf: {  	s5 =	sadd.s32 $0x1, s5  }
0x1c0: {  	p0 =	sne.s32 s5, s16  }
.Ltmp2:
0x1c1: {  	_ = 	snop;
	(pc) =	sbr.rel @p0 .LBB2_1-.Ltmp2, $3  }
0x1c2: {  	_ =	sdelay $0x1  }
0x1c3: {  	[sflag:s24] =	ssyncset.done $0x0  }
0x1c4: {  	[sflag:s24] =	ssyncadd.s32 $0xFFFFFD80  }
0x1c5: {  	_ =	sfence.sel $0x180000  }
0x1c6: {  	[bflag:$0x0] =	sbarrier.arrive $0xFFFF  }
0x1c7: {  	_ =	strace $0x90000047  }
0x1c8: {  	s0 =	stileid.u32;
	[bflag:$0x2] =	sbarrier.arrive $0xFFFF  }
0x1c9: {  	p0 =	sne.s32 s0, $0x0;
	s0 =	rddreg [dreg:$0x5]  }
0x1ca: {  	s0 =	sadd.s32 @!p0 $0x100000, s0  }
0x1cb: {  	[sflag:s0] =	ssyncadd.tile.s32 @!p0 $0x1;
	_ =	shalt  }
.Lfunc_end2:
_tile_overlayer_lowered:
.L_overlay_start_2:
0x1cc: {  	(tag) =	ssettag $0x2  }
0x1cd: {  	s0 =	rddreg [dreg:$0x0];
	s2 =	stileid.u32  }
0x1ce: {  	s1 =	rddreg [dreg:$0x1];
	p0 =	sne.s32 s2, $0x0  }
0x1cf: {  	s3 =	rddreg [dreg:$0x2];
	[bflag:$0x3] =	sbarrier.arrive $0xFFFF;
	s2 =	simm.s32 @!p0 $0x1C0D  }
0x1d0: {  	[timem:s3], [sflag:s2] =	dma.local @!p0 [hbm:s0], s1  }
0x1d1: {  	s0 =	simm.s32 @!p0 $0xD  }
0x1d2: {  	_ =	swait.ge @!p0 [sflag:s0], s1  }
0x1d3: {  	s1 =	ssub.s32 @!p0 $0x0, s1;
	[sflag:s0] =	ssyncset.done @!p0 $0x0  }
0x1d4: {  	[sflag:s0] =	ssyncadd.s32 @!p0 s1  }
0x1d5: {  	[bflag:$0x3] =	sbarrier.arrive $0xFFFF  }
0x1d6: {  	_ =	shalt  }

</sc_bundles>
